<compile_context>
chip_gen: v7x
topology: tpu7x:2x2x1
jax: 0.10.2.dev20260603
libtpu: 0.0.44.dev20260713+nightly
codegen_flags: <defaults>
</compile_context>

<pallas_src>
import jax
import jax.numpy as jnp
from jax import lax
from jax.experimental import pallas as pl
from jax.experimental.pallas import tpu as pltpu
from jax.experimental.pallas import tpu_sc as plsc

NC = 2
NS = 16
NW = NC * NS
LANES = 16

B, C, H, W = 4, 96, 512, 512
P = B * H * W
PW = P // NW
CHUNK = 4096
NCHUNK = PW // CHUNK
HW = H * W
LOG2_HW = 18


def _sc_body(z_hbm, l_hbm, lp_hbm, cond_hbm, out_hbm,
             l_v, lp_v, c_v, ig_v, ib_v, g_v, b_v, acc_v,
             sem_in0, sem_in1, sem_g0, sem_g1):
    wid = lax.axis_index("s") * NC + lax.axis_index("c")
    base = wid * PW
    iota = lax.iota(jnp.int32, LANES)
    sem_in = (sem_in0, sem_in1)
    sem_g = (sem_g0, sem_g1)

    def start_in(k):
        u = k % 2
        off = base + k * CHUNK
        return (
            pltpu.async_copy(l_hbm.at[pl.ds(off, CHUNK)], l_v[u], sem_in[u]),
            pltpu.async_copy(lp_hbm.at[pl.ds(off, CHUNK)], lp_v[u], sem_in[u]),
            pltpu.async_copy(cond_hbm.at[pl.ds(off, CHUNK)], c_v[u], sem_in[u]),
        )

    def do_idx(k):
        u = k % 2
        off = base + k * CHUNK

        @plsc.parallel_loop(0, CHUNK // LANES, unroll=8)
        def _(j):
            s = pl.ds(j * LANES, LANES)
            lv = l_v[u][s]
            lpv = lp_v[u][s]
            cv = c_v[u][s]
            p = (off + j * LANES) + iota
            bb = lax.shift_right_logical(p, LOG2_HW)
            pos = p + bb * ((C - 1) * HW)
            ig = pos + lax.shift_left(lv, LOG2_HW)
            ib = pos + lax.shift_left(lpv, LOG2_HW)
            ib = jnp.where(cv != 0, ib, ig)
            ig_v[u][s] = ig
            ib_v[u][s] = ib

    def start_g(k):
        u = k % 2
        return (
            pltpu.async_copy(z_hbm.at[ig_v[u]], g_v[u], sem_g[u]),
            pltpu.async_copy(z_hbm.at[ib_v[u]], b_v[u], sem_g[u]),
        )

    def do_acc(k, acc):
        u = k % 2

        @plsc.parallel_loop(0, CHUNK // LANES, unroll=8, carry=acc)
        def acc2(j, a):
            s = pl.ds(j * LANES, LANES)
            return a + (g_v[u][s] - b_v[u][s])

        return acc2

    acc = jnp.zeros((LANES,), jnp.float32)
    ins = [None] * (NCHUNK + 1)
    gs = [None] * (NCHUNK + 1)
    ins[0] = start_in(0)
    for d in ins[0]:
        d.wait()
    do_idx(0)
    ins[1] = start_in(1)
    gs[0] = start_g(0)
    for k in range(NCHUNK):
        if k + 1 < NCHUNK:
            for d in ins[k + 1]:
                d.wait()
            do_idx(k + 1)
            if k + 2 < NCHUNK:
                ins[k + 2] = start_in(k + 2)
            gs[k + 1] = start_g(k + 1)
        for d in gs[k]:
            d.wait()
        acc = do_acc(k, acc)

    acc_v[...] = acc
    pltpu.sync_copy(acc_v, out_hbm.at[wid])


def _reduce_body(x_ref, o_ref):
    o_ref[0, 0] = jnp.sum(x_ref[...])


def _phys_view(x):
    s = x.shape[:-2]
    n = len(s)
    x6 = x.reshape(*s, H // 8, 8, W // 128, 128)
    return jnp.transpose(x6, tuple(range(n)) + (n, n + 2, n + 1, n + 3)
                         ).reshape(-1)


@jax.jit
def kernel(z, condition, l, l_prime):
    z_flat = _phys_view(z)
    l_i = _phys_view(l.astype(jnp.int32))
    lp_i = _phys_view(l_prime.astype(jnp.int32))
    c_i = _phys_view(condition.astype(jnp.int32))

    mesh = plsc.VectorSubcoreMesh(
        core_axis_name="c", subcore_axis_name="s",
        num_cores=NC, num_subcores=NS)
    partials = pl.kernel(
        _sc_body,
        out_type=jax.ShapeDtypeStruct((NW, LANES), jnp.float32),
        mesh=mesh,
        scratch_types=[
            [pltpu.VMEM((CHUNK,), jnp.int32)] * 2,
            [pltpu.VMEM((CHUNK,), jnp.int32)] * 2,
            [pltpu.VMEM((CHUNK,), jnp.int32)] * 2,
            [pltpu.VMEM((CHUNK,), jnp.int32)] * 2,
            [pltpu.VMEM((CHUNK,), jnp.int32)] * 2,
            [pltpu.VMEM((CHUNK,), jnp.float32)] * 2,
            [pltpu.VMEM((CHUNK,), jnp.float32)] * 2,
            pltpu.VMEM((LANES,), jnp.float32),
            pltpu.SemaphoreType.DMA,
            pltpu.SemaphoreType.DMA,
            pltpu.SemaphoreType.DMA,
            pltpu.SemaphoreType.DMA,
        ],
    )(z_flat, l_i, lp_i, c_i)

    loss = pl.pallas_call(
        _reduce_body,
        out_shape=jax.ShapeDtypeStruct((1, 1), jnp.float32),
        out_specs=pl.BlockSpec(memory_space=pltpu.SMEM),
    )(partials.reshape(4, 128))
    return loss[0, 0]

# --- scband reference (transcript-rebuilt; emitter-appended) ---
"""Pipeline reference for scband-adversarial-loss-50577534877849 (READ-ONLY COPY).

The authoritative reference and input builder live on the scoring server;
editing this copy changes nothing except your own understanding.
"""

import jax, jax.numpy as jnp
import numpy as np


def setup_inputs(seed: int = 0) -> dict:
    key = jax.random.key(seed)
    k1, k2, k3, k4 = jax.random.split(key, 4)
    z = jax.random.normal(k1, (4, 96, 512, 512), dtype=jnp.float32)
    condition = jax.random.randint(k2, (4, 512, 512), 0, 2).astype(jnp.bool_)
    l = jax.random.randint(k3, (4, 512, 512), 0, 96).astype(jnp.int64)
    l_prime = jax.random.randint(k4, (4, 512, 512), 0, 96).astype(jnp.int64)
    return {"z": z, "condition": condition, "l": l, "l_prime": l_prime}


def reference(z, condition, l, l_prime):
    # torch: indices = where(condition); z_good = z[b, l[b,h,w], h, w]; z_bad = z[b, l'[b,h,w], h, w]
    # loss = sum(z_good - z_bad) over selected positions.
    # Equivalent static-shape formulation: gather along channel dim, mask by condition, sum.
    z_good = jnp.take_along_axis(z, l[:, None, :, :], axis=1)[:, 0]
    z_bad = jnp.take_along_axis(z, l_prime[:, None, :, :], axis=1)[:, 0]
    diff = z_good - z_bad
    loss = jnp.sum(jnp.where(condition, diff, jnp.zeros_like(diff)))
    return loss

if __name__ == "__main__":
    import jax
    _d = setup_inputs()
    print(jax.jit(kernel)(*tuple(_d.values())))

</pallas_src>

<mosaic_0001>
#map = affine_map<(d0, d1) -> (0)>
#map1 = affine_map<(d0, d1) -> (0, 0)>
module attributes {stable_mosaic.version = 14 : i64} {
  func.func @_sc_body(%arg0: i32, %arg1: i32, %arg2: memref<100663296xf32, #tpu.memory_space<hbm>>, %arg3: memref<1048576xi32, #tpu.memory_space<hbm>>, %arg4: memref<1048576xi32, #tpu.memory_space<hbm>>, %arg5: memref<1048576xi32, #tpu.memory_space<hbm>>, %arg6: memref<32x16xf32, #tpu.memory_space<hbm>>, %arg7: memref<4096xi32, #tpu.memory_space<vmem>>, %arg8: memref<4096xi32, #tpu.memory_space<vmem>>, %arg9: memref<4096xi32, #tpu.memory_space<vmem>>, %arg10: memref<4096xi32, #tpu.memory_space<vmem>>, %arg11: memref<4096xi32, #tpu.memory_space<vmem>>, %arg12: memref<4096xi32, #tpu.memory_space<vmem>>, %arg13: memref<4096xi32, #tpu.memory_space<vmem>>, %arg14: memref<4096xi32, #tpu.memory_space<vmem>>, %arg15: memref<4096xi32, #tpu.memory_space<vmem>>, %arg16: memref<4096xi32, #tpu.memory_space<vmem>>, %arg17: memref<4096xf32, #tpu.memory_space<vmem>>, %arg18: memref<4096xf32, #tpu.memory_space<vmem>>, %arg19: memref<4096xf32, #tpu.memory_space<vmem>>, %arg20: memref<4096xf32, #tpu.memory_space<vmem>>, %arg21: memref<16xf32, #tpu.memory_space<vmem>>, %arg22: memref<!tpu.dma_semaphore, #tpu.memory_space<semaphore_mem>>, %arg23: memref<!tpu.dma_semaphore, #tpu.memory_space<semaphore_mem>>, %arg24: memref<!tpu.dma_semaphore, #tpu.memory_space<semaphore_mem>>, %arg25: memref<!tpu.dma_semaphore, #tpu.memory_space<semaphore_mem>>) attributes {dimension_semantics = [#tpu.dimension_semantics<core_parallel>, #tpu.dimension_semantics<subcore_parallel>], iteration_bounds = array<i64: 2, 16>, scalar_prefetch = 0 : i64, scratch_operands = 19 : i64, tpu.core_type = #tpu.core_type<sc_vector_subcore>, window_params = [{transform_indices = #map}, {transform_indices = #map}, {transform_indices = #map}, {transform_indices = #map}, {transform_indices = #map1}]} {
    %mul3A = arith.constant 2 : i32
    %mul3A_0 = arith.muli %arg1, %mul3A : i32
    %add3A = arith.addi %mul3A_0, %arg0 : i32
    %mul3A_1 = arith.constant 32768 : i32
    %mul3A_2 = arith.muli %add3A, %mul3A_1 : i32
    %iota3A = tpu.iota {dimensions = array<i32: 0>} : vector<16xi32>
    %broadcast_in_dim3A = arith.constant 0.000000e+00 : f32
    %broadcast_in_dim3A_3 = vector.broadcast %broadcast_in_dim3A : f32 to vector<16xf32>
    %add3A_4 = arith.constant 0 : i32
    %add3A_5 = arith.addi %mul3A_2, %add3A_4 : i32
    %dma_start3A = tpu.memref_slice %arg3[%add3A_5] : memref<1048576xi32, #tpu.memory_space<hbm>> -> memref<4096xi32, #tpu.memory_space<hbm>>
    %dma_start3A_6 = tpu.memref_slice %arg3[%add3A_5] : memref<1048576xi32, #tpu.memory_space<hbm>> -> memref<4096xi32, #tpu.memory_space<hbm>>
    tpu.enqueue_dma source(%dma_start3A_6 : memref<4096xi32, #tpu.memory_space<hbm>>) target(%arg7 : memref<4096xi32, #tpu.memory_space<vmem>>) target_semaphore(%arg22 : memref<!tpu.dma_semaphore, #tpu.memory_space<semaphore_mem>>)
    %dma_start3A_7 = tpu.memref_slice %arg4[%add3A_5] : memref<1048576xi32, #tpu.memory_space<hbm>> -> memref<4096xi32, #tpu.memory_space<hbm>>
    %dma_start3A_8 = tpu.memref_slice %arg4[%add3A_5] : memref<1048576xi32, #tpu.memory_space<hbm>> -> memref<4096xi32, #tpu.memory_space<hbm>>
    tpu.enqueue_dma source(%dma_start3A_8 : memref<4096xi32, #tpu.memory_space<hbm>>) target(%arg9 : memref<4096xi32, #tpu.memory_space<vmem>>) target_semaphore(%arg22 : memref<!tpu.dma_semaphore, #tpu.memory_space<semaphore_mem>>)
    %dma_start3A_9 = tpu.memref_slice %arg5[%add3A_5] : memref<1048576xi32, #tpu.memory_space<hbm>> -> memref<4096xi32, #tpu.memory_space<hbm>>
    %dma_start3A_10 = tpu.memref_slice %arg5[%add3A_5] : memref<1048576xi32, #tpu.memory_space<hbm>> -> memref<4096xi32, #tpu.memory_space<hbm>>
    tpu.enqueue_dma source(%dma_start3A_10 : memref<4096xi32, #tpu.memory_space<hbm>>) target(%arg11 : memref<4096xi32, #tpu.memory_space<vmem>>) target_semaphore(%arg22 : memref<!tpu.dma_semaphore, #tpu.memory_space<semaphore_mem>>)
    %dma_wait3A = tpu.memref_slice %arg3[%add3A_5] : memref<1048576xi32, #tpu.memory_space<hbm>> -> memref<4096xi32, #tpu.memory_space<hbm>>
    %dma_wait3A_11 = tpu.memref_slice %arg3[%add3A_5] : memref<1048576xi32, #tpu.memory_space<hbm>> -> memref<4096xi32, #tpu.memory_space<hbm>>
    tpu.wait_dma2 semaphore(%arg22 : memref<!tpu.dma_semaphore, #tpu.memory_space<semaphore_mem>>) src(%dma_wait3A_11 : memref<4096xi32, #tpu.memory_space<hbm>>) dst(%arg7 : memref<4096xi32, #tpu.memory_space<vmem>>)
    %dma_wait3A_12 = tpu.memref_slice %arg4[%add3A_5] : memref<1048576xi32, #tpu.memory_space<hbm>> -> memref<4096xi32, #tpu.memory_space<hbm>>
    %dma_wait3A_13 = tpu.memref_slice %arg4[%add3A_5] : memref<1048576xi32, #tpu.memory_space<hbm>> -> memref<4096xi32, #tpu.memory_space<hbm>>
    tpu.wait_dma2 semaphore(%arg22 : memref<!tpu.dma_semaphore, #tpu.memory_space<semaphore_mem>>) src(%dma_wait3A_13 : memref<4096xi32, #tpu.memory_space<hbm>>) dst(%arg9 : memref<4096xi32, #tpu.memory_space<vmem>>)
    %dma_wait3A_14 = tpu.memref_slice %arg5[%add3A_5] : memref<1048576xi32, #tpu.memory_space<hbm>> -> memref<4096xi32, #tpu.memory_space<hbm>>
    %dma_wait3A_15 = tpu.memref_slice %arg5[%add3A_5] : memref<1048576xi32, #tpu.memory_space<hbm>> -> memref<4096xi32, #tpu.memory_space<hbm>>
    tpu.wait_dma2 semaphore(%arg22 : memref<!tpu.dma_semaphore, #tpu.memory_space<semaphore_mem>>) src(%dma_wait3A_15 : memref<4096xi32, #tpu.memory_space<hbm>>) dst(%arg11 : memref<4096xi32, #tpu.memory_space<vmem>>)
    %add3A_16 = arith.constant 0 : i32
    %add3A_17 = arith.addi %mul3A_2, %add3A_16 : i32
    %parallel_loop3A = arith.constant 0 : i32
    %parallel_loop3A_18 = arith.constant 256 : i32
    %parallel_loop3A_19 = arith.constant 1 : i32
    scf.for %parallel_loop3A_252 = %parallel_loop3A to %parallel_loop3A_18 step %parallel_loop3A_19  : i32 {
      %parallel_loop3A_253 = arith.constant 16 : i32
      %parallel_loop3A_254 = arith.muli %parallel_loop3A_252, %parallel_loop3A_253 : i32
      %parallel_loop3A_255 = arith.index_cast %parallel_loop3A_254 : i32 to index
      %parallel_loop3A_256 = tpu.vector_load %arg7[%parallel_loop3A_255] {strides = array<i32>} : memref<4096xi32, #tpu.memory_space<vmem>>, vector<16xi32>,
      %parallel_loop3A_257 = vector.shape_cast %parallel_loop3A_256 : vector<16xi32> to vector<16xi32>
      %parallel_loop3A_258 = arith.index_cast %parallel_loop3A_254 : i32 to index
      %parallel_loop3A_259 = tpu.vector_load %arg9[%parallel_loop3A_258] {strides = array<i32>} : memref<4096xi32, #tpu.memory_space<vmem>>, vector<16xi32>,
      %parallel_loop3A_260 = vector.shape_cast %parallel_loop3A_259 : vector<16xi32> to vector<16xi32>
      %parallel_loop3A_261 = arith.index_cast %parallel_loop3A_254 : i32 to index
      %parallel_loop3A_262 = tpu.vector_load %arg11[%parallel_loop3A_261] {strides = array<i32>} : memref<4096xi32, #tpu.memory_space<vmem>>, vector<16xi32>,
      %parallel_loop3A_263 = vector.shape_cast %parallel_loop3A_262 : vector<16xi32> to vector<16xi32>
      %parallel_loop3A_264 = arith.constant 16 : i32
      %parallel_loop3A_265 = arith.muli %parallel_loop3A_252, %parallel_loop3A_264 : i32
      %parallel_loop3A_266 = arith.addi %add3A_17, %parallel_loop3A_265 : i32
      %parallel_loop3A_267 = vector.broadcast %parallel_loop3A_266 : i32 to vector<16xi32>
      %parallel_loop3A_268 = arith.addi %parallel_loop3A_267, %iota3A : vector<16xi32>
      %parallel_loop3A_269 = arith.constant 18 : i32
      %parallel_loop3A_270 = vector.broadcast %parallel_loop3A_269 : i32 to vector<16xi32>
      %parallel_loop3A_271 = arith.shrui %parallel_loop3A_268, %parallel_loop3A_270 : vector<16xi32>
      %parallel_loop3A_272 = arith.constant 24903680 : i32
      %parallel_loop3A_273 = vector.broadcast %parallel_loop3A_272 : i32 to vector<16xi32>
      %parallel_loop3A_274 = arith.muli %parallel_loop3A_271, %parallel_loop3A_273 : vector<16xi32>
      %parallel_loop3A_275 = arith.addi %parallel_loop3A_268, %parallel_loop3A_274 : vector<16xi32>
      %parallel_loop3A_276 = arith.constant 18 : i32
      %parallel_loop3A_277 = vector.broadcast %parallel_loop3A_276 : i32 to vector<16xi32>
      %parallel_loop3A_278 = arith.shli %parallel_loop3A_257, %parallel_loop3A_277 : vector<16xi32>
      %parallel_loop3A_279 = arith.addi %parallel_loop3A_275, %parallel_loop3A_278 : vector<16xi32>
      %parallel_loop3A_280 = arith.constant 18 : i32
      %parallel_loop3A_281 = vector.broadcast %parallel_loop3A_280 : i32 to vector<16xi32>
      %parallel_loop3A_282 = arith.shli %parallel_loop3A_260, %parallel_loop3A_281 : vector<16xi32>
      %parallel_loop3A_283 = arith.addi %parallel_loop3A_275, %parallel_loop3A_282 : vector<16xi32>
      %parallel_loop3A_284 = arith.constant 0 : i32
      %parallel_loop3A_285 = vector.broadcast %parallel_loop3A_284 : i32 to vector<16xi32>
      %parallel_loop3A_286 = arith.cmpi ne, %parallel_loop3A_263, %parallel_loop3A_285 : vector<16xi32>
      %parallel_loop3A_287 = arith.select %parallel_loop3A_286, %parallel_loop3A_283, %parallel_loop3A_279 : vector<16xi1>, vector<16xi32>
      %parallel_loop3A_288 = arith.index_cast %parallel_loop3A_254 : i32 to index
      %parallel_loop3A_289 = tpu.vector_load %arg13[%parallel_loop3A_288] {strides = array<i32>} : memref<4096xi32, #tpu.memory_space<vmem>>, vector<16xi32>,
      %parallel_loop3A_290 = vector.shape_cast %parallel_loop3A_289 : vector<16xi32> to vector<16xi32>
      %parallel_loop3A_291 = vector.shape_cast %parallel_loop3A_279 : vector<16xi32> to vector<16xi32>
      tpu.vector_store %arg13[%parallel_loop3A_288], %parallel_loop3A_291 {strides = array<i32>} : memref<4096xi32, #tpu.memory_space<vmem>>, vector<16xi32>,
      %parallel_loop3A_292 = arith.index_cast %parallel_loop3A_254 : i32 to index
      %parallel_loop3A_293 = tpu.vector_load %arg15[%parallel_loop3A_292] {strides = array<i32>} : memref<4096xi32, #tpu.memory_space<vmem>>, vector<16xi32>,
      %parallel_loop3A_294 = vector.shape_cast %parallel_loop3A_293 : vector<16xi32> to vector<16xi32>
      %parallel_loop3A_295 = vector.shape_cast %parallel_loop3A_287 : vector<16xi32> to vector<16xi32>
      tpu.vector_store %arg15[%parallel_loop3A_292], %parallel_loop3A_295 {strides = array<i32>} : memref<4096xi32, #tpu.memory_space<vmem>>, vector<16xi32>,
    } {sc.loop_unroll_factor = 8 : i64, sc.parallel_access}
    %add3A_20 = arith.constant 4096 : i32
    %add3A_21 = arith.addi %mul3A_2, %add3A_20 : i32
    %dma_start3A_22 = tpu.memref_slice %arg3[%add3A_21] : memref<1048576xi32, #tpu.memory_space<hbm>> -> memref<4096xi32, #tpu.memory_space<hbm>>
    %dma_start3A_23 = tpu.memref_slice %arg3[%add3A_21] : memref<1048576xi32, #tpu.memory_space<hbm>> -> memref<4096xi32, #tpu.memory_space<hbm>>
    tpu.enqueue_dma source(%dma_start3A_23 : memref<4096xi32, #tpu.memory_space<hbm>>) target(%arg8 : memref<4096xi32, #tpu.memory_space<vmem>>) target_semaphore(%arg23 : memref<!tpu.dma_semaphore, #tpu.memory_space<semaphore_mem>>)
    %dma_start3A_24 = tpu.memref_slice %arg4[%add3A_21] : memref<1048576xi32, #tpu.memory_space<hbm>> -> memref<4096xi32, #tpu.memory_space<hbm>>
    %dma_start3A_25 = tpu.memref_slice %arg4[%add3A_21] : memref<1048576xi32, #tpu.memory_space<hbm>> -> memref<4096xi32, #tpu.memory_space<hbm>>
    tpu.enqueue_dma source(%dma_start3A_25 : memref<4096xi32, #tpu.memory_space<hbm>>) target(%arg10 : memref<4096xi32, #tpu.memory_space<vmem>>) target_semaphore(%arg23 : memref<!tpu.dma_semaphore, #tpu.memory_space<semaphore_mem>>)
    %dma_start3A_26 = tpu.memref_slice %arg5[%add3A_21] : memref<1048576xi32, #tpu.memory_space<hbm>> -> memref<4096xi32, #tpu.memory_space<hbm>>
    %dma_start3A_27 = tpu.memref_slice %arg5[%add3A_21] : memref<1048576xi32, #tpu.memory_space<hbm>> -> memref<4096xi32, #tpu.memory_space<hbm>>
    tpu.enqueue_dma source(%dma_start3A_27 : memref<4096xi32, #tpu.memory_space<hbm>>) target(%arg12 : memref<4096xi32, #tpu.memory_space<vmem>>) target_semaphore(%arg23 : memref<!tpu.dma_semaphore, #tpu.memory_space<semaphore_mem>>)
    %dma_start3A_28 = arith.constant 0 : i32
    %dma_start3A_29 = tpu.memref_slice %arg2[%dma_start3A_28] : memref<100663296xf32, #tpu.memory_space<hbm>> -> memref<100663296xf32, #tpu.memory_space<hbm>>
    tpu.enqueue_indirect_dma source(%dma_start3A_29 : memref<100663296xf32, #tpu.memory_space<hbm>>) target(%arg17 : memref<4096xf32, #tpu.memory_space<vmem>>) offsets(%arg13 : memref<4096xi32, #tpu.memory_space<vmem>>) semaphore(%arg24 : memref<!tpu.dma_semaphore, #tpu.memory_space<semaphore_mem>>)
    %dma_start3A_30 = arith.constant 0 : i32
    %dma_start3A_31 = tpu.memref_slice %arg2[%dma_start3A_30] : memref<100663296xf32, #tpu.memory_space<hbm>> -> memref<100663296xf32, #tpu.memory_space<hbm>>
    tpu.enqueue_indirect_dma source(%dma_start3A_31 : memref<100663296xf32, #tpu.memory_space<hbm>>) target(%arg19 : memref<4096xf32, #tpu.memory_space<vmem>>) offsets(%arg15 : memref<4096xi32, #tpu.memory_space<vmem>>) semaphore(%arg24 : memref<!tpu.dma_semaphore, #tpu.memory_space<semaphore_mem>>)
    %dma_wait3A_32 = tpu.memref_slice %arg3[%add3A_21] : memref<1048576xi32, #tpu.memory_space<hbm>> -> memref<4096xi32, #tpu.memory_space<hbm>>
    %dma_wait3A_33 = tpu.memref_slice %arg3[%add3A_21] : memref<1048576xi32, #tpu.memory_space<hbm>> -> memref<4096xi32, #tpu.memory_space<hbm>>
    tpu.wait_dma2 semaphore(%arg23 : memref<!tpu.dma_semaphore, #tpu.memory_space<semaphore_mem>>) src(%dma_wait3A_33 : memref<4096xi32, #tpu.memory_space<hbm>>) dst(%arg8 : memref<4096xi32, #tpu.memory_space<vmem>>)
    %dma_wait3A_34 = tpu.memref_slice %arg4[%add3A_21] : memref<1048576xi32, #tpu.memory_space<hbm>> -> memref<4096xi32, #tpu.memory_space<hbm>>
    %dma_wait3A_35 = tpu.memref_slice %arg4[%add3A_21] : memref<1048576xi32, #tpu.memory_space<hbm>> -> memref<4096xi32, #tpu.memory_space<hbm>>
    tpu.wait_dma2 semaphore(%arg23 : memref<!tpu.dma_semaphore, #tpu.memory_space<semaphore_mem>>) src(%dma_wait3A_35 : memref<4096xi32, #tpu.memory_space<hbm>>) dst(%arg10 : memref<4096xi32, #tpu.memory_space<vmem>>)
    %dma_wait3A_36 = tpu.memref_slice %arg5[%add3A_21] : memref<1048576xi32, #tpu.memory_space<hbm>> -> memref<4096xi32, #tpu.memory_space<hbm>>
    %dma_wait3A_37 = tpu.memref_slice %arg5[%add3A_21] : memref<1048576xi32, #tpu.memory_space<hbm>> -> memref<4096xi32, #tpu.memory_space<hbm>>
    tpu.wait_dma2 semaphore(%arg23 : memref<!tpu.dma_semaphore, #tpu.memory_space<semaphore_mem>>) src(%dma_wait3A_37 : memref<4096xi32, #tpu.memory_space<hbm>>) dst(%arg12 : memref<4096xi32, #tpu.memory_space<vmem>>)
    %add3A_38 = arith.constant 4096 : i32
    %add3A_39 = arith.addi %mul3A_2, %add3A_38 : i32
    %parallel_loop3A_40 = arith.constant 0 : i32
    %parallel_loop3A_41 = arith.constant 256 : i32
    %parallel_loop3A_42 = arith.constant 1 : i32
    scf.for %parallel_loop3A_252 = %parallel_loop3A_40 to %parallel_loop3A_41 step %parallel_loop3A_42  : i32 {
      %parallel_loop3A_253 = arith.constant 16 : i32
      %parallel_loop3A_254 = arith.muli %parallel_loop3A_252, %parallel_loop3A_253 : i32
      %parallel_loop3A_255 = arith.index_cast %parallel_loop3A_254 : i32 to index
      %parallel_loop3A_256 = tpu.vector_load %arg8[%parallel_loop3A_255] {strides = array<i32>} : memref<4096xi32, #tpu.memory_space<vmem>>, vector<16xi32>,
      %parallel_loop3A_257 = vector.shape_cast %parallel_loop3A_256 : vector<16xi32> to vector<16xi32>
      %parallel_loop3A_258 = arith.index_cast %parallel_loop3A_254 : i32 to index
      %parallel_loop3A_259 = tpu.vector_load %arg10[%parallel_loop3A_258] {strides = array<i32>} : memref<4096xi32, #tpu.memory_space<vmem>>, vector<16xi32>,
      %parallel_loop3A_260 = vector.shape_cast %parallel_loop3A_259 : vector<16xi32> to vector<16xi32>
      %parallel_loop3A_261 = arith.index_cast %parallel_loop3A_254 : i32 to index
      %parallel_loop3A_262 = tpu.vector_load %arg12[%parallel_loop3A_261] {strides = array<i32>} : memref<4096xi32, #tpu.memory_space<vmem>>, vector<16xi32>,
      %parallel_loop3A_263 = vector.shape_cast %parallel_loop3A_262 : vector<16xi32> to vector<16xi32>
      %parallel_loop3A_264 = arith.constant 16 : i32
      %parallel_loop3A_265 = arith.muli %parallel_loop3A_252, %parallel_loop3A_264 : i32
      %parallel_loop3A_266 = arith.addi %add3A_39, %parallel_loop3A_265 : i32
      %parallel_loop3A_267 = vector.broadcast %parallel_loop3A_266 : i32 to vector<16xi32>
      %parallel_loop3A_268 = arith.addi %parallel_loop3A_267, %iota3A : vector<16xi32>
      %parallel_loop3A_269 = arith.constant 18 : i32
      %parallel_loop3A_270 = vector.broadcast %parallel_loop3A_269 : i32 to vector<16xi32>
      %parallel_loop3A_271 = arith.shrui %parallel_loop3A_268, %parallel_loop3A_270 : vector<16xi32>
      %parallel_loop3A_272 = arith.constant 24903680 : i32
      %parallel_loop3A_273 = vector.broadcast %parallel_loop3A_272 : i32 to vector<16xi32>
      %parallel_loop3A_274 = arith.muli %parallel_loop3A_271, %parallel_loop3A_273 : vector<16xi32>
      %parallel_loop3A_275 = arith.addi %parallel_loop3A_268, %parallel_loop3A_274 : vector<16xi32>
      %parallel_loop3A_276 = arith.constant 18 : i32
      %parallel_loop3A_277 = vector.broadcast %parallel_loop3A_276 : i32 to vector<16xi32>
      %parallel_loop3A_278 = arith.shli %parallel_loop3A_257, %parallel_loop3A_277 : vector<16xi32>
      %parallel_loop3A_279 = arith.addi %parallel_loop3A_275, %parallel_loop3A_278 : vector<16xi32>
      %parallel_loop3A_280 = arith.constant 18 : i32
      %parallel_loop3A_281 = vector.broadcast %parallel_loop3A_280 : i32 to vector<16xi32>
      %parallel_loop3A_282 = arith.shli %parallel_loop3A_260, %parallel_loop3A_281 : vector<16xi32>
      %parallel_loop3A_283 = arith.addi %parallel_loop3A_275, %parallel_loop3A_282 : vector<16xi32>
      %parallel_loop3A_284 = arith.constant 0 : i32
      %parallel_loop3A_285 = vector.broadcast %parallel_loop3A_284 : i32 to vector<16xi32>
      %parallel_loop3A_286 = arith.cmpi ne, %parallel_loop3A_263, %parallel_loop3A_285 : vector<16xi32>
      %parallel_loop3A_287 = arith.select %parallel_loop3A_286, %parallel_loop3A_283, %parallel_loop3A_279 : vector<16xi1>, vector<16xi32>
      %parallel_loop3A_288 = arith.index_cast %parallel_loop3A_254 : i32 to index
      %parallel_loop3A_289 = tpu.vector_load %arg14[%parallel_loop3A_288] {strides = array<i32>} : memref<4096xi32, #tpu.memory_space<vmem>>, vector<16xi32>,
      %parallel_loop3A_290 = vector.shape_cast %parallel_loop3A_289 : vector<16xi32> to vector<16xi32>
      %parallel_loop3A_291 = vector.shape_cast %parallel_loop3A_279 : vector<16xi32> to vector<16xi32>
      tpu.vector_store %arg14[%parallel_loop3A_288], %parallel_loop3A_291 {strides = array<i32>} : memref<4096xi32, #tpu.memory_space<vmem>>, vector<16xi32>,
      %parallel_loop3A_292 = arith.index_cast %parallel_loop3A_254 : i32 to index
      %parallel_loop3A_293 = tpu.vector_load %arg16[%parallel_loop3A_292] {strides = array<i32>} : memref<4096xi32, #tpu.memory_space<vmem>>, vector<16xi32>,
      %parallel_loop3A_294 = vector.shape_cast %parallel_loop3A_293 : vector<16xi32> to vector<16xi32>
      %parallel_loop3A_295 = vector.shape_cast %parallel_loop3A_287 : vector<16xi32> to vector<16xi32>
      tpu.vector_store %arg16[%parallel_loop3A_292], %parallel_loop3A_295 {strides = array<i32>} : memref<4096xi32, #tpu.memory_space<vmem>>, vector<16xi32>,
    } {sc.loop_unroll_factor = 8 : i64, sc.parallel_access}
    %add3A_43 = arith.constant 8192 : i32
    %add3A_44 = arith.addi %mul3A_2, %add3A_43 : i32
    %dma_start3A_45 = tpu.memref_slice %arg3[%add3A_44] : memref<1048576xi32, #tpu.memory_space<hbm>> -> memref<4096xi32, #tpu.memory_space<hbm>>
    %dma_start3A_46 = tpu.memref_slice %arg3[%add3A_44] : memref<1048576xi32, #tpu.memory_space<hbm>> -> memref<4096xi32, #tpu.memory_space<hbm>>
    tpu.enqueue_dma source(%dma_start3A_46 : memref<4096xi32, #tpu.memory_space<hbm>>) target(%arg7 : memref<4096xi32, #tpu.memory_space<vmem>>) target_semaphore(%arg22 : memref<!tpu.dma_semaphore, #tpu.memory_space<semaphore_mem>>)
    %dma_start3A_47 = tpu.memref_slice %arg4[%add3A_44] : memref<1048576xi32, #tpu.memory_space<hbm>> -> memref<4096xi32, #tpu.memory_space<hbm>>
    %dma_start3A_48 = tpu.memref_slice %arg4[%add3A_44] : memref<1048576xi32, #tpu.memory_space<hbm>> -> memref<4096xi32, #tpu.memory_space<hbm>>
    tpu.enqueue_dma source(%dma_start3A_48 : memref<4096xi32, #tpu.memory_space<hbm>>) target(%arg9 : memref<4096xi32, #tpu.memory_space<vmem>>) target_semaphore(%arg22 : memref<!tpu.dma_semaphore, #tpu.memory_space<semaphore_mem>>)
    %dma_start3A_49 = tpu.memref_slice %arg5[%add3A_44] : memref<1048576xi32, #tpu.memory_space<hbm>> -> memref<4096xi32, #tpu.memory_space<hbm>>
    %dma_start3A_50 = tpu.memref_slice %arg5[%add3A_44] : memref<1048576xi32, #tpu.memory_space<hbm>> -> memref<4096xi32, #tpu.memory_space<hbm>>
    tpu.enqueue_dma source(%dma_start3A_50 : memref<4096xi32, #tpu.memory_space<hbm>>) target(%arg11 : memref<4096xi32, #tpu.memory_space<vmem>>) target_semaphore(%arg22 : memref<!tpu.dma_semaphore, #tpu.memory_space<semaphore_mem>>)
    %dma_start3A_51 = arith.constant 0 : i32
    %dma_start3A_52 = tpu.memref_slice %arg2[%dma_start3A_51] : memref<100663296xf32, #tpu.memory_space<hbm>> -> memref<100663296xf32, #tpu.memory_space<hbm>>
    tpu.enqueue_indirect_dma source(%dma_start3A_52 : memref<100663296xf32, #tpu.memory_space<hbm>>) target(%arg18 : memref<4096xf32, #tpu.memory_space<vmem>>) offsets(%arg14 : memref<4096xi32, #tpu.memory_space<vmem>>) semaphore(%arg25 : memref<!tpu.dma_semaphore, #tpu.memory_space<semaphore_mem>>)
    %dma_start3A_53 = arith.constant 0 : i32
    %dma_start3A_54 = tpu.memref_slice %arg2[%dma_start3A_53] : memref<100663296xf32, #tpu.memory_space<hbm>> -> memref<100663296xf32, #tpu.memory_space<hbm>>
    tpu.enqueue_indirect_dma source(%dma_start3A_54 : memref<100663296xf32, #tpu.memory_space<hbm>>) target(%arg20 : memref<4096xf32, #tpu.memory_space<vmem>>) offsets(%arg16 : memref<4096xi32, #tpu.memory_space<vmem>>) semaphore(%arg25 : memref<!tpu.dma_semaphore, #tpu.memory_space<semaphore_mem>>)
    %dma_wait3A_55 = arith.constant 0 : i32
    %dma_wait3A_56 = tpu.memref_slice %arg2[%dma_wait3A_55] : memref<100663296xf32, #tpu.memory_space<hbm>> -> memref<100663296xf32, #tpu.memory_space<hbm>>
    tpu.wait_indirect_dma semaphore(%arg24 : memref<!tpu.dma_semaphore, #tpu.memory_space<semaphore_mem>>) src(%dma_wait3A_56 : memref<100663296xf32, #tpu.memory_space<hbm>>) dst(%arg17 : memref<4096xf32, #tpu.memory_space<vmem>>)
    %dma_wait3A_57 = arith.constant 0 : i32
    %dma_wait3A_58 = tpu.memref_slice %arg2[%dma_wait3A_57] : memref<100663296xf32, #tpu.memory_space<hbm>> -> memref<100663296xf32, #tpu.memory_space<hbm>>
    tpu.wait_indirect_dma semaphore(%arg24 : memref<!tpu.dma_semaphore, #tpu.memory_space<semaphore_mem>>) src(%dma_wait3A_58 : memref<100663296xf32, #tpu.memory_space<hbm>>) dst(%arg19 : memref<4096xf32, #tpu.memory_space<vmem>>)
    %parallel_loop3A_59 = arith.constant 0 : i32
    %parallel_loop3A_60 = arith.constant 256 : i32
    %parallel_loop3A_61 = arith.constant 1 : i32
    %parallel_loop3A_62 = scf.for %parallel_loop3A_252 = %parallel_loop3A_59 to %parallel_loop3A_60 step %parallel_loop3A_61 iter_args(%parallel_loop3A_253 = %broadcast_in_dim3A_3) -> (vector<16xf32>)  : i32 {
      %parallel_loop3A_254 = arith.constant 16 : i32
      %parallel_loop3A_255 = arith.muli %parallel_loop3A_252, %parallel_loop3A_254 : i32
      %parallel_loop3A_256 = arith.index_cast %parallel_loop3A_255 : i32 to index
      %parallel_loop3A_257 = tpu.vector_load %arg17[%parallel_loop3A_256] {strides = array<i32>} : memref<4096xf32, #tpu.memory_space<vmem>>, vector<16xf32>,
      %parallel_loop3A_258 = vector.shape_cast %parallel_loop3A_257 : vector<16xf32> to vector<16xf32>
      %parallel_loop3A_259 = arith.index_cast %parallel_loop3A_255 : i32 to index
      %parallel_loop3A_260 = tpu.vector_load %arg19[%parallel_loop3A_259] {strides = array<i32>} : memref<4096xf32, #tpu.memory_space<vmem>>, vector<16xf32>,
      %parallel_loop3A_261 = vector.shape_cast %parallel_loop3A_260 : vector<16xf32> to vector<16xf32>
      %parallel_loop3A_262 = arith.subf %parallel_loop3A_258, %parallel_loop3A_261 : vector<16xf32>
      %parallel_loop3A_263 = arith.addf %parallel_loop3A_253, %parallel_loop3A_262 : vector<16xf32>
      scf.yield %parallel_loop3A_263 : vector<16xf32>
    } {sc.loop_unroll_factor = 8 : i64, sc.parallel_access}
    %dma_wait3A_63 = tpu.memref_slice %arg3[%add3A_44] : memref<1048576xi32, #tpu.memory_space<hbm>> -> memref<4096xi32, #tpu.memory_space<hbm>>
    %dma_wait3A_64 = tpu.memref_slice %arg3[%add3A_44] : memref<1048576xi32, #tpu.memory_space<hbm>> -> memref<4096xi32, #tpu.memory_space<hbm>>
    tpu.wait_dma2 semaphore(%arg22 : memref<!tpu.dma_semaphore, #tpu.memory_space<semaphore_mem>>) src(%dma_wait3A_64 : memref<4096xi32, #tpu.memory_space<hbm>>) dst(%arg7 : memref<4096xi32, #tpu.memory_space<vmem>>)
    %dma_wait3A_65 = tpu.memref_slice %arg4[%add3A_44] : memref<1048576xi32, #tpu.memory_space<hbm>> -> memref<4096xi32, #tpu.memory_space<hbm>>
    %dma_wait3A_66 = tpu.memref_slice %arg4[%add3A_44] : memref<1048576xi32, #tpu.memory_space<hbm>> -> memref<4096xi32, #tpu.memory_space<hbm>>
    tpu.wait_dma2 semaphore(%arg22 : memref<!tpu.dma_semaphore, #tpu.memory_space<semaphore_mem>>) src(%dma_wait3A_66 : memref<4096xi32, #tpu.memory_space<hbm>>) dst(%arg9 : memref<4096xi32, #tpu.memory_space<vmem>>)
    %dma_wait3A_67 = tpu.memref_slice %arg5[%add3A_44] : memref<1048576xi32, #tpu.memory_space<hbm>> -> memref<4096xi32, #tpu.memory_space<hbm>>
    %dma_wait3A_68 = tpu.memref_slice %arg5[%add3A_44] : memref<1048576xi32, #tpu.memory_space<hbm>> -> memref<4096xi32, #tpu.memory_space<hbm>>
    tpu.wait_dma2 semaphore(%arg22 : memref<!tpu.dma_semaphore, #tpu.memory_space<semaphore_mem>>) src(%dma_wait3A_68 : memref<4096xi32, #tpu.memory_space<hbm>>) dst(%arg11 : memref<4096xi32, #tpu.memory_space<vmem>>)
    %add3A_69 = arith.constant 8192 : i32
    %add3A_70 = arith.addi %mul3A_2, %add3A_69 : i32
    %parallel_loop3A_71 = arith.constant 0 : i32
    %parallel_loop3A_72 = arith.constant 256 : i32
    %parallel_loop3A_73 = arith.constant 1 : i32
    scf.for %parallel_loop3A_252 = %parallel_loop3A_71 to %parallel_loop3A_72 step %parallel_loop3A_73  : i32 {
      %parallel_loop3A_253 = arith.constant 16 : i32
      %parallel_loop3A_254 = arith.muli %parallel_loop3A_252, %parallel_loop3A_253 : i32
      %parallel_loop3A_255 = arith.index_cast %parallel_loop3A_254 : i32 to index
      %parallel_loop3A_256 = tpu.vector_load %arg7[%parallel_loop3A_255] {strides = array<i32>} : memref<4096xi32, #tpu.memory_space<vmem>>, vector<16xi32>,
      %parallel_loop3A_257 = vector.shape_cast %parallel_loop3A_256 : vector<16xi32> to vector<16xi32>
      %parallel_loop3A_258 = arith.index_cast %parallel_loop3A_254 : i32 to index
      %parallel_loop3A_259 = tpu.vector_load %arg9[%parallel_loop3A_258] {strides = array<i32>} : memref<4096xi32, #tpu.memory_space<vmem>>, vector<16xi32>,
      %parallel_loop3A_260 = vector.shape_cast %parallel_loop3A_259 : vector<16xi32> to vector<16xi32>
      %parallel_loop3A_261 = arith.index_cast %parallel_loop3A_254 : i32 to index
      %parallel_loop3A_262 = tpu.vector_load %arg11[%parallel_loop3A_261] {strides = array<i32>} : memref<4096xi32, #tpu.memory_space<vmem>>, vector<16xi32>,
      %parallel_loop3A_263 = vector.shape_cast %parallel_loop3A_262 : vector<16xi32> to vector<16xi32>
      %parallel_loop3A_264 = arith.constant 16 : i32
      %parallel_loop3A_265 = arith.muli %parallel_loop3A_252, %parallel_loop3A_264 : i32
      %parallel_loop3A_266 = arith.addi %add3A_70, %parallel_loop3A_265 : i32
      %parallel_loop3A_267 = vector.broadcast %parallel_loop3A_266 : i32 to vector<16xi32>
      %parallel_loop3A_268 = arith.addi %parallel_loop3A_267, %iota3A : vector<16xi32>
      %parallel_loop3A_269 = arith.constant 18 : i32
      %parallel_loop3A_270 = vector.broadcast %parallel_loop3A_269 : i32 to vector<16xi32>
      %parallel_loop3A_271 = arith.shrui %parallel_loop3A_268, %parallel_loop3A_270 : vector<16xi32>
      %parallel_loop3A_272 = arith.constant 24903680 : i32
      %parallel_loop3A_273 = vector.broadcast %parallel_loop3A_272 : i32 to vector<16xi32>
      %parallel_loop3A_274 = arith.muli %parallel_loop3A_271, %parallel_loop3A_273 : vector<16xi32>
      %parallel_loop3A_275 = arith.addi %parallel_loop3A_268, %parallel_loop3A_274 : vector<16xi32>
      %parallel_loop3A_276 = arith.constant 18 : i32
      %parallel_loop3A_277 = vector.broadcast %parallel_loop3A_276 : i32 to vector<16xi32>
      %parallel_loop3A_278 = arith.shli %parallel_loop3A_257, %parallel_loop3A_277 : vector<16xi32>
      %parallel_loop3A_279 = arith.addi %parallel_loop3A_275, %parallel_loop3A_278 : vector<16xi32>
      %parallel_loop3A_280 = arith.constant 18 : i32
      %parallel_loop3A_281 = vector.broadcast %parallel_loop3A_280 : i32 to vector<16xi32>
      %parallel_loop3A_282 = arith.shli %parallel_loop3A_260, %parallel_loop3A_281 : vector<16xi32>
      %parallel_loop3A_283 = arith.addi %parallel_loop3A_275, %parallel_loop3A_282 : vector<16xi32>
      %parallel_loop3A_284 = arith.constant 0 : i32
      %parallel_loop3A_285 = vector.broadcast %parallel_loop3A_284 : i32 to vector<16xi32>
      %parallel_loop3A_286 = arith.cmpi ne, %parallel_loop3A_263, %parallel_loop3A_285 : vector<16xi32>
      %parallel_loop3A_287 = arith.select %parallel_loop3A_286, %parallel_loop3A_283, %parallel_loop3A_279 : vector<16xi1>, vector<16xi32>
      %parallel_loop3A_288 = arith.index_cast %parallel_loop3A_254 : i32 to index
      %parallel_loop3A_289 = tpu.vector_load %arg13[%parallel_loop3A_288] {strides = array<i32>} : memref<4096xi32, #tpu.memory_space<vmem>>, vector<16xi32>,
      %parallel_loop3A_290 = vector.shape_cast %parallel_loop3A_289 : vector<16xi32> to vector<16xi32>
      %parallel_loop3A_291 = vector.shape_cast %parallel_loop3A_279 : vector<16xi32> to vector<16xi32>
      tpu.vector_store %arg13[%parallel_loop3A_288], %parallel_loop3A_291 {strides = array<i32>} : memref<4096xi32, #tpu.memory_space<vmem>>, vector<16xi32>,
      %parallel_loop3A_292 = arith.index_cast %parallel_loop3A_254 : i32 to index
      %parallel_loop3A_293 = tpu.vector_load %arg15[%parallel_loop3A_292] {strides = array<i32>} : memref<4096xi32, #tpu.memory_space<vmem>>, vector<16xi32>,
      %parallel_loop3A_294 = vector.shape_cast %parallel_loop3A_293 : vector<16xi32> to vector<16xi32>
      %parallel_loop3A_295 = vector.shape_cast %parallel_loop3A_287 : vector<16xi32> to vector<16xi32>
      tpu.vector_store %arg15[%parallel_loop3A_292], %parallel_loop3A_295 {strides = array<i32>} : memref<4096xi32, #tpu.memory_space<vmem>>, vector<16xi32>,
    } {sc.loop_unroll_factor = 8 : i64, sc.parallel_access}
    %add3A_74 = arith.constant 12288 : i32
    %add3A_75 = arith.addi %mul3A_2, %add3A_74 : i32
    %dma_start3A_76 = tpu.memref_slice %arg3[%add3A_75] : memref<1048576xi32, #tpu.memory_space<hbm>> -> memref<4096xi32, #tpu.memory_space<hbm>>
    %dma_start3A_77 = tpu.memref_slice %arg3[%add3A_75] : memref<1048576xi32, #tpu.memory_space<hbm>> -> memref<4096xi32, #tpu.memory_space<hbm>>
    tpu.enqueue_dma source(%dma_start3A_77 : memref<4096xi32, #tpu.memory_space<hbm>>) target(%arg8 : memref<4096xi32, #tpu.memory_space<vmem>>) target_semaphore(%arg23 : memref<!tpu.dma_semaphore, #tpu.memory_space<semaphore_mem>>)
    %dma_start3A_78 = tpu.memref_slice %arg4[%add3A_75] : memref<1048576xi32, #tpu.memory_space<hbm>> -> memref<4096xi32, #tpu.memory_space<hbm>>
    %dma_start3A_79 = tpu.memref_slice %arg4[%add3A_75] : memref<1048576xi32, #tpu.memory_space<hbm>> -> memref<4096xi32, #tpu.memory_space<hbm>>
    tpu.enqueue_dma source(%dma_start3A_79 : memref<4096xi32, #tpu.memory_space<hbm>>) target(%arg10 : memref<4096xi32, #tpu.memory_space<vmem>>) target_semaphore(%arg23 : memref<!tpu.dma_semaphore, #tpu.memory_space<semaphore_mem>>)
    %dma_start3A_80 = tpu.memref_slice %arg5[%add3A_75] : memref<1048576xi32, #tpu.memory_space<hbm>> -> memref<4096xi32, #tpu.memory_space<hbm>>
    %dma_start3A_81 = tpu.memref_slice %arg5[%add3A_75] : memref<1048576xi32, #tpu.memory_space<hbm>> -> memref<4096xi32, #tpu.memory_space<hbm>>
    tpu.enqueue_dma source(%dma_start3A_81 : memref<4096xi32, #tpu.memory_space<hbm>>) target(%arg12 : memref<4096xi32, #tpu.memory_space<vmem>>) target_semaphore(%arg23 : memref<!tpu.dma_semaphore, #tpu.memory_space<semaphore_mem>>)
    %dma_start3A_82 = arith.constant 0 : i32
    %dma_start3A_83 = tpu.memref_slice %arg2[%dma_start3A_82] : memref<100663296xf32, #tpu.memory_space<hbm>> -> memref<100663296xf32, #tpu.memory_space<hbm>>
    tpu.enqueue_indirect_dma source(%dma_start3A_83 : memref<100663296xf32, #tpu.memory_space<hbm>>) target(%arg17 : memref<4096xf32, #tpu.memory_space<vmem>>) offsets(%arg13 : memref<4096xi32, #tpu.memory_space<vmem>>) semaphore(%arg24 : memref<!tpu.dma_semaphore, #tpu.memory_space<semaphore_mem>>)
    %dma_start3A_84 = arith.constant 0 : i32
    %dma_start3A_85 = tpu.memref_slice %arg2[%dma_start3A_84] : memref<100663296xf32, #tpu.memory_space<hbm>> -> memref<100663296xf32, #tpu.memory_space<hbm>>
    tpu.enqueue_indirect_dma source(%dma_start3A_85 : memref<100663296xf32, #tpu.memory_space<hbm>>) target(%arg19 : memref<4096xf32, #tpu.memory_space<vmem>>) offsets(%arg15 : memref<4096xi32, #tpu.memory_space<vmem>>) semaphore(%arg24 : memref<!tpu.dma_semaphore, #tpu.memory_space<semaphore_mem>>)
    %dma_wait3A_86 = arith.constant 0 : i32
    %dma_wait3A_87 = tpu.memref_slice %arg2[%dma_wait3A_86] : memref<100663296xf32, #tpu.memory_space<hbm>> -> memref<100663296xf32, #tpu.memory_space<hbm>>
    tpu.wait_indirect_dma semaphore(%arg25 : memref<!tpu.dma_semaphore, #tpu.memory_space<semaphore_mem>>) src(%dma_wait3A_87 : memref<100663296xf32, #tpu.memory_space<hbm>>) dst(%arg18 : memref<4096xf32, #tpu.memory_space<vmem>>)
    %dma_wait3A_88 = arith.constant 0 : i32
    %dma_wait3A_89 = tpu.memref_slice %arg2[%dma_wait3A_88] : memref<100663296xf32, #tpu.memory_space<hbm>> -> memref<100663296xf32, #tpu.memory_space<hbm>>
    tpu.wait_indirect_dma semaphore(%arg25 : memref<!tpu.dma_semaphore, #tpu.memory_space<semaphore_mem>>) src(%dma_wait3A_89 : memref<100663296xf32, #tpu.memory_space<hbm>>) dst(%arg20 : memref<4096xf32, #tpu.memory_space<vmem>>)
    %parallel_loop3A_90 = arith.constant 0 : i32
    %parallel_loop3A_91 = arith.constant 256 : i32
    %parallel_loop3A_92 = arith.constant 1 : i32
    %parallel_loop3A_93 = scf.for %parallel_loop3A_252 = %parallel_loop3A_90 to %parallel_loop3A_91 step %parallel_loop3A_92 iter_args(%parallel_loop3A_253 = %parallel_loop3A_62) -> (vector<16xf32>)  : i32 {
      %parallel_loop3A_254 = arith.constant 16 : i32
      %parallel_loop3A_255 = arith.muli %parallel_loop3A_252, %parallel_loop3A_254 : i32
      %parallel_loop3A_256 = arith.index_cast %parallel_loop3A_255 : i32 to index
      %parallel_loop3A_257 = tpu.vector_load %arg18[%parallel_loop3A_256] {strides = array<i32>} : memref<4096xf32, #tpu.memory_space<vmem>>, vector<16xf32>,
      %parallel_loop3A_258 = vector.shape_cast %parallel_loop3A_257 : vector<16xf32> to vector<16xf32>
      %parallel_loop3A_259 = arith.index_cast %parallel_loop3A_255 : i32 to index
      %parallel_loop3A_260 = tpu.vector_load %arg20[%parallel_loop3A_259] {strides = array<i32>} : memref<4096xf32, #tpu.memory_space<vmem>>, vector<16xf32>,
      %parallel_loop3A_261 = vector.shape_cast %parallel_loop3A_260 : vector<16xf32> to vector<16xf32>
      %parallel_loop3A_262 = arith.subf %parallel_loop3A_258, %parallel_loop3A_261 : vector<16xf32>
      %parallel_loop3A_263 = arith.addf %parallel_loop3A_253, %parallel_loop3A_262 : vector<16xf32>
      scf.yield %parallel_loop3A_263 : vector<16xf32>
    } {sc.loop_unroll_factor = 8 : i64, sc.parallel_access}
    %dma_wait3A_94 = tpu.memref_slice %arg3[%add3A_75] : memref<1048576xi32, #tpu.memory_space<hbm>> -> memref<4096xi32, #tpu.memory_space<hbm>>
    %dma_wait3A_95 = tpu.memref_slice %arg3[%add3A_75] : memref<1048576xi32, #tpu.memory_space<hbm>> -> memref<4096xi32, #tpu.memory_space<hbm>>
    tpu.wait_dma2 semaphore(%arg23 : memref<!tpu.dma_semaphore, #tpu.memory_space<semaphore_mem>>) src(%dma_wait3A_95 : memref<4096xi32, #tpu.memory_space<hbm>>) dst(%arg8 : memref<4096xi32, #tpu.memory_space<vmem>>)
    %dma_wait3A_96 = tpu.memref_slice %arg4[%add3A_75] : memref<1048576xi32, #tpu.memory_space<hbm>> -> memref<4096xi32, #tpu.memory_space<hbm>>
    %dma_wait3A_97 = tpu.memref_slice %arg4[%add3A_75] : memref<1048576xi32, #tpu.memory_space<hbm>> -> memref<4096xi32, #tpu.memory_space<hbm>>
    tpu.wait_dma2 semaphore(%arg23 : memref<!tpu.dma_semaphore, #tpu.memory_space<semaphore_mem>>) src(%dma_wait3A_97 : memref<4096xi32, #tpu.memory_space<hbm>>) dst(%arg10 : memref<4096xi32, #tpu.memory_space<vmem>>)
    %dma_wait3A_98 = tpu.memref_slice %arg5[%add3A_75] : memref<1048576xi32, #tpu.memory_space<hbm>> -> memref<4096xi32, #tpu.memory_space<hbm>>
    %dma_wait3A_99 = tpu.memref_slice %arg5[%add3A_75] : memref<1048576xi32, #tpu.memory_space<hbm>> -> memref<4096xi32, #tpu.memory_space<hbm>>
    tpu.wait_dma2 semaphore(%arg23 : memref<!tpu.dma_semaphore, #tpu.memory_space<semaphore_mem>>) src(%dma_wait3A_99 : memref<4096xi32, #tpu.memory_space<hbm>>) dst(%arg12 : memref<4096xi32, #tpu.memory_space<vmem>>)
    %add3A_100 = arith.constant 12288 : i32
    %add3A_101 = arith.addi %mul3A_2, %add3A_100 : i32
    %parallel_loop3A_102 = arith.constant 0 : i32
    %parallel_loop3A_103 = arith.constant 256 : i32
    %parallel_loop3A_104 = arith.constant 1 : i32
    scf.for %parallel_loop3A_252 = %parallel_loop3A_102 to %parallel_loop3A_103 step %parallel_loop3A_104  : i32 {
      %parallel_loop3A_253 = arith.constant 16 : i32
      %parallel_loop3A_254 = arith.muli %parallel_loop3A_252, %parallel_loop3A_253 : i32
      %parallel_loop3A_255 = arith.index_cast %parallel_loop3A_254 : i32 to index
      %parallel_loop3A_256 = tpu.vector_load %arg8[%parallel_loop3A_255] {strides = array<i32>} : memref<4096xi32, #tpu.memory_space<vmem>>, vector<16xi32>,
      %parallel_loop3A_257 = vector.shape_cast %parallel_loop3A_256 : vector<16xi32> to vector<16xi32>
      %parallel_loop3A_258 = arith.index_cast %parallel_loop3A_254 : i32 to index
      %parallel_loop3A_259 = tpu.vector_load %arg10[%parallel_loop3A_258] {strides = array<i32>} : memref<4096xi32, #tpu.memory_space<vmem>>, vector<16xi32>,
      %parallel_loop3A_260 = vector.shape_cast %parallel_loop3A_259 : vector<16xi32> to vector<16xi32>
      %parallel_loop3A_261 = arith.index_cast %parallel_loop3A_254 : i32 to index
      %parallel_loop3A_262 = tpu.vector_load %arg12[%parallel_loop3A_261] {strides = array<i32>} : memref<4096xi32, #tpu.memory_space<vmem>>, vector<16xi32>,
      %parallel_loop3A_263 = vector.shape_cast %parallel_loop3A_262 : vector<16xi32> to vector<16xi32>
      %parallel_loop3A_264 = arith.constant 16 : i32
      %parallel_loop3A_265 = arith.muli %parallel_loop3A_252, %parallel_loop3A_264 : i32
      %parallel_loop3A_266 = arith.addi %add3A_101, %parallel_loop3A_265 : i32
      %parallel_loop3A_267 = vector.broadcast %parallel_loop3A_266 : i32 to vector<16xi32>
      %parallel_loop3A_268 = arith.addi %parallel_loop3A_267, %iota3A : vector<16xi32>
      %parallel_loop3A_269 = arith.constant 18 : i32
      %parallel_loop3A_270 = vector.broadcast %parallel_loop3A_269 : i32 to vector<16xi32>
      %parallel_loop3A_271 = arith.shrui %parallel_loop3A_268, %parallel_loop3A_270 : vector<16xi32>
      %parallel_loop3A_272 = arith.constant 24903680 : i32
      %parallel_loop3A_273 = vector.broadcast %parallel_loop3A_272 : i32 to vector<16xi32>
      %parallel_loop3A_274 = arith.muli %parallel_loop3A_271, %parallel_loop3A_273 : vector<16xi32>
      %parallel_loop3A_275 = arith.addi %parallel_loop3A_268, %parallel_loop3A_274 : vector<16xi32>
      %parallel_loop3A_276 = arith.constant 18 : i32
      %parallel_loop3A_277 = vector.broadcast %parallel_loop3A_276 : i32 to vector<16xi32>
      %parallel_loop3A_278 = arith.shli %parallel_loop3A_257, %parallel_loop3A_277 : vector<16xi32>
      %parallel_loop3A_279 = arith.addi %parallel_loop3A_275, %parallel_loop3A_278 : vector<16xi32>
      %parallel_loop3A_280 = arith.constant 18 : i32
      %parallel_loop3A_281 = vector.broadcast %parallel_loop3A_280 : i32 to vector<16xi32>
      %parallel_loop3A_282 = arith.shli %parallel_loop3A_260, %parallel_loop3A_281 : vector<16xi32>
      %parallel_loop3A_283 = arith.addi %parallel_loop3A_275, %parallel_loop3A_282 : vector<16xi32>
      %parallel_loop3A_284 = arith.constant 0 : i32
      %parallel_loop3A_285 = vector.broadcast %parallel_loop3A_284 : i32 to vector<16xi32>
      %parallel_loop3A_286 = arith.cmpi ne, %parallel_loop3A_263, %parallel_loop3A_285 : vector<16xi32>
      %parallel_loop3A_287 = arith.select %parallel_loop3A_286, %parallel_loop3A_283, %parallel_loop3A_279 : vector<16xi1>, vector<16xi32>
      %parallel_loop3A_288 = arith.index_cast %parallel_loop3A_254 : i32 to index
      %parallel_loop3A_289 = tpu.vector_load %arg14[%parallel_loop3A_288] {strides = array<i32>} : memref<4096xi32, #tpu.memory_space<vmem>>, vector<16xi32>,
      %parallel_loop3A_290 = vector.shape_cast %parallel_loop3A_289 : vector<16xi32> to vector<16xi32>
      %parallel_loop3A_291 = vector.shape_cast %parallel_loop3A_279 : vector<16xi32> to vector<16xi32>
      tpu.vector_store %arg14[%parallel_loop3A_288], %parallel_loop3A_291 {strides = array<i32>} : memref<4096xi32, #tpu.memory_space<vmem>>, vector<16xi32>,
      %parallel_loop3A_292 = arith.index_cast %parallel_loop3A_254 : i32 to index
      %parallel_loop3A_293 = tpu.vector_load %arg16[%parallel_loop3A_292] {strides = array<i32>} : memref<4096xi32, #tpu.memory_space<vmem>>, vector<16xi32>,
      %parallel_loop3A_294 = vector.shape_cast %parallel_loop3A_293 : vector<16xi32> to vector<16xi32>
      %parallel_loop3A_295 = vector.shape_cast %parallel_loop3A_287 : vector<16xi32> to vector<16xi32>
      tpu.vector_store %arg16[%parallel_loop3A_292], %parallel_loop3A_295 {strides = array<i32>} : memref<4096xi32, #tpu.memory_space<vmem>>, vector<16xi32>,
    } {sc.loop_unroll_factor = 8 : i64, sc.parallel_access}
    %add3A_105 = arith.constant 16384 : i32
    %add3A_106 = arith.addi %mul3A_2, %add3A_105 : i32
    %dma_start3A_107 = tpu.memref_slice %arg3[%add3A_106] : memref<1048576xi32, #tpu.memory_space<hbm>> -> memref<4096xi32, #tpu.memory_space<hbm>>
    %dma_start3A_108 = tpu.memref_slice %arg3[%add3A_106] : memref<1048576xi32, #tpu.memory_space<hbm>> -> memref<4096xi32, #tpu.memory_space<hbm>>
    tpu.enqueue_dma source(%dma_start3A_108 : memref<4096xi32, #tpu.memory_space<hbm>>) target(%arg7 : memref<4096xi32, #tpu.memory_space<vmem>>) target_semaphore(%arg22 : memref<!tpu.dma_semaphore, #tpu.memory_space<semaphore_mem>>)
    %dma_start3A_109 = tpu.memref_slice %arg4[%add3A_106] : memref<1048576xi32, #tpu.memory_space<hbm>> -> memref<4096xi32, #tpu.memory_space<hbm>>
    %dma_start3A_110 = tpu.memref_slice %arg4[%add3A_106] : memref<1048576xi32, #tpu.memory_space<hbm>> -> memref<4096xi32, #tpu.memory_space<hbm>>
    tpu.enqueue_dma source(%dma_start3A_110 : memref<4096xi32, #tpu.memory_space<hbm>>) target(%arg9 : memref<4096xi32, #tpu.memory_space<vmem>>) target_semaphore(%arg22 : memref<!tpu.dma_semaphore, #tpu.memory_space<semaphore_mem>>)
    %dma_start3A_111 = tpu.memref_slice %arg5[%add3A_106] : memref<1048576xi32, #tpu.memory_space<hbm>> -> memref<4096xi32, #tpu.memory_space<hbm>>
    %dma_start3A_112 = tpu.memref_slice %arg5[%add3A_106] : memref<1048576xi32, #tpu.memory_space<hbm>> -> memref<4096xi32, #tpu.memory_space<hbm>>
    tpu.enqueue_dma source(%dma_start3A_112 : memref<4096xi32, #tpu.memory_space<hbm>>) target(%arg11 : memref<4096xi32, #tpu.memory_space<vmem>>) target_semaphore(%arg22 : memref<!tpu.dma_semaphore, #tpu.memory_space<semaphore_mem>>)
    %dma_start3A_113 = arith.constant 0 : i32
    %dma_start3A_114 = tpu.memref_slice %arg2[%dma_start3A_113] : memref<100663296xf32, #tpu.memory_space<hbm>> -> memref<100663296xf32, #tpu.memory_space<hbm>>
    tpu.enqueue_indirect_dma source(%dma_start3A_114 : memref<100663296xf32, #tpu.memory_space<hbm>>) target(%arg18 : memref<4096xf32, #tpu.memory_space<vmem>>) offsets(%arg14 : memref<4096xi32, #tpu.memory_space<vmem>>) semaphore(%arg25 : memref<!tpu.dma_semaphore, #tpu.memory_space<semaphore_mem>>)
    %dma_start3A_115 = arith.constant 0 : i32
    %dma_start3A_116 = tpu.memref_slice %arg2[%dma_start3A_115] : memref<100663296xf32, #tpu.memory_space<hbm>> -> memref<100663296xf32, #tpu.memory_space<hbm>>
    tpu.enqueue_indirect_dma source(%dma_start3A_116 : memref<100663296xf32, #tpu.memory_space<hbm>>) target(%arg20 : memref<4096xf32, #tpu.memory_space<vmem>>) offsets(%arg16 : memref<4096xi32, #tpu.memory_space<vmem>>) semaphore(%arg25 : memref<!tpu.dma_semaphore, #tpu.memory_space<semaphore_mem>>)
    %dma_wait3A_117 = arith.constant 0 : i32
    %dma_wait3A_118 = tpu.memref_slice %arg2[%dma_wait3A_117] : memref<100663296xf32, #tpu.memory_space<hbm>> -> memref<100663296xf32, #tpu.memory_space<hbm>>
    tpu.wait_indirect_dma semaphore(%arg24 : memref<!tpu.dma_semaphore, #tpu.memory_space<semaphore_mem>>) src(%dma_wait3A_118 : memref<100663296xf32, #tpu.memory_space<hbm>>) dst(%arg17 : memref<4096xf32, #tpu.memory_space<vmem>>)
    %dma_wait3A_119 = arith.constant 0 : i32
    %dma_wait3A_120 = tpu.memref_slice %arg2[%dma_wait3A_119] : memref<100663296xf32, #tpu.memory_space<hbm>> -> memref<100663296xf32, #tpu.memory_space<hbm>>
    tpu.wait_indirect_dma semaphore(%arg24 : memref<!tpu.dma_semaphore, #tpu.memory_space<semaphore_mem>>) src(%dma_wait3A_120 : memref<100663296xf32, #tpu.memory_space<hbm>>) dst(%arg19 : memref<4096xf32, #tpu.memory_space<vmem>>)
    %parallel_loop3A_121 = arith.constant 0 : i32
    %parallel_loop3A_122 = arith.constant 256 : i32
    %parallel_loop3A_123 = arith.constant 1 : i32
    %parallel_loop3A_124 = scf.for %parallel_loop3A_252 = %parallel_loop3A_121 to %parallel_loop3A_122 step %parallel_loop3A_123 iter_args(%parallel_loop3A_253 = %parallel_loop3A_93) -> (vector<16xf32>)  : i32 {
      %parallel_loop3A_254 = arith.constant 16 : i32
      %parallel_loop3A_255 = arith.muli %parallel_loop3A_252, %parallel_loop3A_254 : i32
      %parallel_loop3A_256 = arith.index_cast %parallel_loop3A_255 : i32 to index
      %parallel_loop3A_257 = tpu.vector_load %arg17[%parallel_loop3A_256] {strides = array<i32>} : memref<4096xf32, #tpu.memory_space<vmem>>, vector<16xf32>,
      %parallel_loop3A_258 = vector.shape_cast %parallel_loop3A_257 : vector<16xf32> to vector<16xf32>
      %parallel_loop3A_259 = arith.index_cast %parallel_loop3A_255 : i32 to index
      %parallel_loop3A_260 = tpu.vector_load %arg19[%parallel_loop3A_259] {strides = array<i32>} : memref<4096xf32, #tpu.memory_space<vmem>>, vector<16xf32>,
      %parallel_loop3A_261 = vector.shape_cast %parallel_loop3A_260 : vector<16xf32> to vector<16xf32>
      %parallel_loop3A_262 = arith.subf %parallel_loop3A_258, %parallel_loop3A_261 : vector<16xf32>
      %parallel_loop3A_263 = arith.addf %parallel_loop3A_253, %parallel_loop3A_262 : vector<16xf32>
      scf.yield %parallel_loop3A_263 : vector<16xf32>
    } {sc.loop_unroll_factor = 8 : i64, sc.parallel_access}
    %dma_wait3A_125 = tpu.memref_slice %arg3[%add3A_106] : memref<1048576xi32, #tpu.memory_space<hbm>> -> memref<4096xi32, #tpu.memory_space<hbm>>
    %dma_wait3A_126 = tpu.memref_slice %arg3[%add3A_106] : memref<1048576xi32, #tpu.memory_space<hbm>> -> memref<4096xi32, #tpu.memory_space<hbm>>
    tpu.wait_dma2 semaphore(%arg22 : memref<!tpu.dma_semaphore, #tpu.memory_space<semaphore_mem>>) src(%dma_wait3A_126 : memref<4096xi32, #tpu.memory_space<hbm>>) dst(%arg7 : memref<4096xi32, #tpu.memory_space<vmem>>)
    %dma_wait3A_127 = tpu.memref_slice %arg4[%add3A_106] : memref<1048576xi32, #tpu.memory_space<hbm>> -> memref<4096xi32, #tpu.memory_space<hbm>>
    %dma_wait3A_128 = tpu.memref_slice %arg4[%add3A_106] : memref<1048576xi32, #tpu.memory_space<hbm>> -> memref<4096xi32, #tpu.memory_space<hbm>>
    tpu.wait_dma2 semaphore(%arg22 : memref<!tpu.dma_semaphore, #tpu.memory_space<semaphore_mem>>) src(%dma_wait3A_128 : memref<4096xi32, #tpu.memory_space<hbm>>) dst(%arg9 : memref<4096xi32, #tpu.memory_space<vmem>>)
    %dma_wait3A_129 = tpu.memref_slice %arg5[%add3A_106] : memref<1048576xi32, #tpu.memory_space<hbm>> -> memref<4096xi32, #tpu.memory_space<hbm>>
    %dma_wait3A_130 = tpu.memref_slice %arg5[%add3A_106] : memref<1048576xi32, #tpu.memory_space<hbm>> -> memref<4096xi32, #tpu.memory_space<hbm>>
    tpu.wait_dma2 semaphore(%arg22 : memref<!tpu.dma_semaphore, #tpu.memory_space<semaphore_mem>>) src(%dma_wait3A_130 : memref<4096xi32, #tpu.memory_space<hbm>>) dst(%arg11 : memref<4096xi32, #tpu.memory_space<vmem>>)
    %add3A_131 = arith.constant 16384 : i32
    %add3A_132 = arith.addi %mul3A_2, %add3A_131 : i32
    %parallel_loop3A_133 = arith.constant 0 : i32
    %parallel_loop3A_134 = arith.constant 256 : i32
    %parallel_loop3A_135 = arith.constant 1 : i32
    scf.for %parallel_loop3A_252 = %parallel_loop3A_133 to %parallel_loop3A_134 step %parallel_loop3A_135  : i32 {
      %parallel_loop3A_253 = arith.constant 16 : i32
      %parallel_loop3A_254 = arith.muli %parallel_loop3A_252, %parallel_loop3A_253 : i32
      %parallel_loop3A_255 = arith.index_cast %parallel_loop3A_254 : i32 to index
      %parallel_loop3A_256 = tpu.vector_load %arg7[%parallel_loop3A_255] {strides = array<i32>} : memref<4096xi32, #tpu.memory_space<vmem>>, vector<16xi32>,
      %parallel_loop3A_257 = vector.shape_cast %parallel_loop3A_256 : vector<16xi32> to vector<16xi32>
      %parallel_loop3A_258 = arith.index_cast %parallel_loop3A_254 : i32 to index
      %parallel_loop3A_259 = tpu.vector_load %arg9[%parallel_loop3A_258] {strides = array<i32>} : memref<4096xi32, #tpu.memory_space<vmem>>, vector<16xi32>,
      %parallel_loop3A_260 = vector.shape_cast %parallel_loop3A_259 : vector<16xi32> to vector<16xi32>
      %parallel_loop3A_261 = arith.index_cast %parallel_loop3A_254 : i32 to index
      %parallel_loop3A_262 = tpu.vector_load %arg11[%parallel_loop3A_261] {strides = array<i32>} : memref<4096xi32, #tpu.memory_space<vmem>>, vector<16xi32>,
      %parallel_loop3A_263 = vector.shape_cast %parallel_loop3A_262 : vector<16xi32> to vector<16xi32>
      %parallel_loop3A_264 = arith.constant 16 : i32
      %parallel_loop3A_265 = arith.muli %parallel_loop3A_252, %parallel_loop3A_264 : i32
      %parallel_loop3A_266 = arith.addi %add3A_132, %parallel_loop3A_265 : i32
      %parallel_loop3A_267 = vector.broadcast %parallel_loop3A_266 : i32 to vector<16xi32>
      %parallel_loop3A_268 = arith.addi %parallel_loop3A_267, %iota3A : vector<16xi32>
      %parallel_loop3A_269 = arith.constant 18 : i32
      %parallel_loop3A_270 = vector.broadcast %parallel_loop3A_269 : i32 to vector<16xi32>
      %parallel_loop3A_271 = arith.shrui %parallel_loop3A_268, %parallel_loop3A_270 : vector<16xi32>
      %parallel_loop3A_272 = arith.constant 24903680 : i32
      %parallel_loop3A_273 = vector.broadcast %parallel_loop3A_272 : i32 to vector<16xi32>
      %parallel_loop3A_274 = arith.muli %parallel_loop3A_271, %parallel_loop3A_273 : vector<16xi32>
      %parallel_loop3A_275 = arith.addi %parallel_loop3A_268, %parallel_loop3A_274 : vector<16xi32>
      %parallel_loop3A_276 = arith.constant 18 : i32
      %parallel_loop3A_277 = vector.broadcast %parallel_loop3A_276 : i32 to vector<16xi32>
      %parallel_loop3A_278 = arith.shli %parallel_loop3A_257, %parallel_loop3A_277 : vector<16xi32>
      %parallel_loop3A_279 = arith.addi %parallel_loop3A_275, %parallel_loop3A_278 : vector<16xi32>
      %parallel_loop3A_280 = arith.constant 18 : i32
      %parallel_loop3A_281 = vector.broadcast %parallel_loop3A_280 : i32 to vector<16xi32>
      %parallel_loop3A_282 = arith.shli %parallel_loop3A_260, %parallel_loop3A_281 : vector<16xi32>
      %parallel_loop3A_283 = arith.addi %parallel_loop3A_275, %parallel_loop3A_282 : vector<16xi32>
      %parallel_loop3A_284 = arith.constant 0 : i32
      %parallel_loop3A_285 = vector.broadcast %parallel_loop3A_284 : i32 to vector<16xi32>
      %parallel_loop3A_286 = arith.cmpi ne, %parallel_loop3A_263, %parallel_loop3A_285 : vector<16xi32>
      %parallel_loop3A_287 = arith.select %parallel_loop3A_286, %parallel_loop3A_283, %parallel_loop3A_279 : vector<16xi1>, vector<16xi32>
      %parallel_loop3A_288 = arith.index_cast %parallel_loop3A_254 : i32 to index
      %parallel_loop3A_289 = tpu.vector_load %arg13[%parallel_loop3A_288] {strides = array<i32>} : memref<4096xi32, #tpu.memory_space<vmem>>, vector<16xi32>,
      %parallel_loop3A_290 = vector.shape_cast %parallel_loop3A_289 : vector<16xi32> to vector<16xi32>
      %parallel_loop3A_291 = vector.shape_cast %parallel_loop3A_279 : vector<16xi32> to vector<16xi32>
      tpu.vector_store %arg13[%parallel_loop3A_288], %parallel_loop3A_291 {strides = array<i32>} : memref<4096xi32, #tpu.memory_space<vmem>>, vector<16xi32>,
      %parallel_loop3A_292 = arith.index_cast %parallel_loop3A_254 : i32 to index
      %parallel_loop3A_293 = tpu.vector_load %arg15[%parallel_loop3A_292] {strides = array<i32>} : memref<4096xi32, #tpu.memory_space<vmem>>, vector<16xi32>,
      %parallel_loop3A_294 = vector.shape_cast %parallel_loop3A_293 : vector<16xi32> to vector<16xi32>
      %parallel_loop3A_295 = vector.shape_cast %parallel_loop3A_287 : vector<16xi32> to vector<16xi32>
      tpu.vector_store %arg15[%parallel_loop3A_292], %parallel_loop3A_295 {strides = array<i32>} : memref<4096xi32, #tpu.memory_space<vmem>>, vector<16xi32>,
    } {sc.loop_unroll_factor = 8 : i64, sc.parallel_access}
    %add3A_136 = arith.constant 20480 : i32
    %add3A_137 = arith.addi %mul3A_2, %add3A_136 : i32
    %dma_start3A_138 = tpu.memref_slice %arg3[%add3A_137] : memref<1048576xi32, #tpu.memory_space<hbm>> -> memref<4096xi32, #tpu.memory_space<hbm>>
    %dma_start3A_139 = tpu.memref_slice %arg3[%add3A_137] : memref<1048576xi32, #tpu.memory_space<hbm>> -> memref<4096xi32, #tpu.memory_space<hbm>>
    tpu.enqueue_dma source(%dma_start3A_139 : memref<4096xi32, #tpu.memory_space<hbm>>) target(%arg8 : memref<4096xi32, #tpu.memory_space<vmem>>) target_semaphore(%arg23 : memref<!tpu.dma_semaphore, #tpu.memory_space<semaphore_mem>>)
    %dma_start3A_140 = tpu.memref_slice %arg4[%add3A_137] : memref<1048576xi32, #tpu.memory_space<hbm>> -> memref<4096xi32, #tpu.memory_space<hbm>>
    %dma_start3A_141 = tpu.memref_slice %arg4[%add3A_137] : memref<1048576xi32, #tpu.memory_space<hbm>> -> memref<4096xi32, #tpu.memory_space<hbm>>
    tpu.enqueue_dma source(%dma_start3A_141 : memref<4096xi32, #tpu.memory_space<hbm>>) target(%arg10 : memref<4096xi32, #tpu.memory_space<vmem>>) target_semaphore(%arg23 : memref<!tpu.dma_semaphore, #tpu.memory_space<semaphore_mem>>)
    %dma_start3A_142 = tpu.memref_slice %arg5[%add3A_137] : memref<1048576xi32, #tpu.memory_space<hbm>> -> memref<4096xi32, #tpu.memory_space<hbm>>
    %dma_start3A_143 = tpu.memref_slice %arg5[%add3A_137] : memref<1048576xi32, #tpu.memory_space<hbm>> -> memref<4096xi32, #tpu.memory_space<hbm>>
    tpu.enqueue_dma source(%dma_start3A_143 : memref<4096xi32, #tpu.memory_space<hbm>>) target(%arg12 : memref<4096xi32, #tpu.memory_space<vmem>>) target_semaphore(%arg23 : memref<!tpu.dma_semaphore, #tpu.memory_space<semaphore_mem>>)
    %dma_start3A_144 = arith.constant 0 : i32
    %dma_start3A_145 = tpu.memref_slice %arg2[%dma_start3A_144] : memref<100663296xf32, #tpu.memory_space<hbm>> -> memref<100663296xf32, #tpu.memory_space<hbm>>
    tpu.enqueue_indirect_dma source(%dma_start3A_145 : memref<100663296xf32, #tpu.memory_space<hbm>>) target(%arg17 : memref<4096xf32, #tpu.memory_space<vmem>>) offsets(%arg13 : memref<4096xi32, #tpu.memory_space<vmem>>) semaphore(%arg24 : memref<!tpu.dma_semaphore, #tpu.memory_space<semaphore_mem>>)
    %dma_start3A_146 = arith.constant 0 : i32
    %dma_start3A_147 = tpu.memref_slice %arg2[%dma_start3A_146] : memref<100663296xf32, #tpu.memory_space<hbm>> -> memref<100663296xf32, #tpu.memory_space<hbm>>
    tpu.enqueue_indirect_dma source(%dma_start3A_147 : memref<100663296xf32, #tpu.memory_space<hbm>>) target(%arg19 : memref<4096xf32, #tpu.memory_space<vmem>>) offsets(%arg15 : memref<4096xi32, #tpu.memory_space<vmem>>) semaphore(%arg24 : memref<!tpu.dma_semaphore, #tpu.memory_space<semaphore_mem>>)
    %dma_wait3A_148 = arith.constant 0 : i32
    %dma_wait3A_149 = tpu.memref_slice %arg2[%dma_wait3A_148] : memref<100663296xf32, #tpu.memory_space<hbm>> -> memref<100663296xf32, #tpu.memory_space<hbm>>
    tpu.wait_indirect_dma semaphore(%arg25 : memref<!tpu.dma_semaphore, #tpu.memory_space<semaphore_mem>>) src(%dma_wait3A_149 : memref<100663296xf32, #tpu.memory_space<hbm>>) dst(%arg18 : memref<4096xf32, #tpu.memory_space<vmem>>)
    %dma_wait3A_150 = arith.constant 0 : i32
    %dma_wait3A_151 = tpu.memref_slice %arg2[%dma_wait3A_150] : memref<100663296xf32, #tpu.memory_space<hbm>> -> memref<100663296xf32, #tpu.memory_space<hbm>>
    tpu.wait_indirect_dma semaphore(%arg25 : memref<!tpu.dma_semaphore, #tpu.memory_space<semaphore_mem>>) src(%dma_wait3A_151 : memref<100663296xf32, #tpu.memory_space<hbm>>) dst(%arg20 : memref<4096xf32, #tpu.memory_space<vmem>>)
    %parallel_loop3A_152 = arith.constant 0 : i32
    %parallel_loop3A_153 = arith.constant 256 : i32
    %parallel_loop3A_154 = arith.constant 1 : i32
    %parallel_loop3A_155 = scf.for %parallel_loop3A_252 = %parallel_loop3A_152 to %parallel_loop3A_153 step %parallel_loop3A_154 iter_args(%parallel_loop3A_253 = %parallel_loop3A_124) -> (vector<16xf32>)  : i32 {
      %parallel_loop3A_254 = arith.constant 16 : i32
      %parallel_loop3A_255 = arith.muli %parallel_loop3A_252, %parallel_loop3A_254 : i32
      %parallel_loop3A_256 = arith.index_cast %parallel_loop3A_255 : i32 to index
      %parallel_loop3A_257 = tpu.vector_load %arg18[%parallel_loop3A_256] {strides = array<i32>} : memref<4096xf32, #tpu.memory_space<vmem>>, vector<16xf32>,
      %parallel_loop3A_258 = vector.shape_cast %parallel_loop3A_257 : vector<16xf32> to vector<16xf32>
      %parallel_loop3A_259 = arith.index_cast %parallel_loop3A_255 : i32 to index
      %parallel_loop3A_260 = tpu.vector_load %arg20[%parallel_loop3A_259] {strides = array<i32>} : memref<4096xf32, #tpu.memory_space<vmem>>, vector<16xf32>,
      %parallel_loop3A_261 = vector.shape_cast %parallel_loop3A_260 : vector<16xf32> to vector<16xf32>
      %parallel_loop3A_262 = arith.subf %parallel_loop3A_258, %parallel_loop3A_261 : vector<16xf32>
      %parallel_loop3A_263 = arith.addf %parallel_loop3A_253, %parallel_loop3A_262 : vector<16xf32>
      scf.yield %parallel_loop3A_263 : vector<16xf32>
    } {sc.loop_unroll_factor = 8 : i64, sc.parallel_access}
    %dma_wait3A_156 = tpu.memref_slice %arg3[%add3A_137] : memref<1048576xi32, #tpu.memory_space<hbm>> -> memref<4096xi32, #tpu.memory_space<hbm>>
    %dma_wait3A_157 = tpu.memref_slice %arg3[%add3A_137] : memref<1048576xi32, #tpu.memory_space<hbm>> -> memref<4096xi32, #tpu.memory_space<hbm>>
    tpu.wait_dma2 semaphore(%arg23 : memref<!tpu.dma_semaphore, #tpu.memory_space<semaphore_mem>>) src(%dma_wait3A_157 : memref<4096xi32, #tpu.memory_space<hbm>>) dst(%arg8 : memref<4096xi32, #tpu.memory_space<vmem>>)
    %dma_wait3A_158 = tpu.memref_slice %arg4[%add3A_137] : memref<1048576xi32, #tpu.memory_space<hbm>> -> memref<4096xi32, #tpu.memory_space<hbm>>
    %dma_wait3A_159 = tpu.memref_slice %arg4[%add3A_137] : memref<1048576xi32, #tpu.memory_space<hbm>> -> memref<4096xi32, #tpu.memory_space<hbm>>
    tpu.wait_dma2 semaphore(%arg23 : memref<!tpu.dma_semaphore, #tpu.memory_space<semaphore_mem>>) src(%dma_wait3A_159 : memref<4096xi32, #tpu.memory_space<hbm>>) dst(%arg10 : memref<4096xi32, #tpu.memory_space<vmem>>)
    %dma_wait3A_160 = tpu.memref_slice %arg5[%add3A_137] : memref<1048576xi32, #tpu.memory_space<hbm>> -> memref<4096xi32, #tpu.memory_space<hbm>>
    %dma_wait3A_161 = tpu.memref_slice %arg5[%add3A_137] : memref<1048576xi32, #tpu.memory_space<hbm>> -> memref<4096xi32, #tpu.memory_space<hbm>>
    tpu.wait_dma2 semaphore(%arg23 : memref<!tpu.dma_semaphore, #tpu.memory_space<semaphore_mem>>) src(%dma_wait3A_161 : memref<4096xi32, #tpu.memory_space<hbm>>) dst(%arg12 : memref<4096xi32, #tpu.memory_space<vmem>>)
    %add3A_162 = arith.constant 20480 : i32
    %add3A_163 = arith.addi %mul3A_2, %add3A_162 : i32
    %parallel_loop3A_164 = arith.constant 0 : i32
    %parallel_loop3A_165 = arith.constant 256 : i32
    %parallel_loop3A_166 = arith.constant 1 : i32
    scf.for %parallel_loop3A_252 = %parallel_loop3A_164 to %parallel_loop3A_165 step %parallel_loop3A_166  : i32 {
      %parallel_loop3A_253 = arith.constant 16 : i32
      %parallel_loop3A_254 = arith.muli %parallel_loop3A_252, %parallel_loop3A_253 : i32
      %parallel_loop3A_255 = arith.index_cast %parallel_loop3A_254 : i32 to index
      %parallel_loop3A_256 = tpu.vector_load %arg8[%parallel_loop3A_255] {strides = array<i32>} : memref<4096xi32, #tpu.memory_space<vmem>>, vector<16xi32>,
      %parallel_loop3A_257 = vector.shape_cast %parallel_loop3A_256 : vector<16xi32> to vector<16xi32>
      %parallel_loop3A_258 = arith.index_cast %parallel_loop3A_254 : i32 to index
      %parallel_loop3A_259 = tpu.vector_load %arg10[%parallel_loop3A_258] {strides = array<i32>} : memref<4096xi32, #tpu.memory_space<vmem>>, vector<16xi32>,
      %parallel_loop3A_260 = vector.shape_cast %parallel_loop3A_259 : vector<16xi32> to vector<16xi32>
      %parallel_loop3A_261 = arith.index_cast %parallel_loop3A_254 : i32 to index
      %parallel_loop3A_262 = tpu.vector_load %arg12[%parallel_loop3A_261] {strides = array<i32>} : memref<4096xi32, #tpu.memory_space<vmem>>, vector<16xi32>,
      %parallel_loop3A_263 = vector.shape_cast %parallel_loop3A_262 : vector<16xi32> to vector<16xi32>
      %parallel_loop3A_264 = arith.constant 16 : i32
      %parallel_loop3A_265 = arith.muli %parallel_loop3A_252, %parallel_loop3A_264 : i32
      %parallel_loop3A_266 = arith.addi %add3A_163, %parallel_loop3A_265 : i32
      %parallel_loop3A_267 = vector.broadcast %parallel_loop3A_266 : i32 to vector<16xi32>
      %parallel_loop3A_268 = arith.addi %parallel_loop3A_267, %iota3A : vector<16xi32>
      %parallel_loop3A_269 = arith.constant 18 : i32
      %parallel_loop3A_270 = vector.broadcast %parallel_loop3A_269 : i32 to vector<16xi32>
      %parallel_loop3A_271 = arith.shrui %parallel_loop3A_268, %parallel_loop3A_270 : vector<16xi32>
      %parallel_loop3A_272 = arith.constant 24903680 : i32
      %parallel_loop3A_273 = vector.broadcast %parallel_loop3A_272 : i32 to vector<16xi32>
      %parallel_loop3A_274 = arith.muli %parallel_loop3A_271, %parallel_loop3A_273 : vector<16xi32>
      %parallel_loop3A_275 = arith.addi %parallel_loop3A_268, %parallel_loop3A_274 : vector<16xi32>
      %parallel_loop3A_276 = arith.constant 18 : i32
      %parallel_loop3A_277 = vector.broadcast %parallel_loop3A_276 : i32 to vector<16xi32>
      %parallel_loop3A_278 = arith.shli %parallel_loop3A_257, %parallel_loop3A_277 : vector<16xi32>
      %parallel_loop3A_279 = arith.addi %parallel_loop3A_275, %parallel_loop3A_278 : vector<16xi32>
      %parallel_loop3A_280 = arith.constant 18 : i32
      %parallel_loop3A_281 = vector.broadcast %parallel_loop3A_280 : i32 to vector<16xi32>
      %parallel_loop3A_282 = arith.shli %parallel_loop3A_260, %parallel_loop3A_281 : vector<16xi32>
      %parallel_loop3A_283 = arith.addi %parallel_loop3A_275, %parallel_loop3A_282 : vector<16xi32>
      %parallel_loop3A_284 = arith.constant 0 : i32
      %parallel_loop3A_285 = vector.broadcast %parallel_loop3A_284 : i32 to vector<16xi32>
      %parallel_loop3A_286 = arith.cmpi ne, %parallel_loop3A_263, %parallel_loop3A_285 : vector<16xi32>
      %parallel_loop3A_287 = arith.select %parallel_loop3A_286, %parallel_loop3A_283, %parallel_loop3A_279 : vector<16xi1>, vector<16xi32>
      %parallel_loop3A_288 = arith.index_cast %parallel_loop3A_254 : i32 to index
      %parallel_loop3A_289 = tpu.vector_load %arg14[%parallel_loop3A_288] {strides = array<i32>} : memref<4096xi32, #tpu.memory_space<vmem>>, vector<16xi32>,
      %parallel_loop3A_290 = vector.shape_cast %parallel_loop3A_289 : vector<16xi32> to vector<16xi32>
      %parallel_loop3A_291 = vector.shape_cast %parallel_loop3A_279 : vector<16xi32> to vector<16xi32>
      tpu.vector_store %arg14[%parallel_loop3A_288], %parallel_loop3A_291 {strides = array<i32>} : memref<4096xi32, #tpu.memory_space<vmem>>, vector<16xi32>,
      %parallel_loop3A_292 = arith.index_cast %parallel_loop3A_254 : i32 to index
      %parallel_loop3A_293 = tpu.vector_load %arg16[%parallel_loop3A_292] {strides = array<i32>} : memref<4096xi32, #tpu.memory_space<vmem>>, vector<16xi32>,
      %parallel_loop3A_294 = vector.shape_cast %parallel_loop3A_293 : vector<16xi32> to vector<16xi32>
      %parallel_loop3A_295 = vector.shape_cast %parallel_loop3A_287 : vector<16xi32> to vector<16xi32>
      tpu.vector_store %arg16[%parallel_loop3A_292], %parallel_loop3A_295 {strides = array<i32>} : memref<4096xi32, #tpu.memory_space<vmem>>, vector<16xi32>,
    } {sc.loop_unroll_factor = 8 : i64, sc.parallel_access}
    %add3A_167 = arith.constant 24576 : i32
    %add3A_168 = arith.addi %mul3A_2, %add3A_167 : i32
    %dma_start3A_169 = tpu.memref_slice %arg3[%add3A_168] : memref<1048576xi32, #tpu.memory_space<hbm>> -> memref<4096xi32, #tpu.memory_space<hbm>>
    %dma_start3A_170 = tpu.memref_slice %arg3[%add3A_168] : memref<1048576xi32, #tpu.memory_space<hbm>> -> memref<4096xi32, #tpu.memory_space<hbm>>
    tpu.enqueue_dma source(%dma_start3A_170 : memref<4096xi32, #tpu.memory_space<hbm>>) target(%arg7 : memref<4096xi32, #tpu.memory_space<vmem>>) target_semaphore(%arg22 : memref<!tpu.dma_semaphore, #tpu.memory_space<semaphore_mem>>)
    %dma_start3A_171 = tpu.memref_slice %arg4[%add3A_168] : memref<1048576xi32, #tpu.memory_space<hbm>> -> memref<4096xi32, #tpu.memory_space<hbm>>
    %dma_start3A_172 = tpu.memref_slice %arg4[%add3A_168] : memref<1048576xi32, #tpu.memory_space<hbm>> -> memref<4096xi32, #tpu.memory_space<hbm>>
    tpu.enqueue_dma source(%dma_start3A_172 : memref<4096xi32, #tpu.memory_space<hbm>>) target(%arg9 : memref<4096xi32, #tpu.memory_space<vmem>>) target_semaphore(%arg22 : memref<!tpu.dma_semaphore, #tpu.memory_space<semaphore_mem>>)
    %dma_start3A_173 = tpu.memref_slice %arg5[%add3A_168] : memref<1048576xi32, #tpu.memory_space<hbm>> -> memref<4096xi32, #tpu.memory_space<hbm>>
    %dma_start3A_174 = tpu.memref_slice %arg5[%add3A_168] : memref<1048576xi32, #tpu.memory_space<hbm>> -> memref<4096xi32, #tpu.memory_space<hbm>>
    tpu.enqueue_dma source(%dma_start3A_174 : memref<4096xi32, #tpu.memory_space<hbm>>) target(%arg11 : memref<4096xi32, #tpu.memory_space<vmem>>) target_semaphore(%arg22 : memref<!tpu.dma_semaphore, #tpu.memory_space<semaphore_mem>>)
    %dma_start3A_175 = arith.constant 0 : i32
    %dma_start3A_176 = tpu.memref_slice %arg2[%dma_start3A_175] : memref<100663296xf32, #tpu.memory_space<hbm>> -> memref<100663296xf32, #tpu.memory_space<hbm>>
    tpu.enqueue_indirect_dma source(%dma_start3A_176 : memref<100663296xf32, #tpu.memory_space<hbm>>) target(%arg18 : memref<4096xf32, #tpu.memory_space<vmem>>) offsets(%arg14 : memref<4096xi32, #tpu.memory_space<vmem>>) semaphore(%arg25 : memref<!tpu.dma_semaphore, #tpu.memory_space<semaphore_mem>>)
    %dma_start3A_177 = arith.constant 0 : i32
    %dma_start3A_178 = tpu.memref_slice %arg2[%dma_start3A_177] : memref<100663296xf32, #tpu.memory_space<hbm>> -> memref<100663296xf32, #tpu.memory_space<hbm>>
    tpu.enqueue_indirect_dma source(%dma_start3A_178 : memref<100663296xf32, #tpu.memory_space<hbm>>) target(%arg20 : memref<4096xf32, #tpu.memory_space<vmem>>) offsets(%arg16 : memref<4096xi32, #tpu.memory_space<vmem>>) semaphore(%arg25 : memref<!tpu.dma_semaphore, #tpu.memory_space<semaphore_mem>>)
    %dma_wait3A_179 = arith.constant 0 : i32
    %dma_wait3A_180 = tpu.memref_slice %arg2[%dma_wait3A_179] : memref<100663296xf32, #tpu.memory_space<hbm>> -> memref<100663296xf32, #tpu.memory_space<hbm>>
    tpu.wait_indirect_dma semaphore(%arg24 : memref<!tpu.dma_semaphore, #tpu.memory_space<semaphore_mem>>) src(%dma_wait3A_180 : memref<100663296xf32, #tpu.memory_space<hbm>>) dst(%arg17 : memref<4096xf32, #tpu.memory_space<vmem>>)
    %dma_wait3A_181 = arith.constant 0 : i32
    %dma_wait3A_182 = tpu.memref_slice %arg2[%dma_wait3A_181] : memref<100663296xf32, #tpu.memory_space<hbm>> -> memref<100663296xf32, #tpu.memory_space<hbm>>
    tpu.wait_indirect_dma semaphore(%arg24 : memref<!tpu.dma_semaphore, #tpu.memory_space<semaphore_mem>>) src(%dma_wait3A_182 : memref<100663296xf32, #tpu.memory_space<hbm>>) dst(%arg19 : memref<4096xf32, #tpu.memory_space<vmem>>)
    %parallel_loop3A_183 = arith.constant 0 : i32
    %parallel_loop3A_184 = arith.constant 256 : i32
    %parallel_loop3A_185 = arith.constant 1 : i32
    %parallel_loop3A_186 = scf.for %parallel_loop3A_252 = %parallel_loop3A_183 to %parallel_loop3A_184 step %parallel_loop3A_185 iter_args(%parallel_loop3A_253 = %parallel_loop3A_155) -> (vector<16xf32>)  : i32 {
      %parallel_loop3A_254 = arith.constant 16 : i32
      %parallel_loop3A_255 = arith.muli %parallel_loop3A_252, %parallel_loop3A_254 : i32
      %parallel_loop3A_256 = arith.index_cast %parallel_loop3A_255 : i32 to index
      %parallel_loop3A_257 = tpu.vector_load %arg17[%parallel_loop3A_256] {strides = array<i32>} : memref<4096xf32, #tpu.memory_space<vmem>>, vector<16xf32>,
      %parallel_loop3A_258 = vector.shape_cast %parallel_loop3A_257 : vector<16xf32> to vector<16xf32>
      %parallel_loop3A_259 = arith.index_cast %parallel_loop3A_255 : i32 to index
      %parallel_loop3A_260 = tpu.vector_load %arg19[%parallel_loop3A_259] {strides = array<i32>} : memref<4096xf32, #tpu.memory_space<vmem>>, vector<16xf32>,
      %parallel_loop3A_261 = vector.shape_cast %parallel_loop3A_260 : vector<16xf32> to vector<16xf32>
      %parallel_loop3A_262 = arith.subf %parallel_loop3A_258, %parallel_loop3A_261 : vector<16xf32>
      %parallel_loop3A_263 = arith.addf %parallel_loop3A_253, %parallel_loop3A_262 : vector<16xf32>
      scf.yield %parallel_loop3A_263 : vector<16xf32>
    } {sc.loop_unroll_factor = 8 : i64, sc.parallel_access}
    %dma_wait3A_187 = tpu.memref_slice %arg3[%add3A_168] : memref<1048576xi32, #tpu.memory_space<hbm>> -> memref<4096xi32, #tpu.memory_space<hbm>>
    %dma_wait3A_188 = tpu.memref_slice %arg3[%add3A_168] : memref<1048576xi32, #tpu.memory_space<hbm>> -> memref<4096xi32, #tpu.memory_space<hbm>>
    tpu.wait_dma2 semaphore(%arg22 : memref<!tpu.dma_semaphore, #tpu.memory_space<semaphore_mem>>) src(%dma_wait3A_188 : memref<4096xi32, #tpu.memory_space<hbm>>) dst(%arg7 : memref<4096xi32, #tpu.memory_space<vmem>>)
    %dma_wait3A_189 = tpu.memref_slice %arg4[%add3A_168] : memref<1048576xi32, #tpu.memory_space<hbm>> -> memref<4096xi32, #tpu.memory_space<hbm>>
    %dma_wait3A_190 = tpu.memref_slice %arg4[%add3A_168] : memref<1048576xi32, #tpu.memory_space<hbm>> -> memref<4096xi32, #tpu.memory_space<hbm>>
    tpu.wait_dma2 semaphore(%arg22 : memref<!tpu.dma_semaphore, #tpu.memory_space<semaphore_mem>>) src(%dma_wait3A_190 : memref<4096xi32, #tpu.memory_space<hbm>>) dst(%arg9 : memref<4096xi32, #tpu.memory_space<vmem>>)
    %dma_wait3A_191 = tpu.memref_slice %arg5[%add3A_168] : memref<1048576xi32, #tpu.memory_space<hbm>> -> memref<4096xi32, #tpu.memory_space<hbm>>
    %dma_wait3A_192 = tpu.memref_slice %arg5[%add3A_168] : memref<1048576xi32, #tpu.memory_space<hbm>> -> memref<4096xi32, #tpu.memory_space<hbm>>
    tpu.wait_dma2 semaphore(%arg22 : memref<!tpu.dma_semaphore, #tpu.memory_space<semaphore_mem>>) src(%dma_wait3A_192 : memref<4096xi32, #tpu.memory_space<hbm>>) dst(%arg11 : memref<4096xi32, #tpu.memory_space<vmem>>)
    %add3A_193 = arith.constant 24576 : i32
    %add3A_194 = arith.addi %mul3A_2, %add3A_193 : i32
    %parallel_loop3A_195 = arith.constant 0 : i32
    %parallel_loop3A_196 = arith.constant 256 : i32
    %parallel_loop3A_197 = arith.constant 1 : i32
    scf.for %parallel_loop3A_252 = %parallel_loop3A_195 to %parallel_loop3A_196 step %parallel_loop3A_197  : i32 {
      %parallel_loop3A_253 = arith.constant 16 : i32
      %parallel_loop3A_254 = arith.muli %parallel_loop3A_252, %parallel_loop3A_253 : i32
      %parallel_loop3A_255 = arith.index_cast %parallel_loop3A_254 : i32 to index
      %parallel_loop3A_256 = tpu.vector_load %arg7[%parallel_loop3A_255] {strides = array<i32>} : memref<4096xi32, #tpu.memory_space<vmem>>, vector<16xi32>,
      %parallel_loop3A_257 = vector.shape_cast %parallel_loop3A_256 : vector<16xi32> to vector<16xi32>
      %parallel_loop3A_258 = arith.index_cast %parallel_loop3A_254 : i32 to index
      %parallel_loop3A_259 = tpu.vector_load %arg9[%parallel_loop3A_258] {strides = array<i32>} : memref<4096xi32, #tpu.memory_space<vmem>>, vector<16xi32>,
      %parallel_loop3A_260 = vector.shape_cast %parallel_loop3A_259 : vector<16xi32> to vector<16xi32>
      %parallel_loop3A_261 = arith.index_cast %parallel_loop3A_254 : i32 to index
      %parallel_loop3A_262 = tpu.vector_load %arg11[%parallel_loop3A_261] {strides = array<i32>} : memref<4096xi32, #tpu.memory_space<vmem>>, vector<16xi32>,
      %parallel_loop3A_263 = vector.shape_cast %parallel_loop3A_262 : vector<16xi32> to vector<16xi32>
      %parallel_loop3A_264 = arith.constant 16 : i32
      %parallel_loop3A_265 = arith.muli %parallel_loop3A_252, %parallel_loop3A_264 : i32
      %parallel_loop3A_266 = arith.addi %add3A_194, %parallel_loop3A_265 : i32
      %parallel_loop3A_267 = vector.broadcast %parallel_loop3A_266 : i32 to vector<16xi32>
      %parallel_loop3A_268 = arith.addi %parallel_loop3A_267, %iota3A : vector<16xi32>
      %parallel_loop3A_269 = arith.constant 18 : i32
      %parallel_loop3A_270 = vector.broadcast %parallel_loop3A_269 : i32 to vector<16xi32>
      %parallel_loop3A_271 = arith.shrui %parallel_loop3A_268, %parallel_loop3A_270 : vector<16xi32>
      %parallel_loop3A_272 = arith.constant 24903680 : i32
      %parallel_loop3A_273 = vector.broadcast %parallel_loop3A_272 : i32 to vector<16xi32>
      %parallel_loop3A_274 = arith.muli %parallel_loop3A_271, %parallel_loop3A_273 : vector<16xi32>
      %parallel_loop3A_275 = arith.addi %parallel_loop3A_268, %parallel_loop3A_274 : vector<16xi32>
      %parallel_loop3A_276 = arith.constant 18 : i32
      %parallel_loop3A_277 = vector.broadcast %parallel_loop3A_276 : i32 to vector<16xi32>
      %parallel_loop3A_278 = arith.shli %parallel_loop3A_257, %parallel_loop3A_277 : vector<16xi32>
      %parallel_loop3A_279 = arith.addi %parallel_loop3A_275, %parallel_loop3A_278 : vector<16xi32>
      %parallel_loop3A_280 = arith.constant 18 : i32
      %parallel_loop3A_281 = vector.broadcast %parallel_loop3A_280 : i32 to vector<16xi32>
      %parallel_loop3A_282 = arith.shli %parallel_loop3A_260, %parallel_loop3A_281 : vector<16xi32>
      %parallel_loop3A_283 = arith.addi %parallel_loop3A_275, %parallel_loop3A_282 : vector<16xi32>
      %parallel_loop3A_284 = arith.constant 0 : i32
      %parallel_loop3A_285 = vector.broadcast %parallel_loop3A_284 : i32 to vector<16xi32>
      %parallel_loop3A_286 = arith.cmpi ne, %parallel_loop3A_263, %parallel_loop3A_285 : vector<16xi32>
      %parallel_loop3A_287 = arith.select %parallel_loop3A_286, %parallel_loop3A_283, %parallel_loop3A_279 : vector<16xi1>, vector<16xi32>
      %parallel_loop3A_288 = arith.index_cast %parallel_loop3A_254 : i32 to index
      %parallel_loop3A_289 = tpu.vector_load %arg13[%parallel_loop3A_288] {strides = array<i32>} : memref<4096xi32, #tpu.memory_space<vmem>>, vector<16xi32>,
      %parallel_loop3A_290 = vector.shape_cast %parallel_loop3A_289 : vector<16xi32> to vector<16xi32>
      %parallel_loop3A_291 = vector.shape_cast %parallel_loop3A_279 : vector<16xi32> to vector<16xi32>
      tpu.vector_store %arg13[%parallel_loop3A_288], %parallel_loop3A_291 {strides = array<i32>} : memref<4096xi32, #tpu.memory_space<vmem>>, vector<16xi32>,
      %parallel_loop3A_292 = arith.index_cast %parallel_loop3A_254 : i32 to index
      %parallel_loop3A_293 = tpu.vector_load %arg15[%parallel_loop3A_292] {strides = array<i32>} : memref<4096xi32, #tpu.memory_space<vmem>>, vector<16xi32>,
      %parallel_loop3A_294 = vector.shape_cast %parallel_loop3A_293 : vector<16xi32> to vector<16xi32>
      %parallel_loop3A_295 = vector.shape_cast %parallel_loop3A_287 : vector<16xi32> to vector<16xi32>
      tpu.vector_store %arg15[%parallel_loop3A_292], %parallel_loop3A_295 {strides = array<i32>} : memref<4096xi32, #tpu.memory_space<vmem>>, vector<16xi32>,
    } {sc.loop_unroll_factor = 8 : i64, sc.parallel_access}
    %add3A_198 = arith.constant 28672 : i32
    %add3A_199 = arith.addi %mul3A_2, %add3A_198 : i32
    %dma_start3A_200 = tpu.memref_slice %arg3[%add3A_199] : memref<1048576xi32, #tpu.memory_space<hbm>> -> memref<4096xi32, #tpu.memory_space<hbm>>
    %dma_start3A_201 = tpu.memref_slice %arg3[%add3A_199] : memref<1048576xi32, #tpu.memory_space<hbm>> -> memref<4096xi32, #tpu.memory_space<hbm>>
    tpu.enqueue_dma source(%dma_start3A_201 : memref<4096xi32, #tpu.memory_space<hbm>>) target(%arg8 : memref<4096xi32, #tpu.memory_space<vmem>>) target_semaphore(%arg23 : memref<!tpu.dma_semaphore, #tpu.memory_space<semaphore_mem>>)
    %dma_start3A_202 = tpu.memref_slice %arg4[%add3A_199] : memref<1048576xi32, #tpu.memory_space<hbm>> -> memref<4096xi32, #tpu.memory_space<hbm>>
    %dma_start3A_203 = tpu.memref_slice %arg4[%add3A_199] : memref<1048576xi32, #tpu.memory_space<hbm>> -> memref<4096xi32, #tpu.memory_space<hbm>>
    tpu.enqueue_dma source(%dma_start3A_203 : memref<4096xi32, #tpu.memory_space<hbm>>) target(%arg10 : memref<4096xi32, #tpu.memory_space<vmem>>) target_semaphore(%arg23 : memref<!tpu.dma_semaphore, #tpu.memory_space<semaphore_mem>>)
    %dma_start3A_204 = tpu.memref_slice %arg5[%add3A_199] : memref<1048576xi32, #tpu.memory_space<hbm>> -> memref<4096xi32, #tpu.memory_space<hbm>>
    %dma_start3A_205 = tpu.memref_slice %arg5[%add3A_199] : memref<1048576xi32, #tpu.memory_space<hbm>> -> memref<4096xi32, #tpu.memory_space<hbm>>
    tpu.enqueue_dma source(%dma_start3A_205 : memref<4096xi32, #tpu.memory_space<hbm>>) target(%arg12 : memref<4096xi32, #tpu.memory_space<vmem>>) target_semaphore(%arg23 : memref<!tpu.dma_semaphore, #tpu.memory_space<semaphore_mem>>)
    %dma_start3A_206 = arith.constant 0 : i32
    %dma_start3A_207 = tpu.memref_slice %arg2[%dma_start3A_206] : memref<100663296xf32, #tpu.memory_space<hbm>> -> memref<100663296xf32, #tpu.memory_space<hbm>>
    tpu.enqueue_indirect_dma source(%dma_start3A_207 : memref<100663296xf32, #tpu.memory_space<hbm>>) target(%arg17 : memref<4096xf32, #tpu.memory_space<vmem>>) offsets(%arg13 : memref<4096xi32, #tpu.memory_space<vmem>>) semaphore(%arg24 : memref<!tpu.dma_semaphore, #tpu.memory_space<semaphore_mem>>)
    %dma_start3A_208 = arith.constant 0 : i32
    %dma_start3A_209 = tpu.memref_slice %arg2[%dma_start3A_208] : memref<100663296xf32, #tpu.memory_space<hbm>> -> memref<100663296xf32, #tpu.memory_space<hbm>>
    tpu.enqueue_indirect_dma source(%dma_start3A_209 : memref<100663296xf32, #tpu.memory_space<hbm>>) target(%arg19 : memref<4096xf32, #tpu.memory_space<vmem>>) offsets(%arg15 : memref<4096xi32, #tpu.memory_space<vmem>>) semaphore(%arg24 : memref<!tpu.dma_semaphore, #tpu.memory_space<semaphore_mem>>)
    %dma_wait3A_210 = arith.constant 0 : i32
    %dma_wait3A_211 = tpu.memref_slice %arg2[%dma_wait3A_210] : memref<100663296xf32, #tpu.memory_space<hbm>> -> memref<100663296xf32, #tpu.memory_space<hbm>>
    tpu.wait_indirect_dma semaphore(%arg25 : memref<!tpu.dma_semaphore, #tpu.memory_space<semaphore_mem>>) src(%dma_wait3A_211 : memref<100663296xf32, #tpu.memory_space<hbm>>) dst(%arg18 : memref<4096xf32, #tpu.memory_space<vmem>>)
    %dma_wait3A_212 = arith.constant 0 : i32
    %dma_wait3A_213 = tpu.memref_slice %arg2[%dma_wait3A_212] : memref<100663296xf32, #tpu.memory_space<hbm>> -> memref<100663296xf32, #tpu.memory_space<hbm>>
    tpu.wait_indirect_dma semaphore(%arg25 : memref<!tpu.dma_semaphore, #tpu.memory_space<semaphore_mem>>) src(%dma_wait3A_213 : memref<100663296xf32, #tpu.memory_space<hbm>>) dst(%arg20 : memref<4096xf32, #tpu.memory_space<vmem>>)
    %parallel_loop3A_214 = arith.constant 0 : i32
    %parallel_loop3A_215 = arith.constant 256 : i32
    %parallel_loop3A_216 = arith.constant 1 : i32
    %parallel_loop3A_217 = scf.for %parallel_loop3A_252 = %parallel_loop3A_214 to %parallel_loop3A_215 step %parallel_loop3A_216 iter_args(%parallel_loop3A_253 = %parallel_loop3A_186) -> (vector<16xf32>)  : i32 {
      %parallel_loop3A_254 = arith.constant 16 : i32
      %parallel_loop3A_255 = arith.muli %parallel_loop3A_252, %parallel_loop3A_254 : i32
      %parallel_loop3A_256 = arith.index_cast %parallel_loop3A_255 : i32 to index
      %parallel_loop3A_257 = tpu.vector_load %arg18[%parallel_loop3A_256] {strides = array<i32>} : memref<4096xf32, #tpu.memory_space<vmem>>, vector<16xf32>,
      %parallel_loop3A_258 = vector.shape_cast %parallel_loop3A_257 : vector<16xf32> to vector<16xf32>
      %parallel_loop3A_259 = arith.index_cast %parallel_loop3A_255 : i32 to index
      %parallel_loop3A_260 = tpu.vector_load %arg20[%parallel_loop3A_259] {strides = array<i32>} : memref<4096xf32, #tpu.memory_space<vmem>>, vector<16xf32>,
      %parallel_loop3A_261 = vector.shape_cast %parallel_loop3A_260 : vector<16xf32> to vector<16xf32>
      %parallel_loop3A_262 = arith.subf %parallel_loop3A_258, %parallel_loop3A_261 : vector<16xf32>
      %parallel_loop3A_263 = arith.addf %parallel_loop3A_253, %parallel_loop3A_262 : vector<16xf32>
      scf.yield %parallel_loop3A_263 : vector<16xf32>
    } {sc.loop_unroll_factor = 8 : i64, sc.parallel_access}
    %dma_wait3A_218 = tpu.memref_slice %arg3[%add3A_199] : memref<1048576xi32, #tpu.memory_space<hbm>> -> memref<4096xi32, #tpu.memory_space<hbm>>
    %dma_wait3A_219 = tpu.memref_slice %arg3[%add3A_199] : memref<1048576xi32, #tpu.memory_space<hbm>> -> memref<4096xi32, #tpu.memory_space<hbm>>
    tpu.wait_dma2 semaphore(%arg23 : memref<!tpu.dma_semaphore, #tpu.memory_space<semaphore_mem>>) src(%dma_wait3A_219 : memref<4096xi32, #tpu.memory_space<hbm>>) dst(%arg8 : memref<4096xi32, #tpu.memory_space<vmem>>)
    %dma_wait3A_220 = tpu.memref_slice %arg4[%add3A_199] : memref<1048576xi32, #tpu.memory_space<hbm>> -> memref<4096xi32, #tpu.memory_space<hbm>>
    %dma_wait3A_221 = tpu.memref_slice %arg4[%add3A_199] : memref<1048576xi32, #tpu.memory_space<hbm>> -> memref<4096xi32, #tpu.memory_space<hbm>>
    tpu.wait_dma2 semaphore(%arg23 : memref<!tpu.dma_semaphore, #tpu.memory_space<semaphore_mem>>) src(%dma_wait3A_221 : memref<4096xi32, #tpu.memory_space<hbm>>) dst(%arg10 : memref<4096xi32, #tpu.memory_space<vmem>>)
    %dma_wait3A_222 = tpu.memref_slice %arg5[%add3A_199] : memref<1048576xi32, #tpu.memory_space<hbm>> -> memref<4096xi32, #tpu.memory_space<hbm>>
    %dma_wait3A_223 = tpu.memref_slice %arg5[%add3A_199] : memref<1048576xi32, #tpu.memory_space<hbm>> -> memref<4096xi32, #tpu.memory_space<hbm>>
    tpu.wait_dma2 semaphore(%arg23 : memref<!tpu.dma_semaphore, #tpu.memory_space<semaphore_mem>>) src(%dma_wait3A_223 : memref<4096xi32, #tpu.memory_space<hbm>>) dst(%arg12 : memref<4096xi32, #tpu.memory_space<vmem>>)
    %add3A_224 = arith.constant 28672 : i32
    %add3A_225 = arith.addi %mul3A_2, %add3A_224 : i32
    %parallel_loop3A_226 = arith.constant 0 : i32
    %parallel_loop3A_227 = arith.constant 256 : i32
    %parallel_loop3A_228 = arith.constant 1 : i32
    scf.for %parallel_loop3A_252 = %parallel_loop3A_226 to %parallel_loop3A_227 step %parallel_loop3A_228  : i32 {
      %parallel_loop3A_253 = arith.constant 16 : i32
      %parallel_loop3A_254 = arith.muli %parallel_loop3A_252, %parallel_loop3A_253 : i32
      %parallel_loop3A_255 = arith.index_cast %parallel_loop3A_254 : i32 to index
      %parallel_loop3A_256 = tpu.vector_load %arg8[%parallel_loop3A_255] {strides = array<i32>} : memref<4096xi32, #tpu.memory_space<vmem>>, vector<16xi32>,
      %parallel_loop3A_257 = vector.shape_cast %parallel_loop3A_256 : vector<16xi32> to vector<16xi32>
      %parallel_loop3A_258 = arith.index_cast %parallel_loop3A_254 : i32 to index
      %parallel_loop3A_259 = tpu.vector_load %arg10[%parallel_loop3A_258] {strides = array<i32>} : memref<4096xi32, #tpu.memory_space<vmem>>, vector<16xi32>,
      %parallel_loop3A_260 = vector.shape_cast %parallel_loop3A_259 : vector<16xi32> to vector<16xi32>
      %parallel_loop3A_261 = arith.index_cast %parallel_loop3A_254 : i32 to index
      %parallel_loop3A_262 = tpu.vector_load %arg12[%parallel_loop3A_261] {strides = array<i32>} : memref<4096xi32, #tpu.memory_space<vmem>>, vector<16xi32>,
      %parallel_loop3A_263 = vector.shape_cast %parallel_loop3A_262 : vector<16xi32> to vector<16xi32>
      %parallel_loop3A_264 = arith.constant 16 : i32
      %parallel_loop3A_265 = arith.muli %parallel_loop3A_252, %parallel_loop3A_264 : i32
      %parallel_loop3A_266 = arith.addi %add3A_225, %parallel_loop3A_265 : i32
      %parallel_loop3A_267 = vector.broadcast %parallel_loop3A_266 : i32 to vector<16xi32>
      %parallel_loop3A_268 = arith.addi %parallel_loop3A_267, %iota3A : vector<16xi32>
      %parallel_loop3A_269 = arith.constant 18 : i32
      %parallel_loop3A_270 = vector.broadcast %parallel_loop3A_269 : i32 to vector<16xi32>
      %parallel_loop3A_271 = arith.shrui %parallel_loop3A_268, %parallel_loop3A_270 : vector<16xi32>
      %parallel_loop3A_272 = arith.constant 24903680 : i32
      %parallel_loop3A_273 = vector.broadcast %parallel_loop3A_272 : i32 to vector<16xi32>
      %parallel_loop3A_274 = arith.muli %parallel_loop3A_271, %parallel_loop3A_273 : vector<16xi32>
      %parallel_loop3A_275 = arith.addi %parallel_loop3A_268, %parallel_loop3A_274 : vector<16xi32>
      %parallel_loop3A_276 = arith.constant 18 : i32
      %parallel_loop3A_277 = vector.broadcast %parallel_loop3A_276 : i32 to vector<16xi32>
      %parallel_loop3A_278 = arith.shli %parallel_loop3A_257, %parallel_loop3A_277 : vector<16xi32>
      %parallel_loop3A_279 = arith.addi %parallel_loop3A_275, %parallel_loop3A_278 : vector<16xi32>
      %parallel_loop3A_280 = arith.constant 18 : i32
      %parallel_loop3A_281 = vector.broadcast %parallel_loop3A_280 : i32 to vector<16xi32>
      %parallel_loop3A_282 = arith.shli %parallel_loop3A_260, %parallel_loop3A_281 : vector<16xi32>
      %parallel_loop3A_283 = arith.addi %parallel_loop3A_275, %parallel_loop3A_282 : vector<16xi32>
      %parallel_loop3A_284 = arith.constant 0 : i32
      %parallel_loop3A_285 = vector.broadcast %parallel_loop3A_284 : i32 to vector<16xi32>
      %parallel_loop3A_286 = arith.cmpi ne, %parallel_loop3A_263, %parallel_loop3A_285 : vector<16xi32>
      %parallel_loop3A_287 = arith.select %parallel_loop3A_286, %parallel_loop3A_283, %parallel_loop3A_279 : vector<16xi1>, vector<16xi32>
      %parallel_loop3A_288 = arith.index_cast %parallel_loop3A_254 : i32 to index
      %parallel_loop3A_289 = tpu.vector_load %arg14[%parallel_loop3A_288] {strides = array<i32>} : memref<4096xi32, #tpu.memory_space<vmem>>, vector<16xi32>,
      %parallel_loop3A_290 = vector.shape_cast %parallel_loop3A_289 : vector<16xi32> to vector<16xi32>
      %parallel_loop3A_291 = vector.shape_cast %parallel_loop3A_279 : vector<16xi32> to vector<16xi32>
      tpu.vector_store %arg14[%parallel_loop3A_288], %parallel_loop3A_291 {strides = array<i32>} : memref<4096xi32, #tpu.memory_space<vmem>>, vector<16xi32>,
      %parallel_loop3A_292 = arith.index_cast %parallel_loop3A_254 : i32 to index
      %parallel_loop3A_293 = tpu.vector_load %arg16[%parallel_loop3A_292] {strides = array<i32>} : memref<4096xi32, #tpu.memory_space<vmem>>, vector<16xi32>,
      %parallel_loop3A_294 = vector.shape_cast %parallel_loop3A_293 : vector<16xi32> to vector<16xi32>
      %parallel_loop3A_295 = vector.shape_cast %parallel_loop3A_287 : vector<16xi32> to vector<16xi32>
      tpu.vector_store %arg16[%parallel_loop3A_292], %parallel_loop3A_295 {strides = array<i32>} : memref<4096xi32, #tpu.memory_space<vmem>>, vector<16xi32>,
    } {sc.loop_unroll_factor = 8 : i64, sc.parallel_access}
    %dma_start3A_229 = arith.constant 0 : i32
    %dma_start3A_230 = tpu.memref_slice %arg2[%dma_start3A_229] : memref<100663296xf32, #tpu.memory_space<hbm>> -> memref<100663296xf32, #tpu.memory_space<hbm>>
    tpu.enqueue_indirect_dma source(%dma_start3A_230 : memref<100663296xf32, #tpu.memory_space<hbm>>) target(%arg18 : memref<4096xf32, #tpu.memory_space<vmem>>) offsets(%arg14 : memref<4096xi32, #tpu.memory_space<vmem>>) semaphore(%arg25 : memref<!tpu.dma_semaphore, #tpu.memory_space<semaphore_mem>>)
    %dma_start3A_231 = arith.constant 0 : i32
    %dma_start3A_232 = tpu.memref_slice %arg2[%dma_start3A_231] : memref<100663296xf32, #tpu.memory_space<hbm>> -> memref<100663296xf32, #tpu.memory_space<hbm>>
    tpu.enqueue_indirect_dma source(%dma_start3A_232 : memref<100663296xf32, #tpu.memory_space<hbm>>) target(%arg20 : memref<4096xf32, #tpu.memory_space<vmem>>) offsets(%arg16 : memref<4096xi32, #tpu.memory_space<vmem>>) semaphore(%arg25 : memref<!tpu.dma_semaphore, #tpu.memory_space<semaphore_mem>>)
    %dma_wait3A_233 = arith.constant 0 : i32
    %dma_wait3A_234 = tpu.memref_slice %arg2[%dma_wait3A_233] : memref<100663296xf32, #tpu.memory_space<hbm>> -> memref<100663296xf32, #tpu.memory_space<hbm>>
    tpu.wait_indirect_dma semaphore(%arg24 : memref<!tpu.dma_semaphore, #tpu.memory_space<semaphore_mem>>) src(%dma_wait3A_234 : memref<100663296xf32, #tpu.memory_space<hbm>>) dst(%arg17 : memref<4096xf32, #tpu.memory_space<vmem>>)
    %dma_wait3A_235 = arith.constant 0 : i32
    %dma_wait3A_236 = tpu.memref_slice %arg2[%dma_wait3A_235] : memref<100663296xf32, #tpu.memory_space<hbm>> -> memref<100663296xf32, #tpu.memory_space<hbm>>
    tpu.wait_indirect_dma semaphore(%arg24 : memref<!tpu.dma_semaphore, #tpu.memory_space<semaphore_mem>>) src(%dma_wait3A_236 : memref<100663296xf32, #tpu.memory_space<hbm>>) dst(%arg19 : memref<4096xf32, #tpu.memory_space<vmem>>)
    %parallel_loop3A_237 = arith.constant 0 : i32
    %parallel_loop3A_238 = arith.constant 256 : i32
    %parallel_loop3A_239 = arith.constant 1 : i32
    %parallel_loop3A_240 = scf.for %parallel_loop3A_252 = %parallel_loop3A_237 to %parallel_loop3A_238 step %parallel_loop3A_239 iter_args(%parallel_loop3A_253 = %parallel_loop3A_217) -> (vector<16xf32>)  : i32 {
      %parallel_loop3A_254 = arith.constant 16 : i32
      %parallel_loop3A_255 = arith.muli %parallel_loop3A_252, %parallel_loop3A_254 : i32
      %parallel_loop3A_256 = arith.index_cast %parallel_loop3A_255 : i32 to index
      %parallel_loop3A_257 = tpu.vector_load %arg17[%parallel_loop3A_256] {strides = array<i32>} : memref<4096xf32, #tpu.memory_space<vmem>>, vector<16xf32>,
      %parallel_loop3A_258 = vector.shape_cast %parallel_loop3A_257 : vector<16xf32> to vector<16xf32>
      %parallel_loop3A_259 = arith.index_cast %parallel_loop3A_255 : i32 to index
      %parallel_loop3A_260 = tpu.vector_load %arg19[%parallel_loop3A_259] {strides = array<i32>} : memref<4096xf32, #tpu.memory_space<vmem>>, vector<16xf32>,
      %parallel_loop3A_261 = vector.shape_cast %parallel_loop3A_260 : vector<16xf32> to vector<16xf32>
      %parallel_loop3A_262 = arith.subf %parallel_loop3A_258, %parallel_loop3A_261 : vector<16xf32>
      %parallel_loop3A_263 = arith.addf %parallel_loop3A_253, %parallel_loop3A_262 : vector<16xf32>
      scf.yield %parallel_loop3A_263 : vector<16xf32>
    } {sc.loop_unroll_factor = 8 : i64, sc.parallel_access}
    %dma_wait3A_241 = arith.constant 0 : i32
    %dma_wait3A_242 = tpu.memref_slice %arg2[%dma_wait3A_241] : memref<100663296xf32, #tpu.memory_space<hbm>> -> memref<100663296xf32, #tpu.memory_space<hbm>>
    tpu.wait_indirect_dma semaphore(%arg25 : memref<!tpu.dma_semaphore, #tpu.memory_space<semaphore_mem>>) src(%dma_wait3A_242 : memref<100663296xf32, #tpu.memory_space<hbm>>) dst(%arg18 : memref<4096xf32, #tpu.memory_space<vmem>>)
    %dma_wait3A_243 = arith.constant 0 : i32
    %dma_wait3A_244 = tpu.memref_slice %arg2[%dma_wait3A_243] : memref<100663296xf32, #tpu.memory_space<hbm>> -> memref<100663296xf32, #tpu.memory_space<hbm>>
    tpu.wait_indirect_dma semaphore(%arg25 : memref<!tpu.dma_semaphore, #tpu.memory_space<semaphore_mem>>) src(%dma_wait3A_244 : memref<100663296xf32, #tpu.memory_space<hbm>>) dst(%arg20 : memref<4096xf32, #tpu.memory_space<vmem>>)
    %parallel_loop3A_245 = arith.constant 0 : i32
    %parallel_loop3A_246 = arith.constant 256 : i32
    %parallel_loop3A_247 = arith.constant 1 : i32
    %parallel_loop3A_248 = scf.for %parallel_loop3A_252 = %parallel_loop3A_245 to %parallel_loop3A_246 step %parallel_loop3A_247 iter_args(%parallel_loop3A_253 = %parallel_loop3A_240) -> (vector<16xf32>)  : i32 {
      %parallel_loop3A_254 = arith.constant 16 : i32
      %parallel_loop3A_255 = arith.muli %parallel_loop3A_252, %parallel_loop3A_254 : i32
      %parallel_loop3A_256 = arith.index_cast %parallel_loop3A_255 : i32 to index
      %parallel_loop3A_257 = tpu.vector_load %arg18[%parallel_loop3A_256] {strides = array<i32>} : memref<4096xf32, #tpu.memory_space<vmem>>, vector<16xf32>,
      %parallel_loop3A_258 = vector.shape_cast %parallel_loop3A_257 : vector<16xf32> to vector<16xf32>
      %parallel_loop3A_259 = arith.index_cast %parallel_loop3A_255 : i32 to index
      %parallel_loop3A_260 = tpu.vector_load %arg20[%parallel_loop3A_259] {strides = array<i32>} : memref<4096xf32, #tpu.memory_space<vmem>>, vector<16xf32>,
      %parallel_loop3A_261 = vector.shape_cast %parallel_loop3A_260 : vector<16xf32> to vector<16xf32>
      %parallel_loop3A_262 = arith.subf %parallel_loop3A_258, %parallel_loop3A_261 : vector<16xf32>
      %parallel_loop3A_263 = arith.addf %parallel_loop3A_253, %parallel_loop3A_262 : vector<16xf32>
      scf.yield %parallel_loop3A_263 : vector<16xf32>
    } {sc.loop_unroll_factor = 8 : i64, sc.parallel_access}
    %swap3A = arith.constant 0 : index
    %swap3A_249 = tpu.vector_load %arg21[%swap3A] {strides = array<i32>} : memref<16xf32, #tpu.memory_space<vmem>>, vector<16xf32>,
    %swap3A_250 = vector.shape_cast %swap3A_249 : vector<16xf32> to vector<16xf32>
    %swap3A_251 = vector.shape_cast %parallel_loop3A_248 : vector<16xf32> to vector<16xf32>
    tpu.vector_store %arg21[%swap3A], %swap3A_251 {strides = array<i32>} : memref<16xf32, #tpu.memory_space<vmem>>, vector<16xf32>,
    "tpu.region"() ({
      %run_scoped3A = tpu.sem_alloc : memref<!tpu.dma_semaphore, #tpu.memory_space<semaphore_mem>>
      %dma_start3A_252 = arith.constant 0 : i32
      %dma_start3A_253 = tpu.memref_slice %arg6[%add3A, %dma_start3A_252] : memref<32x16xf32, #tpu.memory_space<hbm>> -> memref<1x16xf32, #tpu.memory_space<hbm>>
      %dma_start3A_254 = tpu.memref_squeeze %dma_start3A_253 : memref<1x16xf32, #tpu.memory_space<hbm>> -> memref<16xf32, #tpu.memory_space<hbm>>
      %dma_start3A_255 = arith.constant 0 : i32
      %dma_start3A_256 = tpu.memref_slice %arg6[%add3A, %dma_start3A_255] : memref<32x16xf32, #tpu.memory_space<hbm>> -> memref<1x16xf32, #tpu.memory_space<hbm>>
      %dma_start3A_257 = tpu.memref_squeeze %dma_start3A_256 : memref<1x16xf32, #tpu.memory_space<hbm>> -> memref<16xf32, #tpu.memory_space<hbm>>
      tpu.enqueue_dma source(%arg21 : memref<16xf32, #tpu.memory_space<vmem>>) target(%dma_start3A_257 : memref<16xf32, #tpu.memory_space<hbm>>) target_semaphore(%run_scoped3A : memref<!tpu.dma_semaphore, #tpu.memory_space<semaphore_mem>>)
      %dma_wait3A_258 = arith.constant 0 : i32
      %dma_wait3A_259 = tpu.memref_slice %arg6[%add3A, %dma_wait3A_258] : memref<32x16xf32, #tpu.memory_space<hbm>> -> memref<1x16xf32, #tpu.memory_space<hbm>>
      %dma_wait3A_260 = tpu.memref_squeeze %dma_wait3A_259 : memref<1x16xf32, #tpu.memory_space<hbm>> -> memref<16xf32, #tpu.memory_space<hbm>>
      %dma_wait3A_261 = arith.constant 0 : i32
      %dma_wait3A_262 = tpu.memref_slice %arg6[%add3A, %dma_wait3A_261] : memref<32x16xf32, #tpu.memory_space<hbm>> -> memref<1x16xf32, #tpu.memory_space<hbm>>
      %dma_wait3A_263 = tpu.memref_squeeze %dma_wait3A_262 : memref<1x16xf32, #tpu.memory_space<hbm>> -> memref<16xf32, #tpu.memory_space<hbm>>
      tpu.wait_dma2 semaphore(%run_scoped3A : memref<!tpu.dma_semaphore, #tpu.memory_space<semaphore_mem>>) src(%arg21 : memref<16xf32, #tpu.memory_space<vmem>>) dst(%dma_wait3A_263 : memref<16xf32, #tpu.memory_space<hbm>>)
      tpu.yield
    }) : () -> ()
    return
  }
}

module attributes {stable_mosaic.version = 14 : i64} {
  func.func @_reduce_body(%arg0: memref<4x128xf32, #tpu.memory_space<vmem>>, %arg1: memref<1x1xf32, #tpu.memory_space<smem>>) attributes {dimension_semantics = [], scalar_prefetch = 0 : i64, scratch_operands = 0 : i64, tpu.core_type = #tpu.core_type<tc>} {
    %get3A = arith.constant 0 : index
    %get3A_0 = arith.constant 0 : index
    %get3A_1 = vector.load %arg0[%get3A, %get3A_0] : memref<4x128xf32, #tpu.memory_space<vmem>>, vector<4x128xf32>
    %reduce_sum3A = vector.shape_cast %get3A_1 : vector<4x128xf32> to vector<1x4x128xf32>
    %reduce_sum3A_2 = arith.constant dense<0.000000e+00> : vector<1xf32>
    %reduce_sum3A_3 = vector.multi_reduction <add>, %reduce_sum3A, %reduce_sum3A_2 [1, 2] : vector<1x4x128xf32> to vector<1xf32>
    %reduce_sum3A_4 = vector.shape_cast %reduce_sum3A_3 : vector<1xf32> to vector<1x1x1xf32>
    %reduce_sum3A_5 = vector.extract %reduce_sum3A_4[0, 0, 0] : f32 from vector<1x1x1xf32>
    %swap3A = arith.constant 0 : index
    %swap3A_6 = arith.constant 0 : index
    %swap3A_7 = memref.load %arg1[%swap3A, %swap3A_6] : memref<1x1xf32, #tpu.memory_space<smem>>
    memref.store %reduce_sum3A_5, %arg1[%swap3A, %swap3A_6] : memref<1x1xf32, #tpu.memory_space<smem>>
    return
  }
}

</mosaic_0001>

<sc_bundles>
// kernel: kernel.4.cloned.1.call-start
scs
__scs_entry_jumppad:
0x0: {  	(pc) =	sbr.rel $0x88, $3  }
0x1: {  	(tag) =	ssettag $0x0;
	lr =	simm.s32 $0x1  }
0x2: {  	[smem:$0x3F9D] =	sst lr;
	_ =	strace $0xD0000000  }
0x3: {  	_ = 	snop  }
0x4: {  	_ = 	snop  }
0x5: {  	_ = 	snop  }
0x6: {  	_ = 	snop  }
0x7: {  	_ = 	snop  }
__scs_overlays_trampoline_lowered:
0x8: {  	[smem:$0x3FAC] =	sst s0  }
0x9: {  	[smem:$0x3FAD] =	sst s1  }
0xa: {  	[smem:$0x3FAE] =	sst s2  }
0xb: {  	[smem:$0x3FAF] =	sst s3  }
0xc: {  	[smem:$0x3FB0] =	sst s4  }
0xd: {  	[smem:$0x3FB1] =	sst s5  }
0xe: {  	[smem:$0x3FB2] =	sst s6  }
0xf: {  	[smem:$0x3FB3] =	sst s7  }
0x10: {  	[smem:$0x3FB4] =	sst s8  }
0x11: {  	[smem:$0x3FB5] =	sst s9;
	s0 =	simm.s32 @!p0 $0x0  }
0x12: {  	s1 =	sld [smem:$0x3F9B];
	s0 =	simm.s32 @p0 $0x1  }
0x13: {  	[smem:$0x3FB6] =	sst s0;
	s0 =	simm.s32 @!p1 $0x0  }
0x14: {  	s2 =	sld [smem:$0x3F9A];
	s0 =	simm.s32 @p1 $0x1  }
0x15: {  	[smem:$0x3FB7] =	sst s0;
	s0 =	simm.s32 @!p2 $0x0  }
0x16: {  	s3 =	sld [smem:$0x3FDB];
	s0 =	simm.s32 @p2 $0x1  }
0x17: {  	s4 =	simm.s32 $0x1BF5;
	[smem:$0x3FB9] =	sst s0  }
0x18: {  	s0 =	sld [smem:$0x3F9C];
	_ =	swait.ge [sflag:s4], $0x0  }
0x19: {  	s7 =	sld [smem:$0x3F9D]  }
0x1a: {  	s8 =	sadd.s32 $0xFFFFE003, lr  }
0x1b: {  	s9 =	sadd.s32 $0xFFFFFEF7, lr;
	s5 =	simm.s32 $0xFFFFFFFF;
	p2 =	slt.u32 s8, $0xFFFFF086  }
0x1c: {  	p1 =	slt.u32 s9, $0xF7A;
	s5 =	simm.s32 @!p2 $0x0  }
0x1d: {  	s5 =	simm.s32 @p1 $0x1;
	p0 =	seq.s32 s7, s2  }
0x1e: {  	s7 =	smul.u32 @!p0 $0xF7A, s2;
	p2 =	seq.s32 @!p0 s5, $0x0  }
0x1f: {  	s9 =	smul.u32 $0xF7A, s1;
	s8 =	simm.s32 @!p0 $0x1BF5;
	p2 =	por !p2, p0  }
0x20: {  	[sflag:s8] =	ssyncset.s32 @!p0 $0xFFFFF086;
	s6 =	sadd.s32 @!p0 s3, s7;
	s7 =	simm.s32 @!p0 $0x108  }
0x21: {  	s3 =	sadd.s32 s3, s9;
	s6 =	sadd.s32 @!p0 $0x88, s6;
	s7 =	simm.s32 @p2 $0x1082  }
0x22: {  	[simem:s7], [sflag:s8] =	dma.local @!p0 [hbm:s6], $0xF7A  }
0x23: {  	s9 =	sor.u32 $0xD0000000, s2;
	s6 =	simm.s32 $0x108;
	_ =	swait.ge @!p0 [sflag:s8], $0x0  }
0x24: {  	s3 =	sadd.s32 $0x88, s3;
	s6 =	simm.s32 @!p1 $0x1082;
	[sflag:s4] =	ssyncset.s32 $0xFFFFF086  }
0x25: {  	[simem:s6], [sflag:s4] =	dma.local [hbm:s3], $0xF7A  }
0x26: {  	[smem:$0x3F9D] =	sst s1;
	(tag) =	ssettag s2;
	_ =	strace s9  }
0x27: {  	s1 =	sld [smem:$0x3FAD]  }
0x28: {  	s2 =	sld [smem:$0x3FAE]  }
0x29: {  	s4 =	sld [smem:$0x3FB0]  }
0x2a: {  	p0 =	seq.s32 s5, $0x0;
	s5 =	sld [smem:$0x3FB1]  }
0x2b: {  	s6 =	sld [smem:$0x3FB2]  }
0x2c: {  	s7 =	sld [smem:$0x3FB3]  }
0x2d: {  	s3 =	simm.s32 $0x108;
	s8 =	sld [smem:$0x3FB4]  }
0x2e: {  	s3 =	simm.s32 @!p0 $0x1082;
	s9 =	sld [smem:$0x3FB5]  }
0x2f: {  	lr =	sadd.s32 s0, s3;
	s0 =	sld [smem:$0x3FAC]  }
0x30: {  	s3 =	sld [smem:$0x3FAF]  }
0x31: {  	[smem:$0x3FB8] =	sst s10  }
0x32: {  	s10 =	sld [smem:$0x3FB6];
	_ =	sdelay $0x3  }
0x33: {  	p0 =	seq.s32 s10, $0x1;
	s10 =	sld [smem:$0x3FB8];
	_ =	sdelay $0x3  }
0x34: {  	[smem:$0x3FB8] =	sst s10  }
0x35: {  	s10 =	sld [smem:$0x3FB7];
	_ =	sdelay $0x3  }
0x36: {  	p1 =	seq.s32 s10, $0x1;
	s10 =	sld [smem:$0x3FB8];
	_ =	sdelay $0x3  }
0x37: {  	[smem:$0x3FB8] =	sst s10  }
0x38: {  	s10 =	sld [smem:$0x3FB9]  }
0x39: {  	_ = 	snop;
	(pc) =	sbr.ind lr, $3  }
0x3a: {  	_ = 	snop  }
0x3b: {  	_ = 	snop  }
0x3c: {  	p2 =	seq.s32 s10, $0x1;
	s10 =	sld [smem:$0x3FB8]  }
0x3d: {  	_ =	shalt  }
0x3e: {  	_ =	shalt  }
0x3f: {  	_ =	shalt  }
0x40: {  	_ =	shalt  }
0x41: {  	_ =	shalt  }
0x42: {  	_ =	shalt  }
0x43: {  	_ =	shalt  }
0x44: {  	_ =	shalt  }
0x45: {  	_ =	shalt  }
0x46: {  	_ =	shalt  }
0x47: {  	_ =	shalt  }
0x48: {  	_ =	shalt  }
0x49: {  	_ =	shalt  }
0x4a: {  	_ =	shalt  }
0x4b: {  	_ =	shalt  }
0x4c: {  	_ =	shalt  }
0x4d: {  	_ =	shalt  }
0x4e: {  	_ =	shalt  }
0x4f: {  	_ =	shalt  }
0x50: {  	_ =	shalt  }
0x51: {  	_ =	shalt  }
0x52: {  	_ =	shalt  }
0x53: {  	_ =	shalt  }
0x54: {  	_ =	shalt  }
0x55: {  	_ =	shalt  }
0x56: {  	_ =	shalt  }
0x57: {  	_ =	shalt  }
0x58: {  	_ =	shalt  }
0x59: {  	_ =	shalt  }
0x5a: {  	_ =	shalt  }
0x5b: {  	_ =	shalt  }
0x5c: {  	_ =	shalt  }
0x5d: {  	_ =	shalt  }
0x5e: {  	_ =	shalt  }
0x5f: {  	_ =	shalt  }
0x60: {  	_ =	shalt  }
0x61: {  	_ =	shalt  }
0x62: {  	_ =	shalt  }
0x63: {  	_ =	shalt  }
0x64: {  	_ =	shalt  }
0x65: {  	_ =	shalt  }
0x66: {  	_ =	shalt  }
0x67: {  	_ =	shalt  }
0x68: {  	_ =	shalt  }
0x69: {  	_ =	shalt  }
0x6a: {  	_ =	shalt  }
0x6b: {  	_ =	shalt  }
0x6c: {  	_ =	shalt  }
0x6d: {  	_ =	shalt  }
0x6e: {  	_ =	shalt  }
0x6f: {  	_ =	shalt  }
0x70: {  	_ =	shalt  }
0x71: {  	_ =	shalt  }
0x72: {  	_ =	shalt  }
0x73: {  	_ =	shalt  }
0x74: {  	_ =	shalt  }
0x75: {  	_ =	shalt  }
0x76: {  	_ =	shalt  }
0x77: {  	_ =	shalt  }
0x78: {  	_ =	shalt  }
0x79: {  	_ =	shalt  }
0x7a: {  	_ =	shalt  }
0x7b: {  	_ =	shalt  }
0x7c: {  	_ =	shalt  }
0x7d: {  	_ =	shalt  }
0x7e: {  	_ =	shalt  }
0x7f: {  	_ =	shalt  }
0x80: {  	_ =	shalt  }
0x81: {  	_ =	shalt  }
0x82: {  	_ =	shalt  }
0x83: {  	_ =	shalt  }
0x84: {  	_ =	shalt  }
0x85: {  	_ =	shalt  }
0x86: {  	_ =	shalt  }
0x87: {  	_ =	shalt  }
.Lfunc_end0:
.L_simem_size_0:
called_computation_lowered:
.L_overlay_start_0:
0x88: {  	s2 =	sld [smem:$0x3FD9]  }
0x89: {  	s3 =	sld [smem:$0x3FFE];
	_ =	sdelay $0x1  }
0x8a: {  	s1 =	srdreg.scid  }
0x8b: {  	s0 =	sand.u32 $0x1, s1  }
0x8c: {  	s17 =	sshll.u32 s0, $0xA;
	s2 =	sadd.s32 s3, s2  }
0x8d: {  	s2 =	sadd.s32 s2, s17  }
0x8e: {  	[smem:$0x3FC4] =	sst s2  }
0x8f: {  	_ = 	snop  }
0x90: {  	s2 =	sld [smem:$0x3FC9]  }
0x91: {  	s18 =	sld [smem:$0x3FC7]  }
0x92: {  	s4 =	sld [smem:$0x3FC6];
	(tm) =	ssettm $0x1  }
0x93: {  	s5 =	sld [smem:$0x3FFB];
	_ =	sdelay $0x3  }
0x94: {  	_ =	strace s5  }
0x95: {  	s5 =	sld [smem:$0x3FFC];
	_ =	sdelay $0x3  }
0x96: {  	_ =	strace s5  }
0x97: {  	s5 =	sld [smem:$0x3FFD];
	_ =	sdelay $0x3  }
0x98: {  	_ =	strace s5  }
0x99: {  	_ =	strace $0x8FFFFFFF  }
0x9a: {  	s19 =	sld [smem:$0x3FDB];
	_ =	sdelay $0x1  }
0x9b: {  	s6 =	simm.s32 $_scs_section_size  }
0x9c: {  	s7 =	simm.s32 $_size__tile_overlayer_lowered;
	s8 =	simm.s32 $_tile_overlayer_lowered  }
0x9d: {  	s22 =	simm.s32 $0x1BFF;
	s21 =	sshll.u32 s8, $0x1;
	s5 =	sadd.s32 s6, s19  }
0x9e: {  	s9 =	simm.s32 $0x0;
	s20 =	sshll.u32 s7, $0x1;
	s7 =	sadd.s32 s21, s5  }
0x9f: {  	[timem:s9], [sflag:s22] =	dma.local [hbm:s7], s20  }
0xa0: {  	_ =	swait.ge [sflag:s22], s20  }
0xa1: {  	s6 =	ssub.s32 $0x0, s20;
	[sflag:s22] =	ssyncset.done $0x0  }
0xa2: {  	[sflag:s22] =	ssyncadd.s32 s6;
	_ =	sdelay $0x1  }
0xa3: {  	s23 =	simm.s32 $0x1B8B  }
0xa4: {  	_ =	swait.ge [sflag:s23], $0x1  }
0xa5: {  	[sflag:s23] =	ssyncset.done $0x0  }
0xa6: {  	s25 =	simm.s32 $0x1B8E;
	s24 =	sld [smem:$0x3FFE];
	[sflag:s23] =	ssyncadd.s32 $0xFFFFFFFF  }
0xa7: {  	s26 =	simm.s32 $execute0_lowered;
	[smem:$0x3FD2] =	sst s25  }
0xa8: {  	s7 =	sshll.u32 s26, $0x1;
	_ =	strace $0x80000046;
	[dreg:$0x1] =	wrdreg $0xFFFFFFFF  }
0xa9: {  	s28 =	simm.s32 $_size_execute0_lowered;
	s5 =	sadd.s32 s5, s7;
	[dreg:$0x0] =	wrdreg $0x0  }
0xaa: {  	s7 =	sshll.u32 s28, $0x1;
	[dreg:$0x2] =	wrdreg s5  }
0xab: {  	[dreg:$0x3] =	wrdreg s7  }
0xac: {  	[dreg:$0x4] =	wrdreg $0xC0  }
0xad: {  	_ =	task [dreg:s9], $0x5FFFF  }
0xae: {  	[dreg:$0x1] =	wrdreg $0xFFFFFFFF  }
0xaf: {  	[dreg:$0x0] =	wrdreg $0x60  }
0xb0: {  	[dreg:$0x2] =	wrdreg s2  }
0xb1: {  	[dreg:$0x3] =	wrdreg s18  }
0xb2: {  	[dreg:$0x4] =	wrdreg s4  }
0xb3: {  	[dreg:$0x5] =	wrdreg s24  }
0xb4: {  	[dreg:$0x6] =	wrdreg $0x9  }
0xb5: {  	_ =	task.clear_ibuf [dreg:s9], $0x7FFFF;
	_ =	strace $0x90000046  }
0xb6: {  	s29 =	simm.s32 $0x9;
	_ =	strace $0x80000048  }
0xb7: {  	_ =	swait.ge [sflag:s29], $0x1  }
0xb8: {  	[sflag:s29] =	ssyncadd.s32 $0xFFFFFFFF  }
0xb9: {  	_ =	strace $0x90000048  }
0xba: {  	_ =	sfence  }
0xbb: {  	s30 =	sld [smem:$0x0];
	_ =	sdelay $0x2  }
0xbc: {  	s31 =	sshll.u32 s1, $0xD;
	s1 =	sshrl.u32 s1, $0x2  }
0xbd: {  	s3 =	sand.u32 $0x4000, s31;
	s1 =	sadd.s32 s1, s30  }
0xbe: {  	s0 =	sor.u32 s3, s0;
	s1 =	sshll.u32 s1, $0x11  }
0xbf: {  	s0 =	sor.u32 s1, s0  }
0xc0: {  	s0 =	sadd.s32 $0x8F2B, s0  }
0xc1: {  	[sflag:s0] =	ssyncadd.remote.s32 $0x1  }
0xc2: {  	_ =	sfence.sel $0xFFFF  }
0xc3: {  	[dreg:$0x0] =	wrdreg $0xFFFFFFFF;
	(pc) =	sbr.abs _section_cstart, $3  }
0xc4: {  	[dreg:$0x1] =	wrdreg $0xFFFFFFFF  }
0xc5: {  	_ =	task.clear_ibuf [dreg:s9], $0x2FFFF;
	_ =	strace $0x9FFFFFFF  }
0xc6: {  	(tm) =	ssettm $0x7FFFFFFF  }
0xc7: {  	_ =	shalt  }
tec
execute0_lowered:
.L_overlay_start_1:
0x0: {  	(tag) =	ssettag $0x1  }
0x1: {  	s0 =	rddreg [dreg:$0x1]  }
0x2: {  	s4 =	srdreg.scid;
	s10 =	stileid.u32  }
0x3: {  	s2 =	rddreg [dreg:$0x2];
	s4 =	sand.u32 $0x1, s4;
	s5 =	sshll.u32 s10, $0x1  }
0x4: {  	s3 =	rddreg [dreg:$0x3];
	s1 =	simm.s32 $0x0;
	s5 =	sor.u32 s4, s5  }
0x5: {  	[smem:$0x7FF] =	sst s1;
	s8 =	sshll.u32 s5, $0x4;
	s5 =	sshll.u32 s5, $0xC  }
0x6: {  	s6 =	sadd.s32 $0x400, s3;
	s19 =	sor.u32 $0x200, s5;
	s18 =	sadd.s32 s0, s5  }
0x7: {  	s7 =	ssub.s32 $0x2, s4;
	s20 =	sadd.s32 s0, s19;
	[dreg:$0x17] =	wrdreg s18  }
0x8: {  	s3 =	sadd.s32 s8, s3;
	s21 =	sadd.s32 s2, s19;
	[dreg:$0x5] =	wrdreg s20  }
0x9: {  	s22 =	sor.u32 $0x400, s5;
	s8 =	sadd.s32 s6, s19;
	[dreg:$0x6] =	wrdreg s21  }
0xa: {  	s9 =	sshrl.u32 s7, $0x1;
	s23 =	sadd.s32 s0, s22;
	[dreg:$0x7] =	wrdreg s8  }
0xb: {  	s7 =	ssub.s32 s7, s9;
	s11 =	sadd.s32 s2, s22;
	[dreg:$0x8] =	wrdreg s23  }
0xc: {  	s24 =	sor.u32 $0x600, s5;
	s9 =	sadd.s32 s6, s22;
	[dreg:$0x9] =	wrdreg s11  }
0xd: {  	s25 =	sadd.s32 s0, s24;
	[dreg:$0xa] =	wrdreg s9  }
0xe: {  	s29 =	sor.u32 $0x800, s5;
	s26 =	sadd.s32 s2, s24;
	[dreg:$0xb] =	wrdreg s25  }
0xf: {  	s12 =	sor.u32 $0xA00, s5;
	s30 =	sadd.s32 s0, s29;
	[dreg:$0xc] =	wrdreg s26  }
0x10: {  	s13 =	sadd.s32 s0, s12;
	[dreg:$0xe] =	wrdreg s30  }
0x11: {  	s14 =	sor.u32 $0xC00, s5;
	s15 =	sadd.s32 s2, s12;
	[dreg:$0x11] =	wrdreg s13  }
0x12: {  	s16 =	sadd.s32 s0, s14;
	[dreg:$0x12] =	wrdreg s15  }
0x13: {  	s28 =	simm.s32 $0x0;
	s17 =	sadd.s32 s2, s14;
	[dreg:$0x14] =	wrdreg s16  }
0x14: {  	s19 =	sadd.s32 s2, s5;
	s22 =	sshll.u32 s4, $0xF;
	[dreg:$0x15] =	wrdreg s17  }
0x15: {  	s8 =	sadd.s32 s6, s24;
	s11 =	sadd.s32 s2, s29;
	[dreg:$0x18] =	wrdreg s19  }
0x16: {  	s9 =	sadd.s32 s6, s12;
	s20 =	sadd.s32 s6, s5;
	s26 =	rddreg [dreg:$0x0]  }
0x17: {  	s5 =	sor.u32 $0xE00, s5;
	s23 =	sshll.u32 s10, $0x10;
	[dreg:$0xd] =	wrdreg s8  }
0x18: {  	s30 =	smax.u32 s7, $0x1;
	s10 =	simm.s32 $0x1000;
	[dreg:$0xf] =	wrdreg s11  }
0x19: {  	s17 =	simm.s32 $0x2;
	s8 =	sadd.s32 s6, s29;
	[dreg:$0x13] =	wrdreg s9  }
0x1a: {  	[dreg:$0x19] =	wrdreg s20;
	s0 =	sadd.s32 s0, s5;
	s21 =	sadd.s32 s2, s5  }
0x1b: {  	s24 =	sadd.s32 s6, s5;
	s25 =	sor.u32 s22, s23;
	[dreg:$0x10] =	wrdreg s8  }
0x1c: {  	s29 =	sadd.s32 $0x20400, s3;
	s9 =	simm.s32 $0x1;
	[dreg:$0x1a] =	wrdreg s0  }
0x1d: {  	s23 =	simm.s32 $0x3;
	s8 =	sadd.s32 s6, s14;
	[dreg:$0x1b] =	wrdreg s21  }
0x1e: {  	[dreg:$0x1c] =	wrdreg s24;
	s31 =	sor.u32 $0x70, s25;
	s22 =	sor.u32 $0x1070, s25  }
0x1f: {  	s0 =	sor.u32 $0x2070, s25;
	s2 =	sor.u32 $0x3070, s25;
	s3 =	sor.u32 $0x4070, s25  }
0x20: {  	s4 =	sor.u32 $0x5070, s25;
	s5 =	sor.u32 $0x6070, s25;
	[dreg:$0x16] =	wrdreg s8  }
0x21: {  	s6 =	sor.u32 $0x7070, s25;
	_ =	strace $0x80000047;
	[dreg:$0x1d] =	wrdreg s29  }
0x22: {  	v0 =	vlaneseq.u32;
	s21 =	simm.s32 $0xD000;
	s24 =	simm.s32 $0x4;
	[dreg:$0x1e] =	wrdreg s30  }
.LBB2_1:
0x23: {  	s7 =	rddreg [dreg:$0x17]  }
0x24: {  	[tilespmem:s1], [sflag:$0x1] =	stream.linear.gather [hbm4b:s7+s1], $0x1000, $0x38;
	[tilespmem:$0xE080] =	vst v63  }
0x25: {  	s15 =	rddreg [dreg:$0x18];
	s8 =	simm.s32 $0x2000  }
0x26: {  	[tilespmem:s8], [sflag:$0x1] =	stream.linear.gather [hbm4b:s15+s1], $0x1000, $0x38;
	[tilespmem:$0xE080] =	vst v63  }
0x27: {  	s16 =	rddreg [dreg:$0x19];
	s18 =	simm.s32 $0x4000  }
0x28: {  	[tilespmem:s18], [sflag:$0x1] =	stream.linear.gather [hbm4b:s16+s1], $0x1000, $0x38;
	[tilespmem:$0xE080] =	vst v63  }
0x29: {  	_ =	swait.ge [sflag:s9], $0x1000  }
0x2a: {  	[sflag:s9] =	ssyncset.done $0x0  }
0x2b: {  	[sflag:s9] =	ssyncadd.s32 $0xFFFFF000  }
0x2c: {  	_ =	swait.ge [sflag:s9], $0x1000  }
0x2d: {  	[sflag:s9] =	ssyncset.done $0x0  }
0x2e: {  	[sflag:s9] =	ssyncadd.s32 $0xFFFFF000  }
0x2f: {  	_ =	swait.ge [sflag:s9], $0x1000  }
0x30: {  	[sflag:s9] =	ssyncset.done $0x0  }
0x31: {  	s19 =	simm.s32 $0x40;
	[sflag:s9] =	ssyncadd.s32 $0xFFFFF000  }
0x32: {  	s29 =	simm.s32 $0x2040;
	v1 =	vld [tilespmem:s19+$0x20]  }
0x33: {  	s30 =	simm.s32 $0x4040;
	v3 =	vld [tilespmem:s29+$0x20]  }
0x34: {  	v6 =	vld [tilespmem:s30+$0x20]  }
0x35: {  	v7 =	vld [tilespmem:s29+$0xFFFFFFC0]  }
0x36: {  	s20 =	sadd.s32 $0xFFFFFFF0, s31;
	v2 =	vmov s31;
	v10 =	vld [tilespmem:s19+$0xFFFFFFD0]  }
0x37: {  	s11 =	sadd.s32 $0xFFFFFF90, s31;
	s12 =	sadd.s32 $0xFFFFFFA0, s31;
	s13 =	sadd.s32 $0xFFFFFFB0, s31;
	v4 =	vmov s20;
	v2 =	vshrl.u32 v2, $0x12;
	v14 =	vld [tilespmem:s29+$0xFFFFFFD0]  }
0x38: {  	s25 =	sadd.s32 $0xFFFFFFC0, s31;
	s14 =	sadd.s32 $0xFFFFFFD0, s31;
	v5 =	vmov s11;
	v8 =	vmov s12;
	v9 =	vmov s13;
	v15 =	vld [tilespmem:s19+$0xFFFFFFE0]  }
0x39: {  	v11 =	vmov s25;
	v12 =	vmov s14;
	v4 =	vshrl.u32 v4, $0x12;
	v16 =	vld [tilespmem:s29+$0xFFFFFFE0]  }
0x3a: {  	v2 =	vmul.u32 $0x17C0000, v2;
	v5 =	vshrl.u32 v5, $0x12;
	v8 =	vshrl.u32 v8, $0x12;
	v56 =	vld [tilespmem:s29+$0xFFFFFFF0]  }
0x3b: {  	v55 =	vshrl.u32 v11, $0x12;
	v12 =	vshrl.u32 v12, $0x12;
	s15 =	sadd.s32 $0xFFFFFFE0, s31;
	v4 =	vmul.u32 $0x17C0000, v4;
	v17 =	vld [tilespmem:s19+$0x0]  }
0x3c: {  	v5 =	vmul.u32 $0x17C0000, v5;
	v8 =	vmul.u32 $0x17C0000, v8;
	v13 =	vmov s15;
	v18 =	vld [tilespmem:s29+$0x0]  }
0x3d: {  	v12 =	vmul.u32 $0x17C0000, v12;
	v2 =	vadd.s32 s31, v2;
	v13 =	vshrl.u32 v13, $0x12;
	v19 =	vld [tilespmem:s19+$0x10]  }
0x3e: {  	v4 =	vadd.s32 s20, v4;
	v5 =	vadd.s32 s11, v5;
	v13 =	vmul.u32 $0x17C0000, v13;
	v20 =	vld [tilespmem:s29+$0x10]  }
0x3f: {  	v8 =	vadd.s32 s12, v8;
	v12 =	vadd.s32 s14, v12;
	v2 =	vadd.s32 v0, v2;
	v22 =	vld [tilespmem:s29+$0x30]  }
0x40: {  	v4 =	vadd.s32 v0, v4;
	v5 =	vadd.s32 v0, v5;
	v13 =	vadd.s32 s15, v13;
	v25 =	vld [tilespmem:s30+$0xFFFFFFD0]  }
0x41: {  	v8 =	vadd.s32 v0, v8;
	v12 =	vadd.s32 v0, v12;
	v13 =	vadd.s32 v0, v13;
	v26 =	vld [tilespmem:s30+$0xFFFFFFE0]  }
0x42: {  	v27 =	vld [tilespmem:s30+$0xFFFFFFF0];
	v1 =	vshll.u32 v1, $0x12;
	v3 =	vshll.u32 v3, $0x12;
	vm0 =	veq.s32 v6, $0x0  }
0x43: {  	v58 =	vld [tilespmem:s30+$0x0];
	v7 =	vshll.u32 v7, $0x12;
	v10 =	vshll.u32 v10, $0x12;
	v14 =	vshll.u32 v14, $0x12  }
0x44: {  	v59 =	vld [tilespmem:s30+$0x10];
	v15 =	vshll.u32 v15, $0x12;
	v16 =	vshll.u32 v16, $0x12;
	v11 =	vshll.u32 v56, $0x12  }
0x45: {  	v17 =	vshll.u32 v17, $0x12;
	v18 =	vshll.u32 v18, $0x12;
	v19 =	vshll.u32 v19, $0x12  }
0x46: {  	v20 =	vshll.u32 v20, $0x12;
	v57 =	vshll.u32 v22, $0x12;
	v1 =	vadd.s32 v4, v1  }
0x47: {  	v23 =	vld [tilespmem:s19+$0xFFFFFFC0];
	v3 =	vadd.s32 v4, v3;
	v4 =	vshrl.u32 v9, $0x12;
	v9 =	vmul.u32 $0x17C0000, v55  }
0x48: {  	v24 =	vld [tilespmem:s30+$0xFFFFFFC0];
	vm1 =	veq.s32 v25, $0x0;
	vm2 =	veq.s32 v26, $0x0;
	vm3 =	veq.s32 v27, $0x0  }
0x49: {  	v21 =	vld [tilespmem:s19+$0x30];
	vm4 =	veq.s32 v58, $0x0;
	vm5 =	veq.s32 v59, $0x0;
	v9 =	vadd.s32 s25, v9;
	s25 =	simm.s32 $0x6040  }
0x4a: {  	v6 =	vld [tilespmem:s19+$0xFFFFFFF0];
	v7 =	vadd.s32 v5, v7;
	v10 =	vadd.s32 v8, v10;
	v8 =	vadd.s32 v8, v14;
	[tilespmem:s25+$0x20] =	vst v1  }
0x4b: {  	v61 =	vadd.s32 v12, v17;
	v12 =	vadd.s32 v12, v18;
	v4 =	vmul.u32 $0x17C0000, v4;
	[tilespmem:s25+$0xFFFFFFD0] =	vst v10  }
0x4c: {  	s7 =	simm.s32 $0x8040;
	v63 =	vadd.s32 v13, v19;
	v13 =	vadd.s32 v13, v20;
	v3 =	vsel vm0, v1, v3;
	[tilespmem:s25+$0x0] =	vst v61  }
0x4d: {  	v62 =	vld [tilespmem:s30+$0x30];
	vm0 =	veq.s32 v24, $0x0;
	v4 =	vadd.s32 s13, v4;
	[tilespmem:s7+$0x20] =	vst v3;
	v3 =	vshll.u32 v23, $0x12  }
0x4e: {  	v9 =	vadd.s32 v0, v9;
	[tilespmem:s25+$0x10] =	vst v63;
	v4 =	vadd.s32 v0, v4;
	v3 =	vadd.s32 v5, v3  }
0x4f: {  	v1 =	vshll.u32 v21, $0x12;
	v6 =	vshll.u32 v6, $0x12;
	v5 =	vadd.s32 v4, v15;
	[tilespmem:s25+$0xFFFFFFC0] =	vst v3  }
0x50: {  	v1 =	vadd.s32 v2, v1;
	v2 =	vadd.s32 v2, v57;
	v60 =	vadd.s32 v9, v6;
	[tilespmem:s25+$0xFFFFFFE0] =	vst v5  }
0x51: {  	v4 =	vadd.s32 v4, v16;
	v9 =	vadd.s32 v9, v11;
	v3 =	vsel vm0, v3, v7;
	[tilespmem:s25+$0xFFFFFFF0] =	vst v60  }
0x52: {  	v6 =	vsel vm2, v5, v4;
	vm0 =	veq.s32 v62, $0x0;
	[tilespmem:s7+$0xFFFFFFC0] =	vst v3;
	v3 =	vsel vm1, v10, v8  }
0x53: {  	s8 =	simm.s32 $0x0;
	s11 =	sadd.s32 $0x80, s31;
	s12 =	simm.s32 $0xC0;
	v5 =	vsel vm3, v60, v9;
	v4 =	vsel vm4, v61, v12;
	[tilespmem:s7+$0xFFFFFFD0] =	vst v3;
	v3 =	vsel vm5, v63, v13  }
.LBB2_2:
0x54: {  	v7 =	vld [tilespmem:s12+$0x20];
	s14 =	sadd.s32 $0xFFFFFFF0, s11;
	v8 =	vmov s11;
	s8 =	sadd.s32 $0x8, s8;
	[tilespmem:s7+$0xFFFFFFE0] =	vst v6;
	v2 =	vsel vm0, v1, v2;
	s29 =	sadd.s32 $0x80, s29  }
0x55: {  	s13 =	sadd.s32 $0xFFFFFF90, s11;
	s30 =	sadd.s32 $0x80, s30;
	v6 =	vld [tilespmem:s29+$0x20];
	v9 =	vmov s14;
	v8 =	vshrl.u32 v8, $0x12;
	p0 =	slt.u32 s8, $0xF8;
	[tilespmem:s7+$0xFFFFFFF0] =	vst v5  }
0x56: {  	s15 =	sadd.s32 $0xFFFFFFA0, s11;
	s16 =	sadd.s32 $0xFFFFFFB0, s11;
	s18 =	sadd.s32 $0xFFFFFFC0, s11;
	v5 =	vmov s13;
	v10 =	vld [tilespmem:s30+$0x20];
	v9 =	vshrl.u32 v9, $0x12;
	v8 =	vmul.u32 $0x17C0000, v8;
	[tilespmem:s7+$0x0] =	vst v4  }
0x57: {  	s19 =	sadd.s32 $0xFFFFFFD0, s11;
	s20 =	sadd.s32 $0xFFFFFFE0, s11;
	v11 =	vmov s15;
	v12 =	vmov s16;
	v4 =	vld [tilespmem:s29+$0xFFFFFFC0];
	v9 =	vmul.u32 $0x17C0000, v9;
	[tilespmem:s7+$0x10] =	vst v3  }
0x58: {  	v13 =	vmov s18;
	v14 =	vmov s19;
	v15 =	vmov s20;
	v3 =	vld [tilespmem:s12+$0xFFFFFFD0]  }
0x59: {  	v5 =	vshrl.u32 v5, $0x12;
	v11 =	vshrl.u32 v11, $0x12;
	v16 =	vld [tilespmem:s29+$0xFFFFFFD0];
	v9 =	vadd.s32 s14, v9;
	[tilespmem:s25+$0x30] =	vst v1  }
0x5a: {  	v7 =	vshll.u32 v7, $0x12;
	v1 =	vld [tilespmem:s12+$0xFFFFFFE0];
	v9 =	vadd.s32 v0, v9;
	v6 =	vshll.u32 v6, $0x12;
	[tilespmem:s7+$0x30] =	vst v2  }
0x5b: {  	s25 =	sadd.s32 $0x80, s25;
	v2 =	vld [tilespmem:s29+$0xFFFFFFE0];
	v7 =	vadd.s32 v9, v7;
	v6 =	vadd.s32 v9, v6;
	vm0 =	veq.s32 v10, $0x0  }
0x5c: {  	s7 =	sadd.s32 $0x80, s7;
	v9 =	vshrl.u32 v12, $0x12;
	v12 =	vshrl.u32 v13, $0x12;
	v10 =	vld [tilespmem:s12+$0xFFFFFFF0];
	v6 =	vsel vm0, v7, v6;
	[tilespmem:s25+$0x20] =	vst v7  }
0x5d: {  	v5 =	vmul.u32 $0x17C0000, v5;
	v13 =	vshrl.u32 v14, $0x12;
	v14 =	vshrl.u32 v15, $0x12;
	v7 =	vld [tilespmem:s29+$0xFFFFFFF0];
	[tilespmem:s7+$0x20] =	vst v6  }
0x5e: {  	v9 =	vmul.u32 $0x17C0000, v9;
	v6 =	vmul.u32 $0x17C0000, v11;
	v11 =	vmul.u32 $0x17C0000, v12;
	v12 =	vld [tilespmem:s12+$0x0]  }
0x5f: {  	v5 =	vadd.s32 s13, v5;
	v13 =	vmul.u32 $0x17C0000, v13;
	v14 =	vmul.u32 $0x17C0000, v14;
	v15 =	vld [tilespmem:s29+$0x0]  }
0x60: {  	v9 =	vadd.s32 s16, v9;
	v6 =	vadd.s32 s15, v6;
	v11 =	vadd.s32 s18, v11;
	v17 =	vld [tilespmem:s12+$0x10]  }
0x61: {  	v8 =	vadd.s32 s11, v8;
	v13 =	vadd.s32 s19, v13;
	v14 =	vadd.s32 s20, v14;
	v18 =	vld [tilespmem:s29+$0x10]  }
0x62: {  	v5 =	vadd.s32 v0, v5;
	v9 =	vadd.s32 v0, v9;
	v6 =	vadd.s32 v0, v6;
	v19 =	vld [tilespmem:s12+$0x30]  }
0x63: {  	v13 =	vadd.s32 v0, v13;
	v14 =	vadd.s32 v0, v14;
	v11 =	vadd.s32 v0, v11;
	v20 =	vld [tilespmem:s29+$0x30]  }
0x64: {  	v4 =	vshll.u32 v4, $0x12;
	v3 =	vshll.u32 v3, $0x12;
	v16 =	vshll.u32 v16, $0x12;
	v21 =	vld [tilespmem:s12+$0xFFFFFFC0]  }
0x65: {  	v1 =	vshll.u32 v1, $0x12;
	v2 =	vshll.u32 v2, $0x12;
	v10 =	vshll.u32 v10, $0x12;
	v22 =	vld [tilespmem:s30+$0xFFFFFFC0]  }
0x66: {  	v7 =	vshll.u32 v7, $0x12;
	v12 =	vshll.u32 v12, $0x12;
	v15 =	vshll.u32 v15, $0x12;
	v23 =	vld [tilespmem:s30+$0xFFFFFFD0]  }
0x67: {  	v8 =	vadd.s32 v0, v8;
	v17 =	vshll.u32 v17, $0x12;
	v18 =	vshll.u32 v18, $0x12;
	v24 =	vld [tilespmem:s30+$0xFFFFFFE0]  }
0x68: {  	v4 =	vadd.s32 v5, v4;
	v19 =	vshll.u32 v19, $0x12;
	v25 =	vld [tilespmem:s30+$0xFFFFFFF0];
	v20 =	vshll.u32 v20, $0x12  }
0x69: {  	v3 =	vadd.s32 v6, v3;
	v6 =	vadd.s32 v6, v16;
	v21 =	vshll.u32 v21, $0x12;
	v16 =	vld [tilespmem:s30+$0x0]  }
0x6a: {  	v5 =	vadd.s32 v5, v21;
	[tilespmem:s25+$0xFFFFFFD0] =	vst v3;
	v21 =	vadd.s32 v9, v1;
	v9 =	vadd.s32 v9, v2;
	v26 =	vld [tilespmem:s30+$0x10]  }
0x6b: {  	v10 =	vadd.s32 v11, v10;
	v7 =	vadd.s32 v11, v7;
	v11 =	vadd.s32 v13, v12;
	[tilespmem:s25+$0xFFFFFFC0] =	vst v5;
	v12 =	vld [tilespmem:s30+$0x30]  }
0x6c: {  	v13 =	vadd.s32 v13, v15;
	v15 =	vadd.s32 v14, v17;
	v14 =	vadd.s32 v14, v18;
	[tilespmem:s25+$0x0] =	vst v11  }
.Ltmp0:
0x6d: {  	vm0 =	veq.s32 v22, $0x0;
	v1 =	vadd.s32 v8, v19;
	v2 =	vadd.s32 v8, v20;
	[tilespmem:s25+$0xFFFFFFE0] =	vst v21;
	(pc) =	sbr.rel @p0 .LBB2_2-.Ltmp0, $4  }
0x6e: {  	vm1 =	veq.s32 v23, $0x0;
	vm2 =	veq.s32 v24, $0x0;
	vm3 =	veq.s32 v25, $0x0;
	[tilespmem:s25+$0x10] =	vst v15  }
0x6f: {  	v4 =	vsel vm0, v5, v4;
	vm4 =	veq.s32 v16, $0x0;
	[tilespmem:s25+$0xFFFFFFF0] =	vst v10;
	vm5 =	veq.s32 v26, $0x0  }
0x70: {  	v3 =	vsel vm1, v3, v6;
	v6 =	vsel vm2, v21, v9;
	[tilespmem:s7+$0xFFFFFFC0] =	vst v4;
	vm0 =	veq.s32 v12, $0x0  }
0x71: {  	s11 =	sadd.s32 $0x80, s11;
	s12 =	sadd.s32 $0x80, s12;
	v5 =	vsel vm3, v10, v7;
	v4 =	vsel vm4, v11, v13;
	[tilespmem:s7+$0xFFFFFFD0] =	vst v3;
	v3 =	vsel vm5, v15, v14  }
0x72: {  	[tilespmem:s7+$0xFFFFFFE0] =	vst v6  }
0x73: {  	[tilespmem:s7+$0xFFFFFFF0] =	vst v5  }
0x74: {  	[tilespmem:s7+$0x0] =	vst v4  }
0x75: {  	[tilespmem:s7+$0x10] =	vst v3  }
0x76: {  	v2 =	vsel vm0, v1, v2;
	[tilespmem:s25+$0x30] =	vst v1  }
0x77: {  	[tilespmem:s7+$0x30] =	vst v2  }
0x78: {  	s7 =	rddreg [dreg:$0x5]  }
0x79: {  	[tilespmem:s10], [sflag:$0x2] =	stream.linear.gather [hbm4b:s7+s1], $0x1000, $0x38;
	[tilespmem:$0xE080] =	vst v63  }
0x7a: {  	s8 =	simm.s32 $0x3000;
	s25 =	rddreg [dreg:$0x6]  }
0x7b: {  	[tilespmem:s8], [sflag:$0x2] =	stream.linear.gather [hbm4b:s25+s1], $0x1000, $0x38;
	[tilespmem:$0xE080] =	vst v63  }
0x7c: {  	s11 =	simm.s32 $0x5000;
	s8 =	rddreg [dreg:$0x7]  }
0x7d: {  	[tilespmem:s11], [sflag:$0x2] =	stream.linear.gather [hbm4b:s8+s1], $0x1000, $0x38;
	[tilespmem:$0xE080] =	vst v63  }
0x7e: {  	s12 =	simm.s32 $0x6000;
	s13 =	simm.s32 $0xA000  }
0x7f: {  	[tilespmem:s13], [sflag:$0x3] =	stream.indirect.gather [hbm4b:s26+s10], $0x1, s12, s10, $0xb8;
	[tilespmem:$0xE080] =	vst v63  }
0x80: {  	s14 =	simm.s32 $0x8000;
	s15 =	simm.s32 $0xC000  }
0x81: {  	[tilespmem:s15], [sflag:$0x3] =	stream.indirect.gather [hbm4b:s26+s10], $0x1, s14, s10, $0xb8;
	[tilespmem:$0xE080] =	vst v63  }
0x82: {  	_ =	swait.ge [sflag:s17], $0x1000  }
0x83: {  	[sflag:s17] =	ssyncset.done $0x0  }
0x84: {  	[sflag:s17] =	ssyncadd.s32 $0xFFFFF000  }
0x85: {  	_ =	swait.ge [sflag:s17], $0x1000  }
0x86: {  	[sflag:s17] =	ssyncset.done $0x0  }
0x87: {  	[sflag:s17] =	ssyncadd.s32 $0xFFFFF000  }
0x88: {  	_ =	swait.ge [sflag:s17], $0x1000  }
0x89: {  	[sflag:s17] =	ssyncset.done $0x0  }
0x8a: {  	s16 =	simm.s32 $0x1040;
	[sflag:s17] =	ssyncadd.s32 $0xFFFFF000  }
0x8b: {  	s29 =	simm.s32 $0x3040;
	v1 =	vld [tilespmem:s16+$0x20]  }
0x8c: {  	s18 =	sadd.s32 $0xFFFFFFF0, s22;
	s30 =	simm.s32 $0x5040;
	v3 =	vld [tilespmem:s29+$0x20]  }
0x8d: {  	v7 =	vmov s22;
	s19 =	sadd.s32 $0xFFFFFFC0, s22;
	s20 =	sadd.s32 $0xFFFFFFD0, s22;
	v2 =	vmov s18;
	v5 =	vld [tilespmem:s30+$0x20]  }
0x8e: {  	v7 =	vshrl.u32 v7, $0x12;
	v12 =	vmov s19;
	v13 =	vmov s20;
	v8 =	vld [tilespmem:s29+$0xFFFFFFC0]  }
0x8f: {  	v2 =	vshrl.u32 v2, $0x12;
	v7 =	vmul.u32 $0x17C0000, v7;
	v12 =	vshrl.u32 v12, $0x12;
	v9 =	vld [tilespmem:s16+$0xFFFFFFD0]  }
0x90: {  	v13 =	vshrl.u32 v13, $0x12;
	v2 =	vmul.u32 $0x17C0000, v2;
	v12 =	vmul.u32 $0x17C0000, v12;
	v11 =	vld [tilespmem:s29+$0xFFFFFFD0]  }
0x91: {  	v13 =	vmul.u32 $0x17C0000, v13;
	v14 =	vld [tilespmem:s16+$0xFFFFFFE0]  }
0x92: {  	v7 =	vadd.s32 s22, v7;
	v2 =	vadd.s32 s18, v2;
	s25 =	sadd.s32 $0xFFFFFFE0, s22;
	v12 =	vadd.s32 s19, v12;
	v15 =	vld [tilespmem:s29+$0xFFFFFFE0]  }
0x93: {  	v13 =	vadd.s32 s20, v13;
	v7 =	vadd.s32 v0, v7;
	v16 =	vmov s25;
	v17 =	vld [tilespmem:s29+$0xFFFFFFF0]  }
0x94: {  	v2 =	vadd.s32 v0, v2;
	v12 =	vadd.s32 v0, v12;
	s11 =	sadd.s32 $0xFFFFFF90, s22;
	v16 =	vshrl.u32 v16, $0x12;
	s12 =	sadd.s32 $0xFFFFFFA0, s22;
	v18 =	vld [tilespmem:s16+$0x0]  }
0x95: {  	v4 =	vmov s11;
	v16 =	vmul.u32 $0x17C0000, v16;
	s13 =	sadd.s32 $0xFFFFFFB0, s22;
	v6 =	vmov s12;
	v19 =	vld [tilespmem:s16+$0x10]  }
0x96: {  	v4 =	vshrl.u32 v4, $0x12;
	v10 =	vmov s13;
	v6 =	vshrl.u32 v6, $0x12;
	v20 =	vld [tilespmem:s29+$0x10]  }
0x97: {  	v4 =	vmul.u32 $0x17C0000, v4;
	v10 =	vshrl.u32 v10, $0x12;
	v6 =	vmul.u32 $0x17C0000, v6;
	v22 =	vld [tilespmem:s29+$0x30]  }
0x98: {  	v13 =	vadd.s32 v0, v13;
	v16 =	vadd.s32 s25, v16;
	v10 =	vmul.u32 $0x17C0000, v10;
	v25 =	vld [tilespmem:s30+$0xFFFFFFD0]  }
0x99: {  	v16 =	vadd.s32 v0, v16;
	v4 =	vadd.s32 s11, v4;
	v6 =	vadd.s32 s12, v6;
	v26 =	vld [tilespmem:s30+$0xFFFFFFE0]  }
0x9a: {  	v4 =	vadd.s32 v0, v4;
	v10 =	vadd.s32 s13, v10;
	v6 =	vadd.s32 v0, v6;
	v27 =	vld [tilespmem:s30+$0xFFFFFFF0]  }
0x9b: {  	v10 =	vadd.s32 v0, v10;
	v60 =	vld [tilespmem:s30+$0x0];
	v1 =	vshll.u32 v1, $0x12;
	v3 =	vshll.u32 v3, $0x12  }
0x9c: {  	v61 =	vld [tilespmem:s30+$0x10];
	vm0 =	veq.s32 v5, $0x0;
	v8 =	vshll.u32 v8, $0x12;
	v9 =	vshll.u32 v9, $0x12  }
0x9d: {  	v11 =	vshll.u32 v11, $0x12;
	v14 =	vshll.u32 v14, $0x12;
	v15 =	vshll.u32 v15, $0x12  }
0x9e: {  	v21 =	vld [tilespmem:s16+$0x30];
	v17 =	vshll.u32 v17, $0x12;
	v18 =	vshll.u32 v18, $0x12;
	v19 =	vshll.u32 v19, $0x12  }
0x9f: {  	v23 =	vld [tilespmem:s16+$0xFFFFFFC0];
	v20 =	vshll.u32 v20, $0x12;
	v59 =	vshll.u32 v22, $0x12;
	vm1 =	veq.s32 v25, $0x0  }
0xa0: {  	s25 =	simm.s32 $0x7040;
	v24 =	vld [tilespmem:s30+$0xFFFFFFC0];
	vm2 =	veq.s32 v26, $0x0;
	vm3 =	veq.s32 v27, $0x0;
	v1 =	vadd.s32 v2, v1  }
0xa1: {  	v63 =	vld [tilespmem:s30+$0x30];
	vm4 =	veq.s32 v60, $0x0;
	vm5 =	veq.s32 v61, $0x0;
	v9 =	vadd.s32 v6, v9;
	[tilespmem:s25+$0x20] =	vst v1  }
0xa2: {  	v5 =	vld [tilespmem:s29+$0x0];
	v2 =	vadd.s32 v2, v3;
	v8 =	vadd.s32 v4, v8;
	v62 =	vadd.s32 v13, v18;
	[tilespmem:s25+$0xFFFFFFD0] =	vst v9  }
0xa3: {  	v3 =	vld [tilespmem:s16+$0xFFFFFFF0];
	v6 =	vadd.s32 v6, v11;
	v14 =	vadd.s32 v10, v14;
	v10 =	vadd.s32 v10, v15;
	[tilespmem:s25+$0x0] =	vst v62  }
0xa4: {  	s7 =	simm.s32 $0x9040;
	v19 =	vadd.s32 v16, v19;
	v16 =	vadd.s32 v16, v20;
	v2 =	vsel vm0, v1, v2;
	[tilespmem:s25+$0xFFFFFFE0] =	vst v14  }
0xa5: {  	v1 =	vshll.u32 v21, $0x12;
	vm0 =	veq.s32 v24, $0x0;
	[tilespmem:s7+$0x20] =	vst v2;
	v2 =	vshll.u32 v23, $0x12  }
0xa6: {  	[tilespmem:s25+$0x10] =	vst v19;
	v1 =	vadd.s32 v7, v1;
	v4 =	vadd.s32 v4, v2;
	v2 =	vadd.s32 v7, v59  }
0xa7: {  	v5 =	vshll.u32 v5, $0x12;
	[tilespmem:s25+$0xFFFFFFC0] =	vst v4;
	v4 =	vsel vm0, v4, v8;
	vm0 =	veq.s32 v63, $0x0  }
0xa8: {  	v3 =	vshll.u32 v3, $0x12;
	v13 =	vadd.s32 v13, v5;
	[tilespmem:s7+$0xFFFFFFC0] =	vst v4;
	v4 =	vsel vm1, v9, v6  }
0xa9: {  	v6 =	vsel vm2, v14, v10;
	v3 =	vadd.s32 v12, v3;
	v12 =	vadd.s32 v12, v17;
	[tilespmem:s7+$0xFFFFFFD0] =	vst v4  }
0xaa: {  	s8 =	simm.s32 $0x0;
	s11 =	sadd.s32 $0x80, s22;
	s12 =	simm.s32 $0x10C0;
	v4 =	vsel vm4, v62, v13;
	[tilespmem:s25+$0xFFFFFFF0] =	vst v3;
	v5 =	vsel vm3, v3, v12;
	v3 =	vsel vm5, v19, v16  }
.LBB2_4:
0xab: {  	v7 =	vld [tilespmem:s12+$0x20];
	s14 =	sadd.s32 $0xFFFFFFF0, s11;
	v8 =	vmov s11;
	s8 =	sadd.s32 $0x8, s8;
	[tilespmem:s7+$0xFFFFFFE0] =	vst v6;
	v2 =	vsel vm0, v1, v2;
	s29 =	sadd.s32 $0x80, s29  }
0xac: {  	s13 =	sadd.s32 $0xFFFFFF90, s11;
	s30 =	sadd.s32 $0x80, s30;
	v6 =	vld [tilespmem:s29+$0x20];
	v9 =	vmov s14;
	v8 =	vshrl.u32 v8, $0x12;
	p0 =	slt.u32 s8, $0xF8;
	[tilespmem:s7+$0xFFFFFFF0] =	vst v5  }
0xad: {  	s15 =	sadd.s32 $0xFFFFFFA0, s11;
	s16 =	sadd.s32 $0xFFFFFFB0, s11;
	s18 =	sadd.s32 $0xFFFFFFC0, s11;
	v5 =	vmov s13;
	v10 =	vld [tilespmem:s30+$0x20];
	v9 =	vshrl.u32 v9, $0x12;
	v8 =	vmul.u32 $0x17C0000, v8;
	[tilespmem:s7+$0x0] =	vst v4  }
0xae: {  	s19 =	sadd.s32 $0xFFFFFFD0, s11;
	s20 =	sadd.s32 $0xFFFFFFE0, s11;
	v11 =	vmov s15;
	v12 =	vmov s16;
	v4 =	vld [tilespmem:s29+$0xFFFFFFC0];
	v9 =	vmul.u32 $0x17C0000, v9;
	[tilespmem:s7+$0x10] =	vst v3  }
0xaf: {  	v13 =	vmov s18;
	v14 =	vmov s19;
	v15 =	vmov s20;
	v3 =	vld [tilespmem:s12+$0xFFFFFFD0]  }
0xb0: {  	v5 =	vshrl.u32 v5, $0x12;
	v11 =	vshrl.u32 v11, $0x12;
	v16 =	vld [tilespmem:s29+$0xFFFFFFD0];
	v9 =	vadd.s32 s14, v9;
	[tilespmem:s25+$0x30] =	vst v1  }
0xb1: {  	v7 =	vshll.u32 v7, $0x12;
	v1 =	vld [tilespmem:s12+$0xFFFFFFE0];
	v9 =	vadd.s32 v0, v9;
	v6 =	vshll.u32 v6, $0x12;
	[tilespmem:s7+$0x30] =	vst v2  }
0xb2: {  	s25 =	sadd.s32 $0x80, s25;
	v2 =	vld [tilespmem:s29+$0xFFFFFFE0];
	v7 =	vadd.s32 v9, v7;
	v6 =	vadd.s32 v9, v6;
	vm0 =	veq.s32 v10, $0x0  }
0xb3: {  	s7 =	sadd.s32 $0x80, s7;
	v9 =	vshrl.u32 v12, $0x12;
	v12 =	vshrl.u32 v13, $0x12;
	v10 =	vld [tilespmem:s12+$0xFFFFFFF0];
	v6 =	vsel vm0, v7, v6;
	[tilespmem:s25+$0x20] =	vst v7  }
0xb4: {  	v5 =	vmul.u32 $0x17C0000, v5;
	v13 =	vshrl.u32 v14, $0x12;
	v14 =	vshrl.u32 v15, $0x12;
	v7 =	vld [tilespmem:s29+$0xFFFFFFF0];
	[tilespmem:s7+$0x20] =	vst v6  }
0xb5: {  	v9 =	vmul.u32 $0x17C0000, v9;
	v6 =	vmul.u32 $0x17C0000, v11;
	v11 =	vmul.u32 $0x17C0000, v12;
	v12 =	vld [tilespmem:s12+$0x0]  }
0xb6: {  	v5 =	vadd.s32 s13, v5;
	v13 =	vmul.u32 $0x17C0000, v13;
	v14 =	vmul.u32 $0x17C0000, v14;
	v15 =	vld [tilespmem:s29+$0x0]  }
0xb7: {  	v9 =	vadd.s32 s16, v9;
	v6 =	vadd.s32 s15, v6;
	v11 =	vadd.s32 s18, v11;
	v17 =	vld [tilespmem:s12+$0x10]  }
0xb8: {  	v8 =	vadd.s32 s11, v8;
	v13 =	vadd.s32 s19, v13;
	v14 =	vadd.s32 s20, v14;
	v18 =	vld [tilespmem:s29+$0x10]  }
0xb9: {  	v5 =	vadd.s32 v0, v5;
	v9 =	vadd.s32 v0, v9;
	v6 =	vadd.s32 v0, v6;
	v19 =	vld [tilespmem:s12+$0x30]  }
0xba: {  	v13 =	vadd.s32 v0, v13;
	v14 =	vadd.s32 v0, v14;
	v11 =	vadd.s32 v0, v11;
	v20 =	vld [tilespmem:s29+$0x30]  }
0xbb: {  	v4 =	vshll.u32 v4, $0x12;
	v3 =	vshll.u32 v3, $0x12;
	v16 =	vshll.u32 v16, $0x12;
	v21 =	vld [tilespmem:s12+$0xFFFFFFC0]  }
0xbc: {  	v1 =	vshll.u32 v1, $0x12;
	v2 =	vshll.u32 v2, $0x12;
	v10 =	vshll.u32 v10, $0x12;
	v22 =	vld [tilespmem:s30+$0xFFFFFFC0]  }
0xbd: {  	v7 =	vshll.u32 v7, $0x12;
	v12 =	vshll.u32 v12, $0x12;
	v15 =	vshll.u32 v15, $0x12;
	v23 =	vld [tilespmem:s30+$0xFFFFFFD0]  }
0xbe: {  	v8 =	vadd.s32 v0, v8;
	v17 =	vshll.u32 v17, $0x12;
	v18 =	vshll.u32 v18, $0x12;
	v24 =	vld [tilespmem:s30+$0xFFFFFFE0]  }
0xbf: {  	v4 =	vadd.s32 v5, v4;
	v19 =	vshll.u32 v19, $0x12;
	v25 =	vld [tilespmem:s30+$0xFFFFFFF0];
	v20 =	vshll.u32 v20, $0x12  }
0xc0: {  	v3 =	vadd.s32 v6, v3;
	v6 =	vadd.s32 v6, v16;
	v21 =	vshll.u32 v21, $0x12;
	v16 =	vld [tilespmem:s30+$0x0]  }
0xc1: {  	v5 =	vadd.s32 v5, v21;
	[tilespmem:s25+$0xFFFFFFD0] =	vst v3;
	v21 =	vadd.s32 v9, v1;
	v9 =	vadd.s32 v9, v2;
	v26 =	vld [tilespmem:s30+$0x10]  }
0xc2: {  	v10 =	vadd.s32 v11, v10;
	v7 =	vadd.s32 v11, v7;
	v11 =	vadd.s32 v13, v12;
	[tilespmem:s25+$0xFFFFFFC0] =	vst v5;
	v12 =	vld [tilespmem:s30+$0x30]  }
0xc3: {  	v13 =	vadd.s32 v13, v15;
	v15 =	vadd.s32 v14, v17;
	v14 =	vadd.s32 v14, v18;
	[tilespmem:s25+$0x0] =	vst v11  }
.Ltmp1:
0xc4: {  	vm0 =	veq.s32 v22, $0x0;
	v1 =	vadd.s32 v8, v19;
	v2 =	vadd.s32 v8, v20;
	[tilespmem:s25+$0xFFFFFFE0] =	vst v21;
	(pc) =	sbr.rel @p0 .LBB2_4-.Ltmp1, $4  }
0xc5: {  	vm1 =	veq.s32 v23, $0x0;
	vm2 =	veq.s32 v24, $0x0;
	vm3 =	veq.s32 v25, $0x0;
	[tilespmem:s25+$0x10] =	vst v15  }
0xc6: {  	v4 =	vsel vm0, v5, v4;
	vm4 =	veq.s32 v16, $0x0;
	[tilespmem:s25+$0xFFFFFFF0] =	vst v10;
	vm5 =	veq.s32 v26, $0x0  }
0xc7: {  	v3 =	vsel vm1, v3, v6;
	v6 =	vsel vm2, v21, v9;
	[tilespmem:s7+$0xFFFFFFC0] =	vst v4;
	vm0 =	veq.s32 v12, $0x0  }
0xc8: {  	s11 =	sadd.s32 $0x80, s11;
	s12 =	sadd.s32 $0x80, s12;
	v5 =	vsel vm3, v10, v7;
	v4 =	vsel vm4, v11, v13;
	[tilespmem:s7+$0xFFFFFFD0] =	vst v3;
	v3 =	vsel vm5, v15, v14  }
0xc9: {  	[tilespmem:s7+$0xFFFFFFE0] =	vst v6  }
0xca: {  	[tilespmem:s7+$0xFFFFFFF0] =	vst v5  }
0xcb: {  	[tilespmem:s7+$0x0] =	vst v4  }
0xcc: {  	[tilespmem:s7+$0x10] =	vst v3  }
0xcd: {  	v2 =	vsel vm0, v1, v2;
	[tilespmem:s25+$0x30] =	vst v1  }
0xce: {  	[tilespmem:s7+$0x30] =	vst v2  }
0xcf: {  	s15 =	simm.s32 $0x0;
	s8 =	rddreg [dreg:$0x8]  }
0xd0: {  	[tilespmem:s15], [sflag:$0x1] =	stream.linear.gather [hbm4b:s8+s15], $0x1000, $0x38;
	[tilespmem:$0xE080] =	vst v63  }
0xd1: {  	s11 =	simm.s32 $0x2000;
	s16 =	rddreg [dreg:$0x9]  }
0xd2: {  	[tilespmem:s11], [sflag:$0x1] =	stream.linear.gather [hbm4b:s16+s15], $0x1000, $0x38;
	[tilespmem:$0xE080] =	vst v63  }
0xd3: {  	s19 =	simm.s32 $0x4000;
	s18 =	rddreg [dreg:$0xa]  }
0xd4: {  	[tilespmem:s19], [sflag:$0x1] =	stream.linear.gather [hbm4b:s18+s15], $0x1000, $0x38;
	[tilespmem:$0xE080] =	vst v63  }
0xd5: {  	s20 =	simm.s32 $0x7000;
	s25 =	simm.s32 $0xB000  }
0xd6: {  	[tilespmem:s25], [sflag:$0x4] =	stream.indirect.gather [hbm4b:s26+s10], $0x1, s20, s10, $0xb8;
	[tilespmem:$0xE080] =	vst v63  }
0xd7: {  	s29 =	simm.s32 $0x9000  }
0xd8: {  	[tilespmem:s21], [sflag:$0x4] =	stream.indirect.gather [hbm4b:s26+s10], $0x1, s29, s10, $0xb8;
	[tilespmem:$0xE080] =	vst v63  }
0xd9: {  	_ =	swait.ge [sflag:s23], $0x1000  }
0xda: {  	[sflag:s23] =	ssyncset.done $0x0  }
0xdb: {  	[sflag:s23] =	ssyncadd.s32 $0xFFFFF000  }
0xdc: {  	_ =	swait.ge [sflag:s23], $0x1000  }
0xdd: {  	[sflag:s23] =	ssyncset.done $0x0  }
0xde: {  	s30 =	simm.s32 $0x0;
	[sflag:s23] =	ssyncadd.s32 $0xFFFFF000  }
0xdf: {  	v2 =	vld [tilespmem:s30+$0xA000]  }
0xe0: {  	v1 =	vimm.f32 $0.0e+00;
	s7 =	simm.s32 $0x40;
	v3 =	vld [tilespmem:s30+$0xC000]  }
.LBB2_6:
0xe1: {  	_ = 	snop  }
0xe2: {  	p0 =	sne.s32 s7, $0x3FC0  }
.Ltmp2:
0xe3: {  	_ = 	snop;
	(pc) =	sbr.rel @p0 .LBB2_6-.Ltmp2, $4  }
0xe4: {  	_ = 	snop  }
0xe5: {  	s8 =	sshra.s32 s7, $0x2;
	v4 =	vsub.f32 v2, v3  }
0xe6: {  	v2 =	vld [tilespmem:s8+$0xA000]  }
0xe7: {  	s7 =	sadd.s32 $0x40, s7;
	v3 =	vld [tilespmem:s8+$0xC000];
	v1 =	vadd.f32 v4, v1  }
0xe8: {  	_ =	swait.ge [sflag:s9], $0x1000  }
0xe9: {  	[sflag:s9] =	ssyncset.done $0x0  }
0xea: {  	[sflag:s9] =	ssyncadd.s32 $0xFFFFF000  }
0xeb: {  	_ =	swait.ge [sflag:s9], $0x1000  }
0xec: {  	[sflag:s9] =	ssyncset.done $0x0  }
0xed: {  	[sflag:s9] =	ssyncadd.s32 $0xFFFFF000  }
0xee: {  	_ =	swait.ge [sflag:s9], $0x1000  }
0xef: {  	[sflag:s9] =	ssyncset.done $0x0  }
0xf0: {  	s7 =	simm.s32 $0x40;
	v2 =	vsub.f32 v2, v3;
	[sflag:s9] =	ssyncadd.s32 $0xFFFFF000  }
0xf1: {  	s29 =	simm.s32 $0x2040;
	v3 =	vld [tilespmem:s7+$0x20]  }
0xf2: {  	s30 =	simm.s32 $0x4040;
	v1 =	vadd.f32 v2, v1;
	v2 =	vld [tilespmem:s29+$0x20]  }
0xf3: {  	v7 =	vld [tilespmem:s30+$0x20]  }
0xf4: {  	v8 =	vld [tilespmem:s29+$0xFFFFFFC0]  }
0xf5: {  	v11 =	vld [tilespmem:s7+$0xFFFFFFD0]  }
0xf6: {  	s8 =	sadd.s32 $0xFFFFFFF0, s0;
	v4 =	vmov s0;
	v15 =	vld [tilespmem:s29+$0xFFFFFFD0]  }
0xf7: {  	s11 =	sadd.s32 $0xFFFFFF90, s0;
	s12 =	sadd.s32 $0xFFFFFFA0, s0;
	s13 =	sadd.s32 $0xFFFFFFB0, s0;
	v5 =	vmov s8;
	v4 =	vshrl.u32 v4, $0x12;
	v16 =	vld [tilespmem:s7+$0xFFFFFFE0]  }
0xf8: {  	s14 =	sadd.s32 $0xFFFFFFC0, s0;
	s15 =	sadd.s32 $0xFFFFFFD0, s0;
	s16 =	sadd.s32 $0xFFFFFFE0, s0;
	v6 =	vmov s11;
	v9 =	vmov s12;
	v10 =	vmov s13;
	v17 =	vld [tilespmem:s29+$0xFFFFFFE0]  }
0xf9: {  	v12 =	vmov s14;
	v13 =	vmov s15;
	v14 =	vmov s16;
	v56 =	vld [tilespmem:s29+$0xFFFFFFF0]  }
0xfa: {  	v5 =	vshrl.u32 v5, $0x12;
	v4 =	vmul.u32 $0x17C0000, v4;
	v6 =	vshrl.u32 v6, $0x12;
	v18 =	vld [tilespmem:s7+$0x0]  }
0xfb: {  	v9 =	vshrl.u32 v9, $0x12;
	v55 =	vshrl.u32 v12, $0x12;
	v13 =	vshrl.u32 v13, $0x12;
	v19 =	vld [tilespmem:s29+$0x0]  }
0xfc: {  	v14 =	vshrl.u32 v14, $0x12;
	v5 =	vmul.u32 $0x17C0000, v5;
	v6 =	vmul.u32 $0x17C0000, v6;
	v20 =	vld [tilespmem:s7+$0x10]  }
0xfd: {  	v9 =	vmul.u32 $0x17C0000, v9;
	v13 =	vmul.u32 $0x17C0000, v13;
	v14 =	vmul.u32 $0x17C0000, v14;
	v21 =	vld [tilespmem:s29+$0x10]  }
0xfe: {  	v4 =	vadd.s32 s0, v4;
	v5 =	vadd.s32 s8, v5;
	v6 =	vadd.s32 s11, v6;
	v23 =	vld [tilespmem:s29+$0x30]  }
0xff: {  	v9 =	vadd.s32 s12, v9;
	v13 =	vadd.s32 s15, v13;
	v14 =	vadd.s32 s16, v14;
	v26 =	vld [tilespmem:s30+$0xFFFFFFD0]  }
0x100: {  	v4 =	vadd.s32 v0, v4;
	v5 =	vadd.s32 v0, v5;
	v6 =	vadd.s32 v0, v6;
	v27 =	vld [tilespmem:s30+$0xFFFFFFE0]  }
0x101: {  	v9 =	vadd.s32 v0, v9;
	v13 =	vadd.s32 v0, v13;
	v14 =	vadd.s32 v0, v14;
	v28 =	vld [tilespmem:s30+$0xFFFFFFF0]  }
0x102: {  	v58 =	vld [tilespmem:s30+$0x0];
	v3 =	vshll.u32 v3, $0x12;
	v2 =	vshll.u32 v2, $0x12;
	vm0 =	veq.s32 v7, $0x0  }
0x103: {  	v59 =	vld [tilespmem:s30+$0x10];
	v8 =	vshll.u32 v8, $0x12;
	v11 =	vshll.u32 v11, $0x12;
	v15 =	vshll.u32 v15, $0x12  }
0x104: {  	v16 =	vshll.u32 v16, $0x12;
	v17 =	vshll.u32 v17, $0x12;
	v12 =	vshll.u32 v56, $0x12  }
0x105: {  	v18 =	vshll.u32 v18, $0x12;
	v19 =	vshll.u32 v19, $0x12;
	v20 =	vshll.u32 v20, $0x12  }
0x106: {  	v22 =	vld [tilespmem:s7+$0x30];
	v21 =	vshll.u32 v21, $0x12;
	v57 =	vshll.u32 v23, $0x12;
	vm1 =	veq.s32 v26, $0x0  }
0x107: {  	v24 =	vld [tilespmem:s7+$0xFFFFFFC0];
	vm2 =	veq.s32 v27, $0x0;
	vm3 =	veq.s32 v28, $0x0;
	vm4 =	veq.s32 v58, $0x0  }
0x108: {  	v25 =	vld [tilespmem:s30+$0xFFFFFFC0];
	vm5 =	veq.s32 v59, $0x0;
	v3 =	vadd.s32 v5, v3;
	v2 =	vadd.s32 v5, v2  }
0x109: {  	s25 =	simm.s32 $0x6040;
	v5 =	vshrl.u32 v10, $0x12;
	v10 =	vmul.u32 $0x17C0000, v55;
	v8 =	vadd.s32 v6, v8  }
0x10a: {  	v11 =	vadd.s32 v9, v11;
	v9 =	vadd.s32 v9, v15;
	v61 =	vadd.s32 v13, v18;
	[tilespmem:s25+$0x20] =	vst v3  }
0x10b: {  	v7 =	vld [tilespmem:s7+$0xFFFFFFF0];
	v13 =	vadd.s32 v13, v19;
	v63 =	vadd.s32 v14, v20;
	v14 =	vadd.s32 v14, v21;
	[tilespmem:s25+$0xFFFFFFD0] =	vst v11  }
0x10c: {  	v62 =	vld [tilespmem:s30+$0x30];
	s7 =	simm.s32 $0x8040;
	v2 =	vsel vm0, v3, v2;
	v5 =	vmul.u32 $0x17C0000, v5;
	v3 =	vshll.u32 v22, $0x12;
	[tilespmem:s25+$0x0] =	vst v61  }
0x10d: {  	vm0 =	veq.s32 v25, $0x0;
	v10 =	vadd.s32 s14, v10;
	[tilespmem:s7+$0x20] =	vst v2;
	v2 =	vshll.u32 v24, $0x12  }
0x10e: {  	[tilespmem:s25+$0x10] =	vst v63;
	v5 =	vadd.s32 s13, v5;
	v6 =	vadd.s32 v6, v2;
	v2 =	vadd.s32 v4, v3  }
0x10f: {  	v3 =	vadd.s32 v4, v57;
	v5 =	vadd.s32 v0, v5;
	[tilespmem:s25+$0xFFFFFFC0] =	vst v6;
	v4 =	vsel vm0, v6, v8  }
0x110: {  	v10 =	vadd.s32 v0, v10;
	v7 =	vshll.u32 v7, $0x12;
	v16 =	vadd.s32 v5, v16;
	[tilespmem:s7+$0xFFFFFFC0] =	vst v4  }
0x111: {  	vm0 =	veq.s32 v62, $0x0;
	v5 =	vadd.s32 v5, v17;
	v60 =	vadd.s32 v10, v7;
	[tilespmem:s25+$0xFFFFFFE0] =	vst v16  }
0x112: {  	v10 =	vadd.s32 v10, v12;
	v4 =	vsel vm1, v11, v9;
	[tilespmem:s25+$0xFFFFFFF0] =	vst v60;
	v7 =	vsel vm2, v16, v5  }
0x113: {  	s8 =	simm.s32 $0x0;
	s11 =	sadd.s32 $0x80, s0;
	s12 =	simm.s32 $0xC0;
	[tilespmem:s7+$0xFFFFFFD0] =	vst v4;
	v6 =	vsel vm3, v60, v10;
	v5 =	vsel vm4, v61, v13;
	v4 =	vsel vm5, v63, v14  }
.LBB2_8:
0x114: {  	v8 =	vld [tilespmem:s12+$0x20];
	s14 =	sadd.s32 $0xFFFFFFF0, s11;
	v9 =	vmov s11;
	s8 =	sadd.s32 $0x8, s8;
	[tilespmem:s7+$0xFFFFFFE0] =	vst v7;
	v3 =	vsel vm0, v2, v3;
	s29 =	sadd.s32 $0x80, s29  }
0x115: {  	s13 =	sadd.s32 $0xFFFFFF90, s11;
	s30 =	sadd.s32 $0x80, s30;
	v7 =	vld [tilespmem:s29+$0x20];
	v10 =	vmov s14;
	v9 =	vshrl.u32 v9, $0x12;
	p0 =	slt.u32 s8, $0xF8;
	[tilespmem:s7+$0xFFFFFFF0] =	vst v6  }
0x116: {  	s15 =	sadd.s32 $0xFFFFFFA0, s11;
	s16 =	sadd.s32 $0xFFFFFFB0, s11;
	s18 =	sadd.s32 $0xFFFFFFC0, s11;
	v6 =	vmov s13;
	v11 =	vld [tilespmem:s30+$0x20];
	v10 =	vshrl.u32 v10, $0x12;
	v9 =	vmul.u32 $0x17C0000, v9;
	[tilespmem:s7+$0x0] =	vst v5  }
0x117: {  	s19 =	sadd.s32 $0xFFFFFFD0, s11;
	s20 =	sadd.s32 $0xFFFFFFE0, s11;
	v12 =	vmov s15;
	v13 =	vmov s16;
	v5 =	vld [tilespmem:s29+$0xFFFFFFC0];
	v10 =	vmul.u32 $0x17C0000, v10;
	[tilespmem:s7+$0x10] =	vst v4  }
0x118: {  	v14 =	vmov s18;
	v15 =	vmov s19;
	v16 =	vmov s20;
	v4 =	vld [tilespmem:s12+$0xFFFFFFD0]  }
0x119: {  	v6 =	vshrl.u32 v6, $0x12;
	v12 =	vshrl.u32 v12, $0x12;
	v17 =	vld [tilespmem:s29+$0xFFFFFFD0];
	v10 =	vadd.s32 s14, v10;
	[tilespmem:s25+$0x30] =	vst v2  }
0x11a: {  	v8 =	vshll.u32 v8, $0x12;
	v2 =	vld [tilespmem:s12+$0xFFFFFFE0];
	v10 =	vadd.s32 v0, v10;
	v7 =	vshll.u32 v7, $0x12;
	[tilespmem:s7+$0x30] =	vst v3  }
0x11b: {  	s25 =	sadd.s32 $0x80, s25;
	v3 =	vld [tilespmem:s29+$0xFFFFFFE0];
	v8 =	vadd.s32 v10, v8;
	v7 =	vadd.s32 v10, v7;
	vm0 =	veq.s32 v11, $0x0  }
0x11c: {  	s7 =	sadd.s32 $0x80, s7;
	v10 =	vshrl.u32 v13, $0x12;
	v13 =	vshrl.u32 v14, $0x12;
	v11 =	vld [tilespmem:s12+$0xFFFFFFF0];
	v7 =	vsel vm0, v8, v7;
	[tilespmem:s25+$0x20] =	vst v8  }
0x11d: {  	v6 =	vmul.u32 $0x17C0000, v6;
	v14 =	vshrl.u32 v15, $0x12;
	v15 =	vshrl.u32 v16, $0x12;
	v8 =	vld [tilespmem:s29+$0xFFFFFFF0];
	[tilespmem:s7+$0x20] =	vst v7  }
0x11e: {  	v10 =	vmul.u32 $0x17C0000, v10;
	v7 =	vmul.u32 $0x17C0000, v12;
	v12 =	vmul.u32 $0x17C0000, v13;
	v13 =	vld [tilespmem:s12+$0x0]  }
0x11f: {  	v6 =	vadd.s32 s13, v6;
	v14 =	vmul.u32 $0x17C0000, v14;
	v15 =	vmul.u32 $0x17C0000, v15;
	v16 =	vld [tilespmem:s29+$0x0]  }
0x120: {  	v10 =	vadd.s32 s16, v10;
	v7 =	vadd.s32 s15, v7;
	v12 =	vadd.s32 s18, v12;
	v18 =	vld [tilespmem:s12+$0x10]  }
0x121: {  	v9 =	vadd.s32 s11, v9;
	v14 =	vadd.s32 s19, v14;
	v15 =	vadd.s32 s20, v15;
	v19 =	vld [tilespmem:s29+$0x10]  }
0x122: {  	v6 =	vadd.s32 v0, v6;
	v10 =	vadd.s32 v0, v10;
	v7 =	vadd.s32 v0, v7;
	v20 =	vld [tilespmem:s12+$0x30]  }
0x123: {  	v14 =	vadd.s32 v0, v14;
	v15 =	vadd.s32 v0, v15;
	v12 =	vadd.s32 v0, v12;
	v21 =	vld [tilespmem:s29+$0x30]  }
0x124: {  	v5 =	vshll.u32 v5, $0x12;
	v4 =	vshll.u32 v4, $0x12;
	v17 =	vshll.u32 v17, $0x12;
	v22 =	vld [tilespmem:s12+$0xFFFFFFC0]  }
0x125: {  	v2 =	vshll.u32 v2, $0x12;
	v3 =	vshll.u32 v3, $0x12;
	v11 =	vshll.u32 v11, $0x12;
	v23 =	vld [tilespmem:s30+$0xFFFFFFC0]  }
0x126: {  	v8 =	vshll.u32 v8, $0x12;
	v13 =	vshll.u32 v13, $0x12;
	v16 =	vshll.u32 v16, $0x12;
	v24 =	vld [tilespmem:s30+$0xFFFFFFD0]  }
0x127: {  	v9 =	vadd.s32 v0, v9;
	v18 =	vshll.u32 v18, $0x12;
	v19 =	vshll.u32 v19, $0x12;
	v25 =	vld [tilespmem:s30+$0xFFFFFFE0]  }
0x128: {  	v5 =	vadd.s32 v6, v5;
	v20 =	vshll.u32 v20, $0x12;
	v26 =	vld [tilespmem:s30+$0xFFFFFFF0];
	v21 =	vshll.u32 v21, $0x12  }
0x129: {  	v4 =	vadd.s32 v7, v4;
	v7 =	vadd.s32 v7, v17;
	v22 =	vshll.u32 v22, $0x12;
	v17 =	vld [tilespmem:s30+$0x0]  }
0x12a: {  	v6 =	vadd.s32 v6, v22;
	[tilespmem:s25+$0xFFFFFFD0] =	vst v4;
	v22 =	vadd.s32 v10, v2;
	v10 =	vadd.s32 v10, v3;
	v27 =	vld [tilespmem:s30+$0x10]  }
0x12b: {  	v11 =	vadd.s32 v12, v11;
	v8 =	vadd.s32 v12, v8;
	v12 =	vadd.s32 v14, v13;
	[tilespmem:s25+$0xFFFFFFC0] =	vst v6;
	v13 =	vld [tilespmem:s30+$0x30]  }
0x12c: {  	v14 =	vadd.s32 v14, v16;
	v16 =	vadd.s32 v15, v18;
	v15 =	vadd.s32 v15, v19;
	[tilespmem:s25+$0x0] =	vst v12  }
.Ltmp3:
0x12d: {  	vm0 =	veq.s32 v23, $0x0;
	v2 =	vadd.s32 v9, v20;
	v3 =	vadd.s32 v9, v21;
	[tilespmem:s25+$0xFFFFFFE0] =	vst v22;
	(pc) =	sbr.rel @p0 .LBB2_8-.Ltmp3, $4  }
0x12e: {  	vm1 =	veq.s32 v24, $0x0;
	vm2 =	veq.s32 v25, $0x0;
	vm3 =	veq.s32 v26, $0x0;
	[tilespmem:s25+$0x10] =	vst v16  }
0x12f: {  	v5 =	vsel vm0, v6, v5;
	vm4 =	veq.s32 v17, $0x0;
	[tilespmem:s25+$0xFFFFFFF0] =	vst v11;
	vm5 =	veq.s32 v27, $0x0  }
0x130: {  	v4 =	vsel vm1, v4, v7;
	v7 =	vsel vm2, v22, v10;
	[tilespmem:s7+$0xFFFFFFC0] =	vst v5;
	vm0 =	veq.s32 v13, $0x0  }
0x131: {  	s11 =	sadd.s32 $0x80, s11;
	s12 =	sadd.s32 $0x80, s12;
	v6 =	vsel vm3, v11, v8;
	v5 =	vsel vm4, v12, v14;
	[tilespmem:s7+$0xFFFFFFD0] =	vst v4;
	v4 =	vsel vm5, v16, v15  }
0x132: {  	[tilespmem:s7+$0xFFFFFFE0] =	vst v7  }
0x133: {  	[tilespmem:s7+$0xFFFFFFF0] =	vst v6  }
0x134: {  	[tilespmem:s7+$0x0] =	vst v5  }
0x135: {  	[tilespmem:s7+$0x10] =	vst v4  }
0x136: {  	v3 =	vsel vm0, v2, v3;
	[tilespmem:s25+$0x30] =	vst v2  }
0x137: {  	[tilespmem:s7+$0x30] =	vst v3  }
0x138: {  	s14 =	simm.s32 $0x0;
	s8 =	rddreg [dreg:$0xb]  }
0x139: {  	[tilespmem:s10], [sflag:$0x2] =	stream.linear.gather [hbm4b:s8+s14], $0x1000, $0x38;
	[tilespmem:$0xE080] =	vst v63  }
0x13a: {  	s11 =	simm.s32 $0x3000;
	s15 =	rddreg [dreg:$0xc]  }
0x13b: {  	[tilespmem:s11], [sflag:$0x2] =	stream.linear.gather [hbm4b:s15+s14], $0x1000, $0x38;
	[tilespmem:$0xE080] =	vst v63  }
0x13c: {  	s18 =	simm.s32 $0x5000;
	s16 =	rddreg [dreg:$0xd]  }
0x13d: {  	[tilespmem:s18], [sflag:$0x2] =	stream.linear.gather [hbm4b:s16+s14], $0x1000, $0x38;
	[tilespmem:$0xE080] =	vst v63  }
0x13e: {  	s19 =	simm.s32 $0x6000;
	s20 =	simm.s32 $0xA000  }
0x13f: {  	[tilespmem:s20], [sflag:$0x3] =	stream.indirect.gather [hbm4b:s26+s10], $0x1, s19, s10, $0xb8;
	[tilespmem:$0xE080] =	vst v63  }
0x140: {  	s25 =	simm.s32 $0x8000;
	s29 =	simm.s32 $0xC000  }
0x141: {  	[tilespmem:s29], [sflag:$0x3] =	stream.indirect.gather [hbm4b:s26+s10], $0x1, s25, s10, $0xb8;
	[tilespmem:$0xE080] =	vst v63  }
0x142: {  	_ =	swait.ge [sflag:s24], $0x1000  }
0x143: {  	[sflag:s24] =	ssyncset.done $0x0  }
0x144: {  	[sflag:s24] =	ssyncadd.s32 $0xFFFFF000  }
0x145: {  	_ =	swait.ge [sflag:s24], $0x1000  }
0x146: {  	[sflag:s24] =	ssyncset.done $0x0  }
0x147: {  	s30 =	simm.s32 $0x0;
	[sflag:s24] =	ssyncadd.s32 $0xFFFFF000  }
0x148: {  	v2 =	vld [tilespmem:s30+$0xB000]  }
0x149: {  	s7 =	simm.s32 $0x40;
	v3 =	vld [tilespmem:s30+$0xD000]  }
.LBB2_10:
0x14a: {  	_ = 	snop  }
0x14b: {  	p0 =	sne.s32 s7, $0x3FC0  }
.Ltmp4:
0x14c: {  	_ = 	snop;
	(pc) =	sbr.rel @p0 .LBB2_10-.Ltmp4, $4  }
0x14d: {  	_ = 	snop  }
0x14e: {  	s8 =	sshra.s32 s7, $0x2;
	v4 =	vsub.f32 v2, v3  }
0x14f: {  	v2 =	vld [tilespmem:s8+$0xB000]  }
0x150: {  	s7 =	sadd.s32 $0x40, s7;
	v3 =	vld [tilespmem:s8+$0xD000];
	v1 =	vadd.f32 v4, v1  }
0x151: {  	_ =	swait.ge [sflag:s17], $0x1000  }
0x152: {  	[sflag:s17] =	ssyncset.done $0x0  }
0x153: {  	[sflag:s17] =	ssyncadd.s32 $0xFFFFF000  }
0x154: {  	_ =	swait.ge [sflag:s17], $0x1000  }
0x155: {  	[sflag:s17] =	ssyncset.done $0x0  }
0x156: {  	[sflag:s17] =	ssyncadd.s32 $0xFFFFF000  }
0x157: {  	_ =	swait.ge [sflag:s17], $0x1000  }
0x158: {  	[sflag:s17] =	ssyncset.done $0x0  }
0x159: {  	s7 =	simm.s32 $0x1040;
	v2 =	vsub.f32 v2, v3;
	[sflag:s17] =	ssyncadd.s32 $0xFFFFF000  }
0x15a: {  	s29 =	simm.s32 $0x3040;
	v3 =	vld [tilespmem:s7+$0x20]  }
0x15b: {  	s30 =	simm.s32 $0x5040;
	v1 =	vadd.f32 v2, v1;
	v2 =	vld [tilespmem:s29+$0x20]  }
0x15c: {  	v7 =	vld [tilespmem:s30+$0x20]  }
0x15d: {  	v8 =	vld [tilespmem:s29+$0xFFFFFFC0]  }
0x15e: {  	v11 =	vld [tilespmem:s7+$0xFFFFFFD0]  }
0x15f: {  	s8 =	sadd.s32 $0xFFFFFFF0, s2;
	v4 =	vmov s2;
	v15 =	vld [tilespmem:s29+$0xFFFFFFD0]  }
0x160: {  	s11 =	sadd.s32 $0xFFFFFF90, s2;
	s12 =	sadd.s32 $0xFFFFFFA0, s2;
	s13 =	sadd.s32 $0xFFFFFFB0, s2;
	v5 =	vmov s8;
	v4 =	vshrl.u32 v4, $0x12;
	v16 =	vld [tilespmem:s7+$0xFFFFFFE0]  }
0x161: {  	s14 =	sadd.s32 $0xFFFFFFC0, s2;
	s15 =	sadd.s32 $0xFFFFFFD0, s2;
	s16 =	sadd.s32 $0xFFFFFFE0, s2;
	v6 =	vmov s11;
	v9 =	vmov s12;
	v10 =	vmov s13;
	v17 =	vld [tilespmem:s29+$0xFFFFFFE0]  }
0x162: {  	v12 =	vmov s14;
	v13 =	vmov s15;
	v14 =	vmov s16;
	v56 =	vld [tilespmem:s29+$0xFFFFFFF0]  }
0x163: {  	v5 =	vshrl.u32 v5, $0x12;
	v4 =	vmul.u32 $0x17C0000, v4;
	v6 =	vshrl.u32 v6, $0x12;
	v18 =	vld [tilespmem:s7+$0x0]  }
0x164: {  	v9 =	vshrl.u32 v9, $0x12;
	v55 =	vshrl.u32 v12, $0x12;
	v13 =	vshrl.u32 v13, $0x12;
	v19 =	vld [tilespmem:s29+$0x0]  }
0x165: {  	v14 =	vshrl.u32 v14, $0x12;
	v5 =	vmul.u32 $0x17C0000, v5;
	v6 =	vmul.u32 $0x17C0000, v6;
	v20 =	vld [tilespmem:s7+$0x10]  }
0x166: {  	v9 =	vmul.u32 $0x17C0000, v9;
	v13 =	vmul.u32 $0x17C0000, v13;
	v14 =	vmul.u32 $0x17C0000, v14;
	v21 =	vld [tilespmem:s29+$0x10]  }
0x167: {  	v4 =	vadd.s32 s2, v4;
	v5 =	vadd.s32 s8, v5;
	v6 =	vadd.s32 s11, v6;
	v23 =	vld [tilespmem:s29+$0x30]  }
0x168: {  	v9 =	vadd.s32 s12, v9;
	v13 =	vadd.s32 s15, v13;
	v14 =	vadd.s32 s16, v14;
	v26 =	vld [tilespmem:s30+$0xFFFFFFD0]  }
0x169: {  	v4 =	vadd.s32 v0, v4;
	v5 =	vadd.s32 v0, v5;
	v6 =	vadd.s32 v0, v6;
	v27 =	vld [tilespmem:s30+$0xFFFFFFE0]  }
0x16a: {  	v9 =	vadd.s32 v0, v9;
	v13 =	vadd.s32 v0, v13;
	v14 =	vadd.s32 v0, v14;
	v28 =	vld [tilespmem:s30+$0xFFFFFFF0]  }
0x16b: {  	v58 =	vld [tilespmem:s30+$0x0];
	v3 =	vshll.u32 v3, $0x12;
	v2 =	vshll.u32 v2, $0x12;
	vm0 =	veq.s32 v7, $0x0  }
0x16c: {  	v59 =	vld [tilespmem:s30+$0x10];
	v8 =	vshll.u32 v8, $0x12;
	v11 =	vshll.u32 v11, $0x12;
	v15 =	vshll.u32 v15, $0x12  }
0x16d: {  	v16 =	vshll.u32 v16, $0x12;
	v17 =	vshll.u32 v17, $0x12;
	v12 =	vshll.u32 v56, $0x12  }
0x16e: {  	v18 =	vshll.u32 v18, $0x12;
	v19 =	vshll.u32 v19, $0x12;
	v20 =	vshll.u32 v20, $0x12  }
0x16f: {  	v22 =	vld [tilespmem:s7+$0x30];
	v21 =	vshll.u32 v21, $0x12;
	v57 =	vshll.u32 v23, $0x12;
	vm1 =	veq.s32 v26, $0x0  }
0x170: {  	v24 =	vld [tilespmem:s7+$0xFFFFFFC0];
	vm2 =	veq.s32 v27, $0x0;
	vm3 =	veq.s32 v28, $0x0;
	vm4 =	veq.s32 v58, $0x0  }
0x171: {  	v25 =	vld [tilespmem:s30+$0xFFFFFFC0];
	vm5 =	veq.s32 v59, $0x0;
	v3 =	vadd.s32 v5, v3;
	v2 =	vadd.s32 v5, v2  }
0x172: {  	s25 =	simm.s32 $0x7040;
	v5 =	vshrl.u32 v10, $0x12;
	v10 =	vmul.u32 $0x17C0000, v55;
	v8 =	vadd.s32 v6, v8  }
0x173: {  	v11 =	vadd.s32 v9, v11;
	v9 =	vadd.s32 v9, v15;
	v61 =	vadd.s32 v13, v18;
	[tilespmem:s25+$0x20] =	vst v3  }
0x174: {  	v7 =	vld [tilespmem:s7+$0xFFFFFFF0];
	v13 =	vadd.s32 v13, v19;
	v63 =	vadd.s32 v14, v20;
	v14 =	vadd.s32 v14, v21;
	[tilespmem:s25+$0xFFFFFFD0] =	vst v11  }
0x175: {  	v62 =	vld [tilespmem:s30+$0x30];
	s7 =	simm.s32 $0x9040;
	v2 =	vsel vm0, v3, v2;
	v5 =	vmul.u32 $0x17C0000, v5;
	v3 =	vshll.u32 v22, $0x12;
	[tilespmem:s25+$0x0] =	vst v61  }
0x176: {  	vm0 =	veq.s32 v25, $0x0;
	v10 =	vadd.s32 s14, v10;
	[tilespmem:s7+$0x20] =	vst v2;
	v2 =	vshll.u32 v24, $0x12  }
0x177: {  	[tilespmem:s25+$0x10] =	vst v63;
	v5 =	vadd.s32 s13, v5;
	v6 =	vadd.s32 v6, v2;
	v2 =	vadd.s32 v4, v3  }
0x178: {  	v3 =	vadd.s32 v4, v57;
	v5 =	vadd.s32 v0, v5;
	[tilespmem:s25+$0xFFFFFFC0] =	vst v6;
	v4 =	vsel vm0, v6, v8  }
0x179: {  	v10 =	vadd.s32 v0, v10;
	v7 =	vshll.u32 v7, $0x12;
	v16 =	vadd.s32 v5, v16;
	[tilespmem:s7+$0xFFFFFFC0] =	vst v4  }
0x17a: {  	vm0 =	veq.s32 v62, $0x0;
	v5 =	vadd.s32 v5, v17;
	v60 =	vadd.s32 v10, v7;
	[tilespmem:s25+$0xFFFFFFE0] =	vst v16  }
0x17b: {  	v10 =	vadd.s32 v10, v12;
	v4 =	vsel vm1, v11, v9;
	[tilespmem:s25+$0xFFFFFFF0] =	vst v60;
	v7 =	vsel vm2, v16, v5  }
0x17c: {  	s8 =	simm.s32 $0x0;
	s11 =	sadd.s32 $0x80, s2;
	s12 =	simm.s32 $0x10C0;
	[tilespmem:s7+$0xFFFFFFD0] =	vst v4;
	v6 =	vsel vm3, v60, v10;
	v5 =	vsel vm4, v61, v13;
	v4 =	vsel vm5, v63, v14  }
.LBB2_12:
0x17d: {  	v8 =	vld [tilespmem:s12+$0x20];
	s14 =	sadd.s32 $0xFFFFFFF0, s11;
	v9 =	vmov s11;
	s8 =	sadd.s32 $0x8, s8;
	[tilespmem:s7+$0xFFFFFFE0] =	vst v7;
	v3 =	vsel vm0, v2, v3;
	s29 =	sadd.s32 $0x80, s29  }
0x17e: {  	s13 =	sadd.s32 $0xFFFFFF90, s11;
	s30 =	sadd.s32 $0x80, s30;
	v7 =	vld [tilespmem:s29+$0x20];
	v10 =	vmov s14;
	v9 =	vshrl.u32 v9, $0x12;
	p0 =	slt.u32 s8, $0xF8;
	[tilespmem:s7+$0xFFFFFFF0] =	vst v6  }
0x17f: {  	s15 =	sadd.s32 $0xFFFFFFA0, s11;
	s16 =	sadd.s32 $0xFFFFFFB0, s11;
	s18 =	sadd.s32 $0xFFFFFFC0, s11;
	v6 =	vmov s13;
	v11 =	vld [tilespmem:s30+$0x20];
	v10 =	vshrl.u32 v10, $0x12;
	v9 =	vmul.u32 $0x17C0000, v9;
	[tilespmem:s7+$0x0] =	vst v5  }
0x180: {  	s19 =	sadd.s32 $0xFFFFFFD0, s11;
	s20 =	sadd.s32 $0xFFFFFFE0, s11;
	v12 =	vmov s15;
	v13 =	vmov s16;
	v5 =	vld [tilespmem:s29+$0xFFFFFFC0];
	v10 =	vmul.u32 $0x17C0000, v10;
	[tilespmem:s7+$0x10] =	vst v4  }
0x181: {  	v14 =	vmov s18;
	v15 =	vmov s19;
	v16 =	vmov s20;
	v4 =	vld [tilespmem:s12+$0xFFFFFFD0]  }
0x182: {  	v6 =	vshrl.u32 v6, $0x12;
	v12 =	vshrl.u32 v12, $0x12;
	v17 =	vld [tilespmem:s29+$0xFFFFFFD0];
	v10 =	vadd.s32 s14, v10;
	[tilespmem:s25+$0x30] =	vst v2  }
0x183: {  	v8 =	vshll.u32 v8, $0x12;
	v2 =	vld [tilespmem:s12+$0xFFFFFFE0];
	v10 =	vadd.s32 v0, v10;
	v7 =	vshll.u32 v7, $0x12;
	[tilespmem:s7+$0x30] =	vst v3  }
0x184: {  	s25 =	sadd.s32 $0x80, s25;
	v3 =	vld [tilespmem:s29+$0xFFFFFFE0];
	v8 =	vadd.s32 v10, v8;
	v7 =	vadd.s32 v10, v7;
	vm0 =	veq.s32 v11, $0x0  }
0x185: {  	s7 =	sadd.s32 $0x80, s7;
	v10 =	vshrl.u32 v13, $0x12;
	v13 =	vshrl.u32 v14, $0x12;
	v11 =	vld [tilespmem:s12+$0xFFFFFFF0];
	v7 =	vsel vm0, v8, v7;
	[tilespmem:s25+$0x20] =	vst v8  }
0x186: {  	v6 =	vmul.u32 $0x17C0000, v6;
	v14 =	vshrl.u32 v15, $0x12;
	v15 =	vshrl.u32 v16, $0x12;
	v8 =	vld [tilespmem:s29+$0xFFFFFFF0];
	[tilespmem:s7+$0x20] =	vst v7  }
0x187: {  	v10 =	vmul.u32 $0x17C0000, v10;
	v7 =	vmul.u32 $0x17C0000, v12;
	v12 =	vmul.u32 $0x17C0000, v13;
	v13 =	vld [tilespmem:s12+$0x0]  }
0x188: {  	v6 =	vadd.s32 s13, v6;
	v14 =	vmul.u32 $0x17C0000, v14;
	v15 =	vmul.u32 $0x17C0000, v15;
	v16 =	vld [tilespmem:s29+$0x0]  }
0x189: {  	v10 =	vadd.s32 s16, v10;
	v7 =	vadd.s32 s15, v7;
	v12 =	vadd.s32 s18, v12;
	v18 =	vld [tilespmem:s12+$0x10]  }
0x18a: {  	v9 =	vadd.s32 s11, v9;
	v14 =	vadd.s32 s19, v14;
	v15 =	vadd.s32 s20, v15;
	v19 =	vld [tilespmem:s29+$0x10]  }
0x18b: {  	v6 =	vadd.s32 v0, v6;
	v10 =	vadd.s32 v0, v10;
	v7 =	vadd.s32 v0, v7;
	v20 =	vld [tilespmem:s12+$0x30]  }
0x18c: {  	v14 =	vadd.s32 v0, v14;
	v15 =	vadd.s32 v0, v15;
	v12 =	vadd.s32 v0, v12;
	v21 =	vld [tilespmem:s29+$0x30]  }
0x18d: {  	v5 =	vshll.u32 v5, $0x12;
	v4 =	vshll.u32 v4, $0x12;
	v17 =	vshll.u32 v17, $0x12;
	v22 =	vld [tilespmem:s12+$0xFFFFFFC0]  }
0x18e: {  	v2 =	vshll.u32 v2, $0x12;
	v3 =	vshll.u32 v3, $0x12;
	v11 =	vshll.u32 v11, $0x12;
	v23 =	vld [tilespmem:s30+$0xFFFFFFC0]  }
0x18f: {  	v8 =	vshll.u32 v8, $0x12;
	v13 =	vshll.u32 v13, $0x12;
	v16 =	vshll.u32 v16, $0x12;
	v24 =	vld [tilespmem:s30+$0xFFFFFFD0]  }
0x190: {  	v9 =	vadd.s32 v0, v9;
	v18 =	vshll.u32 v18, $0x12;
	v19 =	vshll.u32 v19, $0x12;
	v25 =	vld [tilespmem:s30+$0xFFFFFFE0]  }
0x191: {  	v5 =	vadd.s32 v6, v5;
	v20 =	vshll.u32 v20, $0x12;
	v26 =	vld [tilespmem:s30+$0xFFFFFFF0];
	v21 =	vshll.u32 v21, $0x12  }
0x192: {  	v4 =	vadd.s32 v7, v4;
	v7 =	vadd.s32 v7, v17;
	v22 =	vshll.u32 v22, $0x12;
	v17 =	vld [tilespmem:s30+$0x0]  }
0x193: {  	v6 =	vadd.s32 v6, v22;
	[tilespmem:s25+$0xFFFFFFD0] =	vst v4;
	v22 =	vadd.s32 v10, v2;
	v10 =	vadd.s32 v10, v3;
	v27 =	vld [tilespmem:s30+$0x10]  }
0x194: {  	v11 =	vadd.s32 v12, v11;
	v8 =	vadd.s32 v12, v8;
	v12 =	vadd.s32 v14, v13;
	[tilespmem:s25+$0xFFFFFFC0] =	vst v6;
	v13 =	vld [tilespmem:s30+$0x30]  }
0x195: {  	v14 =	vadd.s32 v14, v16;
	v16 =	vadd.s32 v15, v18;
	v15 =	vadd.s32 v15, v19;
	[tilespmem:s25+$0x0] =	vst v12  }
.Ltmp5:
0x196: {  	vm0 =	veq.s32 v23, $0x0;
	v2 =	vadd.s32 v9, v20;
	v3 =	vadd.s32 v9, v21;
	[tilespmem:s25+$0xFFFFFFE0] =	vst v22;
	(pc) =	sbr.rel @p0 .LBB2_12-.Ltmp5, $4  }
0x197: {  	vm1 =	veq.s32 v24, $0x0;
	vm2 =	veq.s32 v25, $0x0;
	vm3 =	veq.s32 v26, $0x0;
	[tilespmem:s25+$0x10] =	vst v16  }
0x198: {  	v5 =	vsel vm0, v6, v5;
	vm4 =	veq.s32 v17, $0x0;
	[tilespmem:s25+$0xFFFFFFF0] =	vst v11;
	vm5 =	veq.s32 v27, $0x0  }
0x199: {  	v4 =	vsel vm1, v4, v7;
	v7 =	vsel vm2, v22, v10;
	[tilespmem:s7+$0xFFFFFFC0] =	vst v5;
	vm0 =	veq.s32 v13, $0x0  }
0x19a: {  	s11 =	sadd.s32 $0x80, s11;
	s12 =	sadd.s32 $0x80, s12;
	v6 =	vsel vm3, v11, v8;
	v5 =	vsel vm4, v12, v14;
	[tilespmem:s7+$0xFFFFFFD0] =	vst v4;
	v4 =	vsel vm5, v16, v15  }
0x19b: {  	[tilespmem:s7+$0xFFFFFFE0] =	vst v7  }
0x19c: {  	[tilespmem:s7+$0xFFFFFFF0] =	vst v6  }
0x19d: {  	[tilespmem:s7+$0x0] =	vst v5  }
0x19e: {  	[tilespmem:s7+$0x10] =	vst v4  }
0x19f: {  	v3 =	vsel vm0, v2, v3;
	[tilespmem:s25+$0x30] =	vst v2  }
0x1a0: {  	[tilespmem:s7+$0x30] =	vst v3  }
0x1a1: {  	s15 =	simm.s32 $0x0;
	s8 =	rddreg [dreg:$0xe]  }
0x1a2: {  	[tilespmem:s15], [sflag:$0x1] =	stream.linear.gather [hbm4b:s8+s15], $0x1000, $0x38;
	[tilespmem:$0xE080] =	vst v63  }
0x1a3: {  	s11 =	simm.s32 $0x2000;
	s16 =	rddreg [dreg:$0xf]  }
0x1a4: {  	[tilespmem:s11], [sflag:$0x1] =	stream.linear.gather [hbm4b:s16+s15], $0x1000, $0x38;
	[tilespmem:$0xE080] =	vst v63  }
0x1a5: {  	s19 =	simm.s32 $0x4000;
	s18 =	rddreg [dreg:$0x10]  }
0x1a6: {  	[tilespmem:s19], [sflag:$0x1] =	stream.linear.gather [hbm4b:s18+s15], $0x1000, $0x38;
	[tilespmem:$0xE080] =	vst v63  }
0x1a7: {  	s20 =	simm.s32 $0x7000;
	s25 =	simm.s32 $0xB000  }
0x1a8: {  	[tilespmem:s25], [sflag:$0x4] =	stream.indirect.gather [hbm4b:s26+s10], $0x1, s20, s10, $0xb8;
	[tilespmem:$0xE080] =	vst v63  }
0x1a9: {  	s29 =	simm.s32 $0x9000  }
0x1aa: {  	[tilespmem:s21], [sflag:$0x4] =	stream.indirect.gather [hbm4b:s26+s10], $0x1, s29, s10, $0xb8;
	[tilespmem:$0xE080] =	vst v63  }
0x1ab: {  	_ =	swait.ge [sflag:s23], $0x1000  }
0x1ac: {  	[sflag:s23] =	ssyncset.done $0x0  }
0x1ad: {  	[sflag:s23] =	ssyncadd.s32 $0xFFFFF000  }
0x1ae: {  	_ =	swait.ge [sflag:s23], $0x1000  }
0x1af: {  	[sflag:s23] =	ssyncset.done $0x0  }
0x1b0: {  	s30 =	simm.s32 $0x0;
	[sflag:s23] =	ssyncadd.s32 $0xFFFFF000  }
0x1b1: {  	v2 =	vld [tilespmem:s30+$0xA000]  }
0x1b2: {  	s7 =	simm.s32 $0x40;
	v3 =	vld [tilespmem:s30+$0xC000]  }
.LBB2_14:
0x1b3: {  	_ = 	snop  }
0x1b4: {  	p0 =	sne.s32 s7, $0x3FC0  }
.Ltmp6:
0x1b5: {  	_ = 	snop;
	(pc) =	sbr.rel @p0 .LBB2_14-.Ltmp6, $4  }
0x1b6: {  	_ = 	snop  }
0x1b7: {  	s8 =	sshra.s32 s7, $0x2;
	v4 =	vsub.f32 v2, v3  }
0x1b8: {  	v2 =	vld [tilespmem:s8+$0xA000]  }
0x1b9: {  	s7 =	sadd.s32 $0x40, s7;
	v3 =	vld [tilespmem:s8+$0xC000];
	v1 =	vadd.f32 v4, v1  }
0x1ba: {  	_ =	swait.ge [sflag:s9], $0x1000  }
0x1bb: {  	[sflag:s9] =	ssyncset.done $0x0  }
0x1bc: {  	[sflag:s9] =	ssyncadd.s32 $0xFFFFF000  }
0x1bd: {  	_ =	swait.ge [sflag:s9], $0x1000  }
0x1be: {  	[sflag:s9] =	ssyncset.done $0x0  }
0x1bf: {  	[sflag:s9] =	ssyncadd.s32 $0xFFFFF000  }
0x1c0: {  	_ =	swait.ge [sflag:s9], $0x1000  }
0x1c1: {  	[sflag:s9] =	ssyncset.done $0x0  }
0x1c2: {  	s7 =	simm.s32 $0x40;
	v2 =	vsub.f32 v2, v3;
	[sflag:s9] =	ssyncadd.s32 $0xFFFFF000  }
0x1c3: {  	s29 =	simm.s32 $0x2040;
	v3 =	vld [tilespmem:s7+$0x20]  }
0x1c4: {  	s30 =	simm.s32 $0x4040;
	v1 =	vadd.f32 v2, v1;
	v2 =	vld [tilespmem:s29+$0x20]  }
0x1c5: {  	v7 =	vld [tilespmem:s30+$0x20]  }
0x1c6: {  	v8 =	vld [tilespmem:s29+$0xFFFFFFC0]  }
0x1c7: {  	v11 =	vld [tilespmem:s7+$0xFFFFFFD0]  }
0x1c8: {  	s8 =	sadd.s32 $0xFFFFFFF0, s3;
	v4 =	vmov s3;
	v15 =	vld [tilespmem:s29+$0xFFFFFFD0]  }
0x1c9: {  	s11 =	sadd.s32 $0xFFFFFF90, s3;
	s12 =	sadd.s32 $0xFFFFFFA0, s3;
	s13 =	sadd.s32 $0xFFFFFFB0, s3;
	v5 =	vmov s8;
	v4 =	vshrl.u32 v4, $0x12;
	v16 =	vld [tilespmem:s7+$0xFFFFFFE0]  }
0x1ca: {  	s14 =	sadd.s32 $0xFFFFFFC0, s3;
	s15 =	sadd.s32 $0xFFFFFFD0, s3;
	s16 =	sadd.s32 $0xFFFFFFE0, s3;
	v6 =	vmov s11;
	v9 =	vmov s12;
	v10 =	vmov s13;
	v17 =	vld [tilespmem:s29+$0xFFFFFFE0]  }
0x1cb: {  	v12 =	vmov s14;
	v13 =	vmov s15;
	v14 =	vmov s16;
	v56 =	vld [tilespmem:s29+$0xFFFFFFF0]  }
0x1cc: {  	v5 =	vshrl.u32 v5, $0x12;
	v4 =	vmul.u32 $0x17C0000, v4;
	v6 =	vshrl.u32 v6, $0x12;
	v18 =	vld [tilespmem:s7+$0x0]  }
0x1cd: {  	v9 =	vshrl.u32 v9, $0x12;
	v55 =	vshrl.u32 v12, $0x12;
	v13 =	vshrl.u32 v13, $0x12;
	v19 =	vld [tilespmem:s29+$0x0]  }
0x1ce: {  	v14 =	vshrl.u32 v14, $0x12;
	v5 =	vmul.u32 $0x17C0000, v5;
	v6 =	vmul.u32 $0x17C0000, v6;
	v20 =	vld [tilespmem:s7+$0x10]  }
0x1cf: {  	v9 =	vmul.u32 $0x17C0000, v9;
	v13 =	vmul.u32 $0x17C0000, v13;
	v14 =	vmul.u32 $0x17C0000, v14;
	v21 =	vld [tilespmem:s29+$0x10]  }
0x1d0: {  	v4 =	vadd.s32 s3, v4;
	v5 =	vadd.s32 s8, v5;
	v6 =	vadd.s32 s11, v6;
	v23 =	vld [tilespmem:s29+$0x30]  }
0x1d1: {  	v9 =	vadd.s32 s12, v9;
	v13 =	vadd.s32 s15, v13;
	v14 =	vadd.s32 s16, v14;
	v26 =	vld [tilespmem:s30+$0xFFFFFFD0]  }
0x1d2: {  	v4 =	vadd.s32 v0, v4;
	v5 =	vadd.s32 v0, v5;
	v6 =	vadd.s32 v0, v6;
	v27 =	vld [tilespmem:s30+$0xFFFFFFE0]  }
0x1d3: {  	v9 =	vadd.s32 v0, v9;
	v13 =	vadd.s32 v0, v13;
	v14 =	vadd.s32 v0, v14;
	v28 =	vld [tilespmem:s30+$0xFFFFFFF0]  }
0x1d4: {  	v58 =	vld [tilespmem:s30+$0x0];
	v3 =	vshll.u32 v3, $0x12;
	v2 =	vshll.u32 v2, $0x12;
	vm0 =	veq.s32 v7, $0x0  }
0x1d5: {  	v59 =	vld [tilespmem:s30+$0x10];
	v8 =	vshll.u32 v8, $0x12;
	v11 =	vshll.u32 v11, $0x12;
	v15 =	vshll.u32 v15, $0x12  }
0x1d6: {  	v16 =	vshll.u32 v16, $0x12;
	v17 =	vshll.u32 v17, $0x12;
	v12 =	vshll.u32 v56, $0x12  }
0x1d7: {  	v18 =	vshll.u32 v18, $0x12;
	v19 =	vshll.u32 v19, $0x12;
	v20 =	vshll.u32 v20, $0x12  }
0x1d8: {  	v22 =	vld [tilespmem:s7+$0x30];
	v21 =	vshll.u32 v21, $0x12;
	v57 =	vshll.u32 v23, $0x12;
	vm1 =	veq.s32 v26, $0x0  }
0x1d9: {  	v24 =	vld [tilespmem:s7+$0xFFFFFFC0];
	vm2 =	veq.s32 v27, $0x0;
	vm3 =	veq.s32 v28, $0x0;
	vm4 =	veq.s32 v58, $0x0  }
0x1da: {  	v25 =	vld [tilespmem:s30+$0xFFFFFFC0];
	vm5 =	veq.s32 v59, $0x0;
	v3 =	vadd.s32 v5, v3;
	v2 =	vadd.s32 v5, v2  }
0x1db: {  	s25 =	simm.s32 $0x6040;
	v5 =	vshrl.u32 v10, $0x12;
	v10 =	vmul.u32 $0x17C0000, v55;
	v8 =	vadd.s32 v6, v8  }
0x1dc: {  	v11 =	vadd.s32 v9, v11;
	v9 =	vadd.s32 v9, v15;
	v61 =	vadd.s32 v13, v18;
	[tilespmem:s25+$0x20] =	vst v3  }
0x1dd: {  	v7 =	vld [tilespmem:s7+$0xFFFFFFF0];
	v13 =	vadd.s32 v13, v19;
	v63 =	vadd.s32 v14, v20;
	v14 =	vadd.s32 v14, v21;
	[tilespmem:s25+$0xFFFFFFD0] =	vst v11  }
0x1de: {  	v62 =	vld [tilespmem:s30+$0x30];
	s7 =	simm.s32 $0x8040;
	v2 =	vsel vm0, v3, v2;
	v5 =	vmul.u32 $0x17C0000, v5;
	v3 =	vshll.u32 v22, $0x12;
	[tilespmem:s25+$0x0] =	vst v61  }
0x1df: {  	vm0 =	veq.s32 v25, $0x0;
	v10 =	vadd.s32 s14, v10;
	[tilespmem:s7+$0x20] =	vst v2;
	v2 =	vshll.u32 v24, $0x12  }
0x1e0: {  	[tilespmem:s25+$0x10] =	vst v63;
	v5 =	vadd.s32 s13, v5;
	v6 =	vadd.s32 v6, v2;
	v2 =	vadd.s32 v4, v3  }
0x1e1: {  	v3 =	vadd.s32 v4, v57;
	v5 =	vadd.s32 v0, v5;
	[tilespmem:s25+$0xFFFFFFC0] =	vst v6;
	v4 =	vsel vm0, v6, v8  }
0x1e2: {  	v10 =	vadd.s32 v0, v10;
	v7 =	vshll.u32 v7, $0x12;
	v16 =	vadd.s32 v5, v16;
	[tilespmem:s7+$0xFFFFFFC0] =	vst v4  }
0x1e3: {  	vm0 =	veq.s32 v62, $0x0;
	v5 =	vadd.s32 v5, v17;
	v60 =	vadd.s32 v10, v7;
	[tilespmem:s25+$0xFFFFFFE0] =	vst v16  }
0x1e4: {  	v10 =	vadd.s32 v10, v12;
	v4 =	vsel vm1, v11, v9;
	[tilespmem:s25+$0xFFFFFFF0] =	vst v60;
	v7 =	vsel vm2, v16, v5  }
0x1e5: {  	s8 =	simm.s32 $0x0;
	s11 =	sadd.s32 $0x80, s3;
	s12 =	simm.s32 $0xC0;
	[tilespmem:s7+$0xFFFFFFD0] =	vst v4;
	v6 =	vsel vm3, v60, v10;
	v5 =	vsel vm4, v61, v13;
	v4 =	vsel vm5, v63, v14  }
.LBB2_16:
0x1e6: {  	v8 =	vld [tilespmem:s12+$0x20];
	s14 =	sadd.s32 $0xFFFFFFF0, s11;
	v9 =	vmov s11;
	s8 =	sadd.s32 $0x8, s8;
	[tilespmem:s7+$0xFFFFFFE0] =	vst v7;
	v3 =	vsel vm0, v2, v3;
	s29 =	sadd.s32 $0x80, s29  }
0x1e7: {  	s13 =	sadd.s32 $0xFFFFFF90, s11;
	s30 =	sadd.s32 $0x80, s30;
	v7 =	vld [tilespmem:s29+$0x20];
	v10 =	vmov s14;
	v9 =	vshrl.u32 v9, $0x12;
	p0 =	slt.u32 s8, $0xF8;
	[tilespmem:s7+$0xFFFFFFF0] =	vst v6  }
0x1e8: {  	s15 =	sadd.s32 $0xFFFFFFA0, s11;
	s16 =	sadd.s32 $0xFFFFFFB0, s11;
	s18 =	sadd.s32 $0xFFFFFFC0, s11;
	v6 =	vmov s13;
	v11 =	vld [tilespmem:s30+$0x20];
	v10 =	vshrl.u32 v10, $0x12;
	v9 =	vmul.u32 $0x17C0000, v9;
	[tilespmem:s7+$0x0] =	vst v5  }
0x1e9: {  	s19 =	sadd.s32 $0xFFFFFFD0, s11;
	s20 =	sadd.s32 $0xFFFFFFE0, s11;
	v12 =	vmov s15;
	v13 =	vmov s16;
	v5 =	vld [tilespmem:s29+$0xFFFFFFC0];
	v10 =	vmul.u32 $0x17C0000, v10;
	[tilespmem:s7+$0x10] =	vst v4  }
0x1ea: {  	v14 =	vmov s18;
	v15 =	vmov s19;
	v16 =	vmov s20;
	v4 =	vld [tilespmem:s12+$0xFFFFFFD0]  }
0x1eb: {  	v6 =	vshrl.u32 v6, $0x12;
	v12 =	vshrl.u32 v12, $0x12;
	v17 =	vld [tilespmem:s29+$0xFFFFFFD0];
	v10 =	vadd.s32 s14, v10;
	[tilespmem:s25+$0x30] =	vst v2  }
0x1ec: {  	v8 =	vshll.u32 v8, $0x12;
	v2 =	vld [tilespmem:s12+$0xFFFFFFE0];
	v10 =	vadd.s32 v0, v10;
	v7 =	vshll.u32 v7, $0x12;
	[tilespmem:s7+$0x30] =	vst v3  }
0x1ed: {  	s25 =	sadd.s32 $0x80, s25;
	v3 =	vld [tilespmem:s29+$0xFFFFFFE0];
	v8 =	vadd.s32 v10, v8;
	v7 =	vadd.s32 v10, v7;
	vm0 =	veq.s32 v11, $0x0  }
0x1ee: {  	s7 =	sadd.s32 $0x80, s7;
	v10 =	vshrl.u32 v13, $0x12;
	v13 =	vshrl.u32 v14, $0x12;
	v11 =	vld [tilespmem:s12+$0xFFFFFFF0];
	v7 =	vsel vm0, v8, v7;
	[tilespmem:s25+$0x20] =	vst v8  }
0x1ef: {  	v6 =	vmul.u32 $0x17C0000, v6;
	v14 =	vshrl.u32 v15, $0x12;
	v15 =	vshrl.u32 v16, $0x12;
	v8 =	vld [tilespmem:s29+$0xFFFFFFF0];
	[tilespmem:s7+$0x20] =	vst v7  }
0x1f0: {  	v10 =	vmul.u32 $0x17C0000, v10;
	v7 =	vmul.u32 $0x17C0000, v12;
	v12 =	vmul.u32 $0x17C0000, v13;
	v13 =	vld [tilespmem:s12+$0x0]  }
0x1f1: {  	v6 =	vadd.s32 s13, v6;
	v14 =	vmul.u32 $0x17C0000, v14;
	v15 =	vmul.u32 $0x17C0000, v15;
	v16 =	vld [tilespmem:s29+$0x0]  }
0x1f2: {  	v10 =	vadd.s32 s16, v10;
	v7 =	vadd.s32 s15, v7;
	v12 =	vadd.s32 s18, v12;
	v18 =	vld [tilespmem:s12+$0x10]  }
0x1f3: {  	v9 =	vadd.s32 s11, v9;
	v14 =	vadd.s32 s19, v14;
	v15 =	vadd.s32 s20, v15;
	v19 =	vld [tilespmem:s29+$0x10]  }
0x1f4: {  	v6 =	vadd.s32 v0, v6;
	v10 =	vadd.s32 v0, v10;
	v7 =	vadd.s32 v0, v7;
	v20 =	vld [tilespmem:s12+$0x30]  }
0x1f5: {  	v14 =	vadd.s32 v0, v14;
	v15 =	vadd.s32 v0, v15;
	v12 =	vadd.s32 v0, v12;
	v21 =	vld [tilespmem:s29+$0x30]  }
0x1f6: {  	v5 =	vshll.u32 v5, $0x12;
	v4 =	vshll.u32 v4, $0x12;
	v17 =	vshll.u32 v17, $0x12;
	v22 =	vld [tilespmem:s12+$0xFFFFFFC0]  }
0x1f7: {  	v2 =	vshll.u32 v2, $0x12;
	v3 =	vshll.u32 v3, $0x12;
	v11 =	vshll.u32 v11, $0x12;
	v23 =	vld [tilespmem:s30+$0xFFFFFFC0]  }
0x1f8: {  	v8 =	vshll.u32 v8, $0x12;
	v13 =	vshll.u32 v13, $0x12;
	v16 =	vshll.u32 v16, $0x12;
	v24 =	vld [tilespmem:s30+$0xFFFFFFD0]  }
0x1f9: {  	v9 =	vadd.s32 v0, v9;
	v18 =	vshll.u32 v18, $0x12;
	v19 =	vshll.u32 v19, $0x12;
	v25 =	vld [tilespmem:s30+$0xFFFFFFE0]  }
0x1fa: {  	v5 =	vadd.s32 v6, v5;
	v20 =	vshll.u32 v20, $0x12;
	v26 =	vld [tilespmem:s30+$0xFFFFFFF0];
	v21 =	vshll.u32 v21, $0x12  }
0x1fb: {  	v4 =	vadd.s32 v7, v4;
	v7 =	vadd.s32 v7, v17;
	v22 =	vshll.u32 v22, $0x12;
	v17 =	vld [tilespmem:s30+$0x0]  }
0x1fc: {  	v6 =	vadd.s32 v6, v22;
	[tilespmem:s25+$0xFFFFFFD0] =	vst v4;
	v22 =	vadd.s32 v10, v2;
	v10 =	vadd.s32 v10, v3;
	v27 =	vld [tilespmem:s30+$0x10]  }
0x1fd: {  	v11 =	vadd.s32 v12, v11;
	v8 =	vadd.s32 v12, v8;
	v12 =	vadd.s32 v14, v13;
	[tilespmem:s25+$0xFFFFFFC0] =	vst v6;
	v13 =	vld [tilespmem:s30+$0x30]  }
0x1fe: {  	v14 =	vadd.s32 v14, v16;
	v16 =	vadd.s32 v15, v18;
	v15 =	vadd.s32 v15, v19;
	[tilespmem:s25+$0x0] =	vst v12  }
.Ltmp7:
0x1ff: {  	vm0 =	veq.s32 v23, $0x0;
	v2 =	vadd.s32 v9, v20;
	v3 =	vadd.s32 v9, v21;
	[tilespmem:s25+$0xFFFFFFE0] =	vst v22;
	(pc) =	sbr.rel @p0 .LBB2_16-.Ltmp7, $4  }
0x200: {  	vm1 =	veq.s32 v24, $0x0;
	vm2 =	veq.s32 v25, $0x0;
	vm3 =	veq.s32 v26, $0x0;
	[tilespmem:s25+$0x10] =	vst v16  }
0x201: {  	v5 =	vsel vm0, v6, v5;
	vm4 =	veq.s32 v17, $0x0;
	[tilespmem:s25+$0xFFFFFFF0] =	vst v11;
	vm5 =	veq.s32 v27, $0x0  }
0x202: {  	v4 =	vsel vm1, v4, v7;
	v7 =	vsel vm2, v22, v10;
	[tilespmem:s7+$0xFFFFFFC0] =	vst v5;
	vm0 =	veq.s32 v13, $0x0  }
0x203: {  	s11 =	sadd.s32 $0x80, s11;
	s12 =	sadd.s32 $0x80, s12;
	v6 =	vsel vm3, v11, v8;
	v5 =	vsel vm4, v12, v14;
	[tilespmem:s7+$0xFFFFFFD0] =	vst v4;
	v4 =	vsel vm5, v16, v15  }
0x204: {  	[tilespmem:s7+$0xFFFFFFE0] =	vst v7  }
0x205: {  	[tilespmem:s7+$0xFFFFFFF0] =	vst v6  }
0x206: {  	[tilespmem:s7+$0x0] =	vst v5  }
0x207: {  	[tilespmem:s7+$0x10] =	vst v4  }
0x208: {  	v3 =	vsel vm0, v2, v3;
	[tilespmem:s25+$0x30] =	vst v2  }
0x209: {  	[tilespmem:s7+$0x30] =	vst v3  }
0x20a: {  	s14 =	simm.s32 $0x0;
	s8 =	rddreg [dreg:$0x11]  }
0x20b: {  	[tilespmem:s10], [sflag:$0x2] =	stream.linear.gather [hbm4b:s8+s14], $0x1000, $0x38;
	[tilespmem:$0xE080] =	vst v63  }
0x20c: {  	s11 =	simm.s32 $0x3000;
	s15 =	rddreg [dreg:$0x12]  }
0x20d: {  	[tilespmem:s11], [sflag:$0x2] =	stream.linear.gather [hbm4b:s15+s14], $0x1000, $0x38;
	[tilespmem:$0xE080] =	vst v63  }
0x20e: {  	s18 =	simm.s32 $0x5000;
	s16 =	rddreg [dreg:$0x13]  }
0x20f: {  	[tilespmem:s18], [sflag:$0x2] =	stream.linear.gather [hbm4b:s16+s14], $0x1000, $0x38;
	[tilespmem:$0xE080] =	vst v63  }
0x210: {  	s19 =	simm.s32 $0x6000;
	s20 =	simm.s32 $0xA000  }
0x211: {  	[tilespmem:s20], [sflag:$0x3] =	stream.indirect.gather [hbm4b:s26+s10], $0x1, s19, s10, $0xb8;
	[tilespmem:$0xE080] =	vst v63  }
0x212: {  	s25 =	simm.s32 $0x8000;
	s29 =	simm.s32 $0xC000  }
0x213: {  	[tilespmem:s29], [sflag:$0x3] =	stream.indirect.gather [hbm4b:s26+s10], $0x1, s25, s10, $0xb8;
	[tilespmem:$0xE080] =	vst v63  }
0x214: {  	_ =	swait.ge [sflag:s24], $0x1000  }
0x215: {  	[sflag:s24] =	ssyncset.done $0x0  }
0x216: {  	[sflag:s24] =	ssyncadd.s32 $0xFFFFF000  }
0x217: {  	_ =	swait.ge [sflag:s24], $0x1000  }
0x218: {  	[sflag:s24] =	ssyncset.done $0x0  }
0x219: {  	s30 =	simm.s32 $0x0;
	[sflag:s24] =	ssyncadd.s32 $0xFFFFF000  }
0x21a: {  	v2 =	vld [tilespmem:s30+$0xB000]  }
0x21b: {  	s7 =	simm.s32 $0x40;
	v3 =	vld [tilespmem:s30+$0xD000]  }
.LBB2_18:
0x21c: {  	_ = 	snop  }
0x21d: {  	p0 =	sne.s32 s7, $0x3FC0  }
.Ltmp8:
0x21e: {  	_ = 	snop;
	(pc) =	sbr.rel @p0 .LBB2_18-.Ltmp8, $4  }
0x21f: {  	_ = 	snop  }
0x220: {  	s8 =	sshra.s32 s7, $0x2;
	v4 =	vsub.f32 v2, v3  }
0x221: {  	v2 =	vld [tilespmem:s8+$0xB000]  }
0x222: {  	s7 =	sadd.s32 $0x40, s7;
	v3 =	vld [tilespmem:s8+$0xD000];
	v1 =	vadd.f32 v4, v1  }
0x223: {  	_ =	swait.ge [sflag:s17], $0x1000  }
0x224: {  	[sflag:s17] =	ssyncset.done $0x0  }
0x225: {  	[sflag:s17] =	ssyncadd.s32 $0xFFFFF000  }
0x226: {  	_ =	swait.ge [sflag:s17], $0x1000  }
0x227: {  	[sflag:s17] =	ssyncset.done $0x0  }
0x228: {  	[sflag:s17] =	ssyncadd.s32 $0xFFFFF000  }
0x229: {  	_ =	swait.ge [sflag:s17], $0x1000  }
0x22a: {  	[sflag:s17] =	ssyncset.done $0x0  }
0x22b: {  	s7 =	simm.s32 $0x1040;
	v2 =	vsub.f32 v2, v3;
	[sflag:s17] =	ssyncadd.s32 $0xFFFFF000  }
0x22c: {  	s29 =	simm.s32 $0x3040;
	v3 =	vld [tilespmem:s7+$0x20]  }
0x22d: {  	s30 =	simm.s32 $0x5040;
	v1 =	vadd.f32 v2, v1;
	v2 =	vld [tilespmem:s29+$0x20]  }
0x22e: {  	v7 =	vld [tilespmem:s30+$0x20]  }
0x22f: {  	v8 =	vld [tilespmem:s29+$0xFFFFFFC0]  }
0x230: {  	v11 =	vld [tilespmem:s7+$0xFFFFFFD0]  }
0x231: {  	s8 =	sadd.s32 $0xFFFFFFF0, s4;
	v4 =	vmov s4;
	v15 =	vld [tilespmem:s29+$0xFFFFFFD0]  }
0x232: {  	s11 =	sadd.s32 $0xFFFFFF90, s4;
	s12 =	sadd.s32 $0xFFFFFFA0, s4;
	s13 =	sadd.s32 $0xFFFFFFB0, s4;
	v5 =	vmov s8;
	v4 =	vshrl.u32 v4, $0x12;
	v16 =	vld [tilespmem:s7+$0xFFFFFFE0]  }
0x233: {  	s14 =	sadd.s32 $0xFFFFFFC0, s4;
	s15 =	sadd.s32 $0xFFFFFFD0, s4;
	s16 =	sadd.s32 $0xFFFFFFE0, s4;
	v6 =	vmov s11;
	v9 =	vmov s12;
	v10 =	vmov s13;
	v17 =	vld [tilespmem:s29+$0xFFFFFFE0]  }
0x234: {  	v12 =	vmov s14;
	v13 =	vmov s15;
	v14 =	vmov s16;
	v56 =	vld [tilespmem:s29+$0xFFFFFFF0]  }
0x235: {  	v5 =	vshrl.u32 v5, $0x12;
	v4 =	vmul.u32 $0x17C0000, v4;
	v6 =	vshrl.u32 v6, $0x12;
	v18 =	vld [tilespmem:s7+$0x0]  }
0x236: {  	v9 =	vshrl.u32 v9, $0x12;
	v55 =	vshrl.u32 v12, $0x12;
	v13 =	vshrl.u32 v13, $0x12;
	v19 =	vld [tilespmem:s29+$0x0]  }
0x237: {  	v14 =	vshrl.u32 v14, $0x12;
	v5 =	vmul.u32 $0x17C0000, v5;
	v6 =	vmul.u32 $0x17C0000, v6;
	v20 =	vld [tilespmem:s7+$0x10]  }
0x238: {  	v9 =	vmul.u32 $0x17C0000, v9;
	v13 =	vmul.u32 $0x17C0000, v13;
	v14 =	vmul.u32 $0x17C0000, v14;
	v21 =	vld [tilespmem:s29+$0x10]  }
0x239: {  	v4 =	vadd.s32 s4, v4;
	v5 =	vadd.s32 s8, v5;
	v6 =	vadd.s32 s11, v6;
	v23 =	vld [tilespmem:s29+$0x30]  }
0x23a: {  	v9 =	vadd.s32 s12, v9;
	v13 =	vadd.s32 s15, v13;
	v14 =	vadd.s32 s16, v14;
	v26 =	vld [tilespmem:s30+$0xFFFFFFD0]  }
0x23b: {  	v4 =	vadd.s32 v0, v4;
	v5 =	vadd.s32 v0, v5;
	v6 =	vadd.s32 v0, v6;
	v27 =	vld [tilespmem:s30+$0xFFFFFFE0]  }
0x23c: {  	v9 =	vadd.s32 v0, v9;
	v13 =	vadd.s32 v0, v13;
	v14 =	vadd.s32 v0, v14;
	v28 =	vld [tilespmem:s30+$0xFFFFFFF0]  }
0x23d: {  	v58 =	vld [tilespmem:s30+$0x0];
	v3 =	vshll.u32 v3, $0x12;
	v2 =	vshll.u32 v2, $0x12;
	vm0 =	veq.s32 v7, $0x0  }
0x23e: {  	v59 =	vld [tilespmem:s30+$0x10];
	v8 =	vshll.u32 v8, $0x12;
	v11 =	vshll.u32 v11, $0x12;
	v15 =	vshll.u32 v15, $0x12  }
0x23f: {  	v16 =	vshll.u32 v16, $0x12;
	v17 =	vshll.u32 v17, $0x12;
	v12 =	vshll.u32 v56, $0x12  }
0x240: {  	v18 =	vshll.u32 v18, $0x12;
	v19 =	vshll.u32 v19, $0x12;
	v20 =	vshll.u32 v20, $0x12  }
0x241: {  	v22 =	vld [tilespmem:s7+$0x30];
	v21 =	vshll.u32 v21, $0x12;
	v57 =	vshll.u32 v23, $0x12;
	vm1 =	veq.s32 v26, $0x0  }
0x242: {  	v24 =	vld [tilespmem:s7+$0xFFFFFFC0];
	vm2 =	veq.s32 v27, $0x0;
	vm3 =	veq.s32 v28, $0x0;
	vm4 =	veq.s32 v58, $0x0  }
0x243: {  	v25 =	vld [tilespmem:s30+$0xFFFFFFC0];
	vm5 =	veq.s32 v59, $0x0;
	v3 =	vadd.s32 v5, v3;
	v2 =	vadd.s32 v5, v2  }
0x244: {  	s25 =	simm.s32 $0x7040;
	v5 =	vshrl.u32 v10, $0x12;
	v10 =	vmul.u32 $0x17C0000, v55;
	v8 =	vadd.s32 v6, v8  }
0x245: {  	v11 =	vadd.s32 v9, v11;
	v9 =	vadd.s32 v9, v15;
	v61 =	vadd.s32 v13, v18;
	[tilespmem:s25+$0x20] =	vst v3  }
0x246: {  	v7 =	vld [tilespmem:s7+$0xFFFFFFF0];
	v13 =	vadd.s32 v13, v19;
	v63 =	vadd.s32 v14, v20;
	v14 =	vadd.s32 v14, v21;
	[tilespmem:s25+$0xFFFFFFD0] =	vst v11  }
0x247: {  	v62 =	vld [tilespmem:s30+$0x30];
	s7 =	simm.s32 $0x9040;
	v2 =	vsel vm0, v3, v2;
	v5 =	vmul.u32 $0x17C0000, v5;
	v3 =	vshll.u32 v22, $0x12;
	[tilespmem:s25+$0x0] =	vst v61  }
0x248: {  	vm0 =	veq.s32 v25, $0x0;
	v10 =	vadd.s32 s14, v10;
	[tilespmem:s7+$0x20] =	vst v2;
	v2 =	vshll.u32 v24, $0x12  }
0x249: {  	[tilespmem:s25+$0x10] =	vst v63;
	v5 =	vadd.s32 s13, v5;
	v6 =	vadd.s32 v6, v2;
	v2 =	vadd.s32 v4, v3  }
0x24a: {  	v3 =	vadd.s32 v4, v57;
	v5 =	vadd.s32 v0, v5;
	[tilespmem:s25+$0xFFFFFFC0] =	vst v6;
	v4 =	vsel vm0, v6, v8  }
0x24b: {  	v10 =	vadd.s32 v0, v10;
	v7 =	vshll.u32 v7, $0x12;
	v16 =	vadd.s32 v5, v16;
	[tilespmem:s7+$0xFFFFFFC0] =	vst v4  }
0x24c: {  	vm0 =	veq.s32 v62, $0x0;
	v5 =	vadd.s32 v5, v17;
	v60 =	vadd.s32 v10, v7;
	[tilespmem:s25+$0xFFFFFFE0] =	vst v16  }
0x24d: {  	v10 =	vadd.s32 v10, v12;
	v4 =	vsel vm1, v11, v9;
	[tilespmem:s25+$0xFFFFFFF0] =	vst v60;
	v7 =	vsel vm2, v16, v5  }
0x24e: {  	s8 =	simm.s32 $0x0;
	s11 =	sadd.s32 $0x80, s4;
	s12 =	simm.s32 $0x10C0;
	[tilespmem:s7+$0xFFFFFFD0] =	vst v4;
	v6 =	vsel vm3, v60, v10;
	v5 =	vsel vm4, v61, v13;
	v4 =	vsel vm5, v63, v14  }
.LBB2_20:
0x24f: {  	v8 =	vld [tilespmem:s12+$0x20];
	s14 =	sadd.s32 $0xFFFFFFF0, s11;
	v9 =	vmov s11;
	s8 =	sadd.s32 $0x8, s8;
	[tilespmem:s7+$0xFFFFFFE0] =	vst v7;
	v3 =	vsel vm0, v2, v3;
	s29 =	sadd.s32 $0x80, s29  }
0x250: {  	s13 =	sadd.s32 $0xFFFFFF90, s11;
	s30 =	sadd.s32 $0x80, s30;
	v7 =	vld [tilespmem:s29+$0x20];
	v10 =	vmov s14;
	v9 =	vshrl.u32 v9, $0x12;
	p0 =	slt.u32 s8, $0xF8;
	[tilespmem:s7+$0xFFFFFFF0] =	vst v6  }
0x251: {  	s15 =	sadd.s32 $0xFFFFFFA0, s11;
	s16 =	sadd.s32 $0xFFFFFFB0, s11;
	s18 =	sadd.s32 $0xFFFFFFC0, s11;
	v6 =	vmov s13;
	v11 =	vld [tilespmem:s30+$0x20];
	v10 =	vshrl.u32 v10, $0x12;
	v9 =	vmul.u32 $0x17C0000, v9;
	[tilespmem:s7+$0x0] =	vst v5  }
0x252: {  	s19 =	sadd.s32 $0xFFFFFFD0, s11;
	s20 =	sadd.s32 $0xFFFFFFE0, s11;
	v12 =	vmov s15;
	v13 =	vmov s16;
	v5 =	vld [tilespmem:s29+$0xFFFFFFC0];
	v10 =	vmul.u32 $0x17C0000, v10;
	[tilespmem:s7+$0x10] =	vst v4  }
0x253: {  	v14 =	vmov s18;
	v15 =	vmov s19;
	v16 =	vmov s20;
	v4 =	vld [tilespmem:s12+$0xFFFFFFD0]  }
0x254: {  	v6 =	vshrl.u32 v6, $0x12;
	v12 =	vshrl.u32 v12, $0x12;
	v17 =	vld [tilespmem:s29+$0xFFFFFFD0];
	v10 =	vadd.s32 s14, v10;
	[tilespmem:s25+$0x30] =	vst v2  }
0x255: {  	v8 =	vshll.u32 v8, $0x12;
	v2 =	vld [tilespmem:s12+$0xFFFFFFE0];
	v10 =	vadd.s32 v0, v10;
	v7 =	vshll.u32 v7, $0x12;
	[tilespmem:s7+$0x30] =	vst v3  }
0x256: {  	s25 =	sadd.s32 $0x80, s25;
	v3 =	vld [tilespmem:s29+$0xFFFFFFE0];
	v8 =	vadd.s32 v10, v8;
	v7 =	vadd.s32 v10, v7;
	vm0 =	veq.s32 v11, $0x0  }
0x257: {  	s7 =	sadd.s32 $0x80, s7;
	v10 =	vshrl.u32 v13, $0x12;
	v13 =	vshrl.u32 v14, $0x12;
	v11 =	vld [tilespmem:s12+$0xFFFFFFF0];
	v7 =	vsel vm0, v8, v7;
	[tilespmem:s25+$0x20] =	vst v8  }
0x258: {  	v6 =	vmul.u32 $0x17C0000, v6;
	v14 =	vshrl.u32 v15, $0x12;
	v15 =	vshrl.u32 v16, $0x12;
	v8 =	vld [tilespmem:s29+$0xFFFFFFF0];
	[tilespmem:s7+$0x20] =	vst v7  }
0x259: {  	v10 =	vmul.u32 $0x17C0000, v10;
	v7 =	vmul.u32 $0x17C0000, v12;
	v12 =	vmul.u32 $0x17C0000, v13;
	v13 =	vld [tilespmem:s12+$0x0]  }
0x25a: {  	v6 =	vadd.s32 s13, v6;
	v14 =	vmul.u32 $0x17C0000, v14;
	v15 =	vmul.u32 $0x17C0000, v15;
	v16 =	vld [tilespmem:s29+$0x0]  }
0x25b: {  	v10 =	vadd.s32 s16, v10;
	v7 =	vadd.s32 s15, v7;
	v12 =	vadd.s32 s18, v12;
	v18 =	vld [tilespmem:s12+$0x10]  }
0x25c: {  	v9 =	vadd.s32 s11, v9;
	v14 =	vadd.s32 s19, v14;
	v15 =	vadd.s32 s20, v15;
	v19 =	vld [tilespmem:s29+$0x10]  }
0x25d: {  	v6 =	vadd.s32 v0, v6;
	v10 =	vadd.s32 v0, v10;
	v7 =	vadd.s32 v0, v7;
	v20 =	vld [tilespmem:s12+$0x30]  }
0x25e: {  	v14 =	vadd.s32 v0, v14;
	v15 =	vadd.s32 v0, v15;
	v12 =	vadd.s32 v0, v12;
	v21 =	vld [tilespmem:s29+$0x30]  }
0x25f: {  	v5 =	vshll.u32 v5, $0x12;
	v4 =	vshll.u32 v4, $0x12;
	v17 =	vshll.u32 v17, $0x12;
	v22 =	vld [tilespmem:s12+$0xFFFFFFC0]  }
0x260: {  	v2 =	vshll.u32 v2, $0x12;
	v3 =	vshll.u32 v3, $0x12;
	v11 =	vshll.u32 v11, $0x12;
	v23 =	vld [tilespmem:s30+$0xFFFFFFC0]  }
0x261: {  	v8 =	vshll.u32 v8, $0x12;
	v13 =	vshll.u32 v13, $0x12;
	v16 =	vshll.u32 v16, $0x12;
	v24 =	vld [tilespmem:s30+$0xFFFFFFD0]  }
0x262: {  	v9 =	vadd.s32 v0, v9;
	v18 =	vshll.u32 v18, $0x12;
	v19 =	vshll.u32 v19, $0x12;
	v25 =	vld [tilespmem:s30+$0xFFFFFFE0]  }
0x263: {  	v5 =	vadd.s32 v6, v5;
	v20 =	vshll.u32 v20, $0x12;
	v26 =	vld [tilespmem:s30+$0xFFFFFFF0];
	v21 =	vshll.u32 v21, $0x12  }
0x264: {  	v4 =	vadd.s32 v7, v4;
	v7 =	vadd.s32 v7, v17;
	v22 =	vshll.u32 v22, $0x12;
	v17 =	vld [tilespmem:s30+$0x0]  }
0x265: {  	v6 =	vadd.s32 v6, v22;
	[tilespmem:s25+$0xFFFFFFD0] =	vst v4;
	v22 =	vadd.s32 v10, v2;
	v10 =	vadd.s32 v10, v3;
	v27 =	vld [tilespmem:s30+$0x10]  }
0x266: {  	v11 =	vadd.s32 v12, v11;
	v8 =	vadd.s32 v12, v8;
	v12 =	vadd.s32 v14, v13;
	[tilespmem:s25+$0xFFFFFFC0] =	vst v6;
	v13 =	vld [tilespmem:s30+$0x30]  }
0x267: {  	v14 =	vadd.s32 v14, v16;
	v16 =	vadd.s32 v15, v18;
	v15 =	vadd.s32 v15, v19;
	[tilespmem:s25+$0x0] =	vst v12  }
.Ltmp9:
0x268: {  	vm0 =	veq.s32 v23, $0x0;
	v2 =	vadd.s32 v9, v20;
	v3 =	vadd.s32 v9, v21;
	[tilespmem:s25+$0xFFFFFFE0] =	vst v22;
	(pc) =	sbr.rel @p0 .LBB2_20-.Ltmp9, $4  }
0x269: {  	vm1 =	veq.s32 v24, $0x0;
	vm2 =	veq.s32 v25, $0x0;
	vm3 =	veq.s32 v26, $0x0;
	[tilespmem:s25+$0x10] =	vst v16  }
0x26a: {  	v5 =	vsel vm0, v6, v5;
	vm4 =	veq.s32 v17, $0x0;
	[tilespmem:s25+$0xFFFFFFF0] =	vst v11;
	vm5 =	veq.s32 v27, $0x0  }
0x26b: {  	v4 =	vsel vm1, v4, v7;
	v7 =	vsel vm2, v22, v10;
	[tilespmem:s7+$0xFFFFFFC0] =	vst v5;
	vm0 =	veq.s32 v13, $0x0  }
0x26c: {  	s11 =	sadd.s32 $0x80, s11;
	s12 =	sadd.s32 $0x80, s12;
	v6 =	vsel vm3, v11, v8;
	v5 =	vsel vm4, v12, v14;
	[tilespmem:s7+$0xFFFFFFD0] =	vst v4;
	v4 =	vsel vm5, v16, v15  }
0x26d: {  	[tilespmem:s7+$0xFFFFFFE0] =	vst v7  }
0x26e: {  	[tilespmem:s7+$0xFFFFFFF0] =	vst v6  }
0x26f: {  	[tilespmem:s7+$0x0] =	vst v5  }
0x270: {  	[tilespmem:s7+$0x10] =	vst v4  }
0x271: {  	v3 =	vsel vm0, v2, v3;
	[tilespmem:s25+$0x30] =	vst v2  }
0x272: {  	[tilespmem:s7+$0x30] =	vst v3  }
0x273: {  	s15 =	simm.s32 $0x0;
	s8 =	rddreg [dreg:$0x14]  }
0x274: {  	[tilespmem:s15], [sflag:$0x1] =	stream.linear.gather [hbm4b:s8+s15], $0x1000, $0x38;
	[tilespmem:$0xE080] =	vst v63  }
0x275: {  	s11 =	simm.s32 $0x2000;
	s16 =	rddreg [dreg:$0x15]  }
0x276: {  	[tilespmem:s11], [sflag:$0x1] =	stream.linear.gather [hbm4b:s16+s15], $0x1000, $0x38;
	[tilespmem:$0xE080] =	vst v63  }
0x277: {  	s19 =	simm.s32 $0x4000;
	s18 =	rddreg [dreg:$0x16]  }
0x278: {  	[tilespmem:s19], [sflag:$0x1] =	stream.linear.gather [hbm4b:s18+s15], $0x1000, $0x38;
	[tilespmem:$0xE080] =	vst v63  }
0x279: {  	s20 =	simm.s32 $0x7000;
	s25 =	simm.s32 $0xB000  }
0x27a: {  	[tilespmem:s25], [sflag:$0x4] =	stream.indirect.gather [hbm4b:s26+s10], $0x1, s20, s10, $0xb8;
	[tilespmem:$0xE080] =	vst v63  }
0x27b: {  	s29 =	simm.s32 $0x9000  }
0x27c: {  	[tilespmem:s21], [sflag:$0x4] =	stream.indirect.gather [hbm4b:s26+s10], $0x1, s29, s10, $0xb8;
	[tilespmem:$0xE080] =	vst v63  }
0x27d: {  	_ =	swait.ge [sflag:s23], $0x1000  }
0x27e: {  	[sflag:s23] =	ssyncset.done $0x0  }
0x27f: {  	[sflag:s23] =	ssyncadd.s32 $0xFFFFF000  }
0x280: {  	_ =	swait.ge [sflag:s23], $0x1000  }
0x281: {  	[sflag:s23] =	ssyncset.done $0x0  }
0x282: {  	s30 =	simm.s32 $0x0;
	[sflag:s23] =	ssyncadd.s32 $0xFFFFF000  }
0x283: {  	v2 =	vld [tilespmem:s30+$0xA000]  }
0x284: {  	s7 =	simm.s32 $0x40;
	v3 =	vld [tilespmem:s30+$0xC000]  }
.LBB2_22:
0x285: {  	_ = 	snop  }
0x286: {  	p0 =	sne.s32 s7, $0x3FC0  }
.Ltmp10:
0x287: {  	_ = 	snop;
	(pc) =	sbr.rel @p0 .LBB2_22-.Ltmp10, $4  }
0x288: {  	_ = 	snop  }
0x289: {  	s8 =	sshra.s32 s7, $0x2;
	v4 =	vsub.f32 v2, v3  }
0x28a: {  	v2 =	vld [tilespmem:s8+$0xA000]  }
0x28b: {  	s7 =	sadd.s32 $0x40, s7;
	v3 =	vld [tilespmem:s8+$0xC000];
	v1 =	vadd.f32 v4, v1  }
0x28c: {  	_ =	swait.ge [sflag:s9], $0x1000  }
0x28d: {  	[sflag:s9] =	ssyncset.done $0x0  }
0x28e: {  	[sflag:s9] =	ssyncadd.s32 $0xFFFFF000  }
0x28f: {  	_ =	swait.ge [sflag:s9], $0x1000  }
0x290: {  	[sflag:s9] =	ssyncset.done $0x0  }
0x291: {  	[sflag:s9] =	ssyncadd.s32 $0xFFFFF000  }
0x292: {  	_ =	swait.ge [sflag:s9], $0x1000  }
0x293: {  	[sflag:s9] =	ssyncset.done $0x0  }
0x294: {  	s7 =	simm.s32 $0x40;
	v2 =	vsub.f32 v2, v3;
	[sflag:s9] =	ssyncadd.s32 $0xFFFFF000  }
0x295: {  	s29 =	simm.s32 $0x2040;
	v3 =	vld [tilespmem:s7+$0x20]  }
0x296: {  	s30 =	simm.s32 $0x4040;
	v1 =	vadd.f32 v2, v1;
	v2 =	vld [tilespmem:s29+$0x20]  }
0x297: {  	v7 =	vld [tilespmem:s30+$0x20]  }
0x298: {  	v8 =	vld [tilespmem:s29+$0xFFFFFFC0]  }
0x299: {  	v11 =	vld [tilespmem:s7+$0xFFFFFFD0]  }
0x29a: {  	s8 =	sadd.s32 $0xFFFFFFF0, s5;
	v4 =	vmov s5;
	v15 =	vld [tilespmem:s29+$0xFFFFFFD0]  }
0x29b: {  	s11 =	sadd.s32 $0xFFFFFF90, s5;
	s12 =	sadd.s32 $0xFFFFFFA0, s5;
	s13 =	sadd.s32 $0xFFFFFFB0, s5;
	v5 =	vmov s8;
	v4 =	vshrl.u32 v4, $0x12;
	v16 =	vld [tilespmem:s7+$0xFFFFFFE0]  }
0x29c: {  	s14 =	sadd.s32 $0xFFFFFFC0, s5;
	s15 =	sadd.s32 $0xFFFFFFD0, s5;
	s16 =	sadd.s32 $0xFFFFFFE0, s5;
	v6 =	vmov s11;
	v9 =	vmov s12;
	v10 =	vmov s13;
	v17 =	vld [tilespmem:s29+$0xFFFFFFE0]  }
0x29d: {  	v12 =	vmov s14;
	v13 =	vmov s15;
	v14 =	vmov s16;
	v56 =	vld [tilespmem:s29+$0xFFFFFFF0]  }
0x29e: {  	v5 =	vshrl.u32 v5, $0x12;
	v4 =	vmul.u32 $0x17C0000, v4;
	v6 =	vshrl.u32 v6, $0x12;
	v18 =	vld [tilespmem:s7+$0x0]  }
0x29f: {  	v9 =	vshrl.u32 v9, $0x12;
	v55 =	vshrl.u32 v12, $0x12;
	v13 =	vshrl.u32 v13, $0x12;
	v19 =	vld [tilespmem:s29+$0x0]  }
0x2a0: {  	v14 =	vshrl.u32 v14, $0x12;
	v5 =	vmul.u32 $0x17C0000, v5;
	v6 =	vmul.u32 $0x17C0000, v6;
	v20 =	vld [tilespmem:s7+$0x10]  }
0x2a1: {  	v9 =	vmul.u32 $0x17C0000, v9;
	v13 =	vmul.u32 $0x17C0000, v13;
	v14 =	vmul.u32 $0x17C0000, v14;
	v21 =	vld [tilespmem:s29+$0x10]  }
0x2a2: {  	v4 =	vadd.s32 s5, v4;
	v5 =	vadd.s32 s8, v5;
	v6 =	vadd.s32 s11, v6;
	v23 =	vld [tilespmem:s29+$0x30]  }
0x2a3: {  	v9 =	vadd.s32 s12, v9;
	v13 =	vadd.s32 s15, v13;
	v14 =	vadd.s32 s16, v14;
	v26 =	vld [tilespmem:s30+$0xFFFFFFD0]  }
0x2a4: {  	v4 =	vadd.s32 v0, v4;
	v5 =	vadd.s32 v0, v5;
	v6 =	vadd.s32 v0, v6;
	v27 =	vld [tilespmem:s30+$0xFFFFFFE0]  }
0x2a5: {  	v9 =	vadd.s32 v0, v9;
	v13 =	vadd.s32 v0, v13;
	v14 =	vadd.s32 v0, v14;
	v28 =	vld [tilespmem:s30+$0xFFFFFFF0]  }
0x2a6: {  	v58 =	vld [tilespmem:s30+$0x0];
	v3 =	vshll.u32 v3, $0x12;
	v2 =	vshll.u32 v2, $0x12;
	vm0 =	veq.s32 v7, $0x0  }
0x2a7: {  	v59 =	vld [tilespmem:s30+$0x10];
	v8 =	vshll.u32 v8, $0x12;
	v11 =	vshll.u32 v11, $0x12;
	v15 =	vshll.u32 v15, $0x12  }
0x2a8: {  	v16 =	vshll.u32 v16, $0x12;
	v17 =	vshll.u32 v17, $0x12;
	v12 =	vshll.u32 v56, $0x12  }
0x2a9: {  	v18 =	vshll.u32 v18, $0x12;
	v19 =	vshll.u32 v19, $0x12;
	v20 =	vshll.u32 v20, $0x12  }
0x2aa: {  	v22 =	vld [tilespmem:s7+$0x30];
	v21 =	vshll.u32 v21, $0x12;
	v57 =	vshll.u32 v23, $0x12;
	vm1 =	veq.s32 v26, $0x0  }
0x2ab: {  	v24 =	vld [tilespmem:s7+$0xFFFFFFC0];
	vm2 =	veq.s32 v27, $0x0;
	vm3 =	veq.s32 v28, $0x0;
	vm4 =	veq.s32 v58, $0x0  }
0x2ac: {  	v25 =	vld [tilespmem:s30+$0xFFFFFFC0];
	vm5 =	veq.s32 v59, $0x0;
	v3 =	vadd.s32 v5, v3;
	v2 =	vadd.s32 v5, v2  }
0x2ad: {  	s25 =	simm.s32 $0x6040;
	v5 =	vshrl.u32 v10, $0x12;
	v10 =	vmul.u32 $0x17C0000, v55;
	v8 =	vadd.s32 v6, v8  }
0x2ae: {  	v11 =	vadd.s32 v9, v11;
	v9 =	vadd.s32 v9, v15;
	v61 =	vadd.s32 v13, v18;
	[tilespmem:s25+$0x20] =	vst v3  }
0x2af: {  	v7 =	vld [tilespmem:s7+$0xFFFFFFF0];
	v13 =	vadd.s32 v13, v19;
	v63 =	vadd.s32 v14, v20;
	v14 =	vadd.s32 v14, v21;
	[tilespmem:s25+$0xFFFFFFD0] =	vst v11  }
0x2b0: {  	v62 =	vld [tilespmem:s30+$0x30];
	s7 =	simm.s32 $0x8040;
	v2 =	vsel vm0, v3, v2;
	v5 =	vmul.u32 $0x17C0000, v5;
	v3 =	vshll.u32 v22, $0x12;
	[tilespmem:s25+$0x0] =	vst v61  }
0x2b1: {  	vm0 =	veq.s32 v25, $0x0;
	v10 =	vadd.s32 s14, v10;
	[tilespmem:s7+$0x20] =	vst v2;
	v2 =	vshll.u32 v24, $0x12  }
0x2b2: {  	[tilespmem:s25+$0x10] =	vst v63;
	v5 =	vadd.s32 s13, v5;
	v6 =	vadd.s32 v6, v2;
	v2 =	vadd.s32 v4, v3  }
0x2b3: {  	v3 =	vadd.s32 v4, v57;
	v5 =	vadd.s32 v0, v5;
	[tilespmem:s25+$0xFFFFFFC0] =	vst v6;
	v4 =	vsel vm0, v6, v8  }
0x2b4: {  	v10 =	vadd.s32 v0, v10;
	v7 =	vshll.u32 v7, $0x12;
	v16 =	vadd.s32 v5, v16;
	[tilespmem:s7+$0xFFFFFFC0] =	vst v4  }
0x2b5: {  	vm0 =	veq.s32 v62, $0x0;
	v5 =	vadd.s32 v5, v17;
	v60 =	vadd.s32 v10, v7;
	[tilespmem:s25+$0xFFFFFFE0] =	vst v16  }
0x2b6: {  	v10 =	vadd.s32 v10, v12;
	v4 =	vsel vm1, v11, v9;
	[tilespmem:s25+$0xFFFFFFF0] =	vst v60;
	v7 =	vsel vm2, v16, v5  }
0x2b7: {  	s8 =	simm.s32 $0x0;
	s11 =	sadd.s32 $0x80, s5;
	s12 =	simm.s32 $0xC0;
	[tilespmem:s7+$0xFFFFFFD0] =	vst v4;
	v6 =	vsel vm3, v60, v10;
	v5 =	vsel vm4, v61, v13;
	v4 =	vsel vm5, v63, v14  }
.LBB2_24:
0x2b8: {  	v8 =	vld [tilespmem:s12+$0x20];
	s14 =	sadd.s32 $0xFFFFFFF0, s11;
	v9 =	vmov s11;
	s8 =	sadd.s32 $0x8, s8;
	[tilespmem:s7+$0xFFFFFFE0] =	vst v7;
	v3 =	vsel vm0, v2, v3;
	s29 =	sadd.s32 $0x80, s29  }
0x2b9: {  	s13 =	sadd.s32 $0xFFFFFF90, s11;
	s30 =	sadd.s32 $0x80, s30;
	v7 =	vld [tilespmem:s29+$0x20];
	v10 =	vmov s14;
	v9 =	vshrl.u32 v9, $0x12;
	p0 =	slt.u32 s8, $0xF8;
	[tilespmem:s7+$0xFFFFFFF0] =	vst v6  }
0x2ba: {  	s15 =	sadd.s32 $0xFFFFFFA0, s11;
	s16 =	sadd.s32 $0xFFFFFFB0, s11;
	s18 =	sadd.s32 $0xFFFFFFC0, s11;
	v6 =	vmov s13;
	v11 =	vld [tilespmem:s30+$0x20];
	v10 =	vshrl.u32 v10, $0x12;
	v9 =	vmul.u32 $0x17C0000, v9;
	[tilespmem:s7+$0x0] =	vst v5  }
0x2bb: {  	s19 =	sadd.s32 $0xFFFFFFD0, s11;
	s20 =	sadd.s32 $0xFFFFFFE0, s11;
	v12 =	vmov s15;
	v13 =	vmov s16;
	v5 =	vld [tilespmem:s29+$0xFFFFFFC0];
	v10 =	vmul.u32 $0x17C0000, v10;
	[tilespmem:s7+$0x10] =	vst v4  }
0x2bc: {  	v14 =	vmov s18;
	v15 =	vmov s19;
	v16 =	vmov s20;
	v4 =	vld [tilespmem:s12+$0xFFFFFFD0]  }
0x2bd: {  	v6 =	vshrl.u32 v6, $0x12;
	v12 =	vshrl.u32 v12, $0x12;
	v17 =	vld [tilespmem:s29+$0xFFFFFFD0];
	v10 =	vadd.s32 s14, v10;
	[tilespmem:s25+$0x30] =	vst v2  }
0x2be: {  	v8 =	vshll.u32 v8, $0x12;
	v2 =	vld [tilespmem:s12+$0xFFFFFFE0];
	v10 =	vadd.s32 v0, v10;
	v7 =	vshll.u32 v7, $0x12;
	[tilespmem:s7+$0x30] =	vst v3  }
0x2bf: {  	s25 =	sadd.s32 $0x80, s25;
	v3 =	vld [tilespmem:s29+$0xFFFFFFE0];
	v8 =	vadd.s32 v10, v8;
	v7 =	vadd.s32 v10, v7;
	vm0 =	veq.s32 v11, $0x0  }
0x2c0: {  	s7 =	sadd.s32 $0x80, s7;
	v10 =	vshrl.u32 v13, $0x12;
	v13 =	vshrl.u32 v14, $0x12;
	v11 =	vld [tilespmem:s12+$0xFFFFFFF0];
	v7 =	vsel vm0, v8, v7;
	[tilespmem:s25+$0x20] =	vst v8  }
0x2c1: {  	v6 =	vmul.u32 $0x17C0000, v6;
	v14 =	vshrl.u32 v15, $0x12;
	v15 =	vshrl.u32 v16, $0x12;
	v8 =	vld [tilespmem:s29+$0xFFFFFFF0];
	[tilespmem:s7+$0x20] =	vst v7  }
0x2c2: {  	v10 =	vmul.u32 $0x17C0000, v10;
	v7 =	vmul.u32 $0x17C0000, v12;
	v12 =	vmul.u32 $0x17C0000, v13;
	v13 =	vld [tilespmem:s12+$0x0]  }
0x2c3: {  	v6 =	vadd.s32 s13, v6;
	v14 =	vmul.u32 $0x17C0000, v14;
	v15 =	vmul.u32 $0x17C0000, v15;
	v16 =	vld [tilespmem:s29+$0x0]  }
0x2c4: {  	v10 =	vadd.s32 s16, v10;
	v7 =	vadd.s32 s15, v7;
	v12 =	vadd.s32 s18, v12;
	v18 =	vld [tilespmem:s12+$0x10]  }
0x2c5: {  	v9 =	vadd.s32 s11, v9;
	v14 =	vadd.s32 s19, v14;
	v15 =	vadd.s32 s20, v15;
	v19 =	vld [tilespmem:s29+$0x10]  }
0x2c6: {  	v6 =	vadd.s32 v0, v6;
	v10 =	vadd.s32 v0, v10;
	v7 =	vadd.s32 v0, v7;
	v20 =	vld [tilespmem:s12+$0x30]  }
0x2c7: {  	v14 =	vadd.s32 v0, v14;
	v15 =	vadd.s32 v0, v15;
	v12 =	vadd.s32 v0, v12;
	v21 =	vld [tilespmem:s29+$0x30]  }
0x2c8: {  	v5 =	vshll.u32 v5, $0x12;
	v4 =	vshll.u32 v4, $0x12;
	v17 =	vshll.u32 v17, $0x12;
	v22 =	vld [tilespmem:s12+$0xFFFFFFC0]  }
0x2c9: {  	v2 =	vshll.u32 v2, $0x12;
	v3 =	vshll.u32 v3, $0x12;
	v11 =	vshll.u32 v11, $0x12;
	v23 =	vld [tilespmem:s30+$0xFFFFFFC0]  }
0x2ca: {  	v8 =	vshll.u32 v8, $0x12;
	v13 =	vshll.u32 v13, $0x12;
	v16 =	vshll.u32 v16, $0x12;
	v24 =	vld [tilespmem:s30+$0xFFFFFFD0]  }
0x2cb: {  	v9 =	vadd.s32 v0, v9;
	v18 =	vshll.u32 v18, $0x12;
	v19 =	vshll.u32 v19, $0x12;
	v25 =	vld [tilespmem:s30+$0xFFFFFFE0]  }
0x2cc: {  	v5 =	vadd.s32 v6, v5;
	v20 =	vshll.u32 v20, $0x12;
	v26 =	vld [tilespmem:s30+$0xFFFFFFF0];
	v21 =	vshll.u32 v21, $0x12  }
0x2cd: {  	v4 =	vadd.s32 v7, v4;
	v7 =	vadd.s32 v7, v17;
	v22 =	vshll.u32 v22, $0x12;
	v17 =	vld [tilespmem:s30+$0x0]  }
0x2ce: {  	v6 =	vadd.s32 v6, v22;
	[tilespmem:s25+$0xFFFFFFD0] =	vst v4;
	v22 =	vadd.s32 v10, v2;
	v10 =	vadd.s32 v10, v3;
	v27 =	vld [tilespmem:s30+$0x10]  }
0x2cf: {  	v11 =	vadd.s32 v12, v11;
	v8 =	vadd.s32 v12, v8;
	v12 =	vadd.s32 v14, v13;
	[tilespmem:s25+$0xFFFFFFC0] =	vst v6;
	v13 =	vld [tilespmem:s30+$0x30]  }
0x2d0: {  	v14 =	vadd.s32 v14, v16;
	v16 =	vadd.s32 v15, v18;
	v15 =	vadd.s32 v15, v19;
	[tilespmem:s25+$0x0] =	vst v12  }
.Ltmp11:
0x2d1: {  	vm0 =	veq.s32 v23, $0x0;
	v2 =	vadd.s32 v9, v20;
	v3 =	vadd.s32 v9, v21;
	[tilespmem:s25+$0xFFFFFFE0] =	vst v22;
	(pc) =	sbr.rel @p0 .LBB2_24-.Ltmp11, $4  }
0x2d2: {  	vm1 =	veq.s32 v24, $0x0;
	vm2 =	veq.s32 v25, $0x0;
	vm3 =	veq.s32 v26, $0x0;
	[tilespmem:s25+$0x10] =	vst v16  }
0x2d3: {  	v5 =	vsel vm0, v6, v5;
	vm4 =	veq.s32 v17, $0x0;
	[tilespmem:s25+$0xFFFFFFF0] =	vst v11;
	vm5 =	veq.s32 v27, $0x0  }
0x2d4: {  	v4 =	vsel vm1, v4, v7;
	v7 =	vsel vm2, v22, v10;
	[tilespmem:s7+$0xFFFFFFC0] =	vst v5;
	vm0 =	veq.s32 v13, $0x0  }
0x2d5: {  	s11 =	sadd.s32 $0x80, s11;
	s12 =	sadd.s32 $0x80, s12;
	v6 =	vsel vm3, v11, v8;
	v5 =	vsel vm4, v12, v14;
	[tilespmem:s7+$0xFFFFFFD0] =	vst v4;
	v4 =	vsel vm5, v16, v15  }
0x2d6: {  	[tilespmem:s7+$0xFFFFFFE0] =	vst v7  }
0x2d7: {  	[tilespmem:s7+$0xFFFFFFF0] =	vst v6  }
0x2d8: {  	[tilespmem:s7+$0x0] =	vst v5  }
0x2d9: {  	[tilespmem:s7+$0x10] =	vst v4  }
0x2da: {  	v3 =	vsel vm0, v2, v3;
	[tilespmem:s25+$0x30] =	vst v2  }
0x2db: {  	[tilespmem:s7+$0x30] =	vst v3  }
0x2dc: {  	s14 =	simm.s32 $0x0;
	s8 =	rddreg [dreg:$0x1a]  }
0x2dd: {  	[tilespmem:s10], [sflag:$0x2] =	stream.linear.gather [hbm4b:s8+s14], $0x1000, $0x38;
	[tilespmem:$0xE080] =	vst v63  }
0x2de: {  	s11 =	simm.s32 $0x3000;
	s15 =	rddreg [dreg:$0x1b]  }
0x2df: {  	[tilespmem:s11], [sflag:$0x2] =	stream.linear.gather [hbm4b:s15+s14], $0x1000, $0x38;
	[tilespmem:$0xE080] =	vst v63  }
0x2e0: {  	s18 =	simm.s32 $0x5000;
	s16 =	rddreg [dreg:$0x1c]  }
0x2e1: {  	[tilespmem:s18], [sflag:$0x2] =	stream.linear.gather [hbm4b:s16+s14], $0x1000, $0x38;
	[tilespmem:$0xE080] =	vst v63  }
0x2e2: {  	s19 =	simm.s32 $0x6000;
	s20 =	simm.s32 $0xA000  }
0x2e3: {  	[tilespmem:s20], [sflag:$0x3] =	stream.indirect.gather [hbm4b:s26+s10], $0x1, s19, s10, $0xb8;
	[tilespmem:$0xE080] =	vst v63  }
0x2e4: {  	s25 =	simm.s32 $0x8000;
	s29 =	simm.s32 $0xC000  }
0x2e5: {  	[tilespmem:s29], [sflag:$0x3] =	stream.indirect.gather [hbm4b:s26+s10], $0x1, s25, s10, $0xb8;
	[tilespmem:$0xE080] =	vst v63  }
0x2e6: {  	_ =	swait.ge [sflag:s24], $0x1000  }
0x2e7: {  	[sflag:s24] =	ssyncset.done $0x0  }
0x2e8: {  	[sflag:s24] =	ssyncadd.s32 $0xFFFFF000  }
0x2e9: {  	_ =	swait.ge [sflag:s24], $0x1000  }
0x2ea: {  	[sflag:s24] =	ssyncset.done $0x0  }
0x2eb: {  	s30 =	simm.s32 $0x0;
	[sflag:s24] =	ssyncadd.s32 $0xFFFFF000  }
0x2ec: {  	v2 =	vld [tilespmem:s30+$0xB000]  }
0x2ed: {  	s7 =	simm.s32 $0x40;
	v3 =	vld [tilespmem:s30+$0xD000]  }
.LBB2_26:
0x2ee: {  	_ = 	snop  }
0x2ef: {  	p0 =	sne.s32 s7, $0x3FC0  }
.Ltmp12:
0x2f0: {  	_ = 	snop;
	(pc) =	sbr.rel @p0 .LBB2_26-.Ltmp12, $4  }
0x2f1: {  	_ = 	snop  }
0x2f2: {  	s8 =	sshra.s32 s7, $0x2;
	v4 =	vsub.f32 v2, v3  }
0x2f3: {  	v2 =	vld [tilespmem:s8+$0xB000]  }
0x2f4: {  	s7 =	sadd.s32 $0x40, s7;
	v3 =	vld [tilespmem:s8+$0xD000];
	v1 =	vadd.f32 v4, v1  }
0x2f5: {  	_ =	swait.ge [sflag:s17], $0x1000  }
0x2f6: {  	[sflag:s17] =	ssyncset.done $0x0  }
0x2f7: {  	[sflag:s17] =	ssyncadd.s32 $0xFFFFF000  }
0x2f8: {  	_ =	swait.ge [sflag:s17], $0x1000  }
0x2f9: {  	[sflag:s17] =	ssyncset.done $0x0  }
0x2fa: {  	[sflag:s17] =	ssyncadd.s32 $0xFFFFF000  }
0x2fb: {  	_ =	swait.ge [sflag:s17], $0x1000  }
0x2fc: {  	[sflag:s17] =	ssyncset.done $0x0  }
0x2fd: {  	s7 =	simm.s32 $0x1040;
	v2 =	vsub.f32 v2, v3;
	[sflag:s17] =	ssyncadd.s32 $0xFFFFF000  }
0x2fe: {  	s29 =	simm.s32 $0x3040;
	v3 =	vld [tilespmem:s7+$0x20]  }
0x2ff: {  	s30 =	simm.s32 $0x5040;
	v1 =	vadd.f32 v2, v1;
	v2 =	vld [tilespmem:s29+$0x20]  }
0x300: {  	v7 =	vld [tilespmem:s30+$0x20]  }
0x301: {  	v8 =	vld [tilespmem:s29+$0xFFFFFFC0]  }
0x302: {  	v11 =	vld [tilespmem:s7+$0xFFFFFFD0]  }
0x303: {  	s8 =	sadd.s32 $0xFFFFFFF0, s6;
	v4 =	vmov s6;
	v15 =	vld [tilespmem:s29+$0xFFFFFFD0]  }
0x304: {  	s11 =	sadd.s32 $0xFFFFFF90, s6;
	s12 =	sadd.s32 $0xFFFFFFA0, s6;
	s13 =	sadd.s32 $0xFFFFFFB0, s6;
	v5 =	vmov s8;
	v4 =	vshrl.u32 v4, $0x12;
	v16 =	vld [tilespmem:s7+$0xFFFFFFE0]  }
0x305: {  	s14 =	sadd.s32 $0xFFFFFFC0, s6;
	s15 =	sadd.s32 $0xFFFFFFD0, s6;
	s16 =	sadd.s32 $0xFFFFFFE0, s6;
	v6 =	vmov s11;
	v9 =	vmov s12;
	v10 =	vmov s13;
	v17 =	vld [tilespmem:s29+$0xFFFFFFE0]  }
0x306: {  	v12 =	vmov s14;
	v13 =	vmov s15;
	v14 =	vmov s16;
	v56 =	vld [tilespmem:s29+$0xFFFFFFF0]  }
0x307: {  	v5 =	vshrl.u32 v5, $0x12;
	v4 =	vmul.u32 $0x17C0000, v4;
	v6 =	vshrl.u32 v6, $0x12;
	v18 =	vld [tilespmem:s7+$0x0]  }
0x308: {  	v9 =	vshrl.u32 v9, $0x12;
	v55 =	vshrl.u32 v12, $0x12;
	v13 =	vshrl.u32 v13, $0x12;
	v19 =	vld [tilespmem:s29+$0x0]  }
0x309: {  	v14 =	vshrl.u32 v14, $0x12;
	v5 =	vmul.u32 $0x17C0000, v5;
	v6 =	vmul.u32 $0x17C0000, v6;
	v20 =	vld [tilespmem:s7+$0x10]  }
0x30a: {  	v9 =	vmul.u32 $0x17C0000, v9;
	v13 =	vmul.u32 $0x17C0000, v13;
	v14 =	vmul.u32 $0x17C0000, v14;
	v21 =	vld [tilespmem:s29+$0x10]  }
0x30b: {  	v4 =	vadd.s32 s6, v4;
	v5 =	vadd.s32 s8, v5;
	v6 =	vadd.s32 s11, v6;
	v23 =	vld [tilespmem:s29+$0x30]  }
0x30c: {  	v9 =	vadd.s32 s12, v9;
	v13 =	vadd.s32 s15, v13;
	v14 =	vadd.s32 s16, v14;
	v26 =	vld [tilespmem:s30+$0xFFFFFFD0]  }
0x30d: {  	v4 =	vadd.s32 v0, v4;
	v5 =	vadd.s32 v0, v5;
	v6 =	vadd.s32 v0, v6;
	v27 =	vld [tilespmem:s30+$0xFFFFFFE0]  }
0x30e: {  	v9 =	vadd.s32 v0, v9;
	v13 =	vadd.s32 v0, v13;
	v14 =	vadd.s32 v0, v14;
	v28 =	vld [tilespmem:s30+$0xFFFFFFF0]  }
0x30f: {  	v58 =	vld [tilespmem:s30+$0x0];
	v3 =	vshll.u32 v3, $0x12;
	v2 =	vshll.u32 v2, $0x12;
	vm0 =	veq.s32 v7, $0x0  }
0x310: {  	v59 =	vld [tilespmem:s30+$0x10];
	v8 =	vshll.u32 v8, $0x12;
	v11 =	vshll.u32 v11, $0x12;
	v15 =	vshll.u32 v15, $0x12  }
0x311: {  	v16 =	vshll.u32 v16, $0x12;
	v17 =	vshll.u32 v17, $0x12;
	v12 =	vshll.u32 v56, $0x12  }
0x312: {  	v18 =	vshll.u32 v18, $0x12;
	v19 =	vshll.u32 v19, $0x12;
	v20 =	vshll.u32 v20, $0x12  }
0x313: {  	v22 =	vld [tilespmem:s7+$0x30];
	v21 =	vshll.u32 v21, $0x12;
	v57 =	vshll.u32 v23, $0x12;
	vm1 =	veq.s32 v26, $0x0  }
0x314: {  	v24 =	vld [tilespmem:s7+$0xFFFFFFC0];
	vm2 =	veq.s32 v27, $0x0;
	vm3 =	veq.s32 v28, $0x0;
	vm4 =	veq.s32 v58, $0x0  }
0x315: {  	v25 =	vld [tilespmem:s30+$0xFFFFFFC0];
	vm5 =	veq.s32 v59, $0x0;
	v3 =	vadd.s32 v5, v3;
	v2 =	vadd.s32 v5, v2  }
0x316: {  	s25 =	simm.s32 $0x7040;
	v5 =	vshrl.u32 v10, $0x12;
	v10 =	vmul.u32 $0x17C0000, v55;
	v8 =	vadd.s32 v6, v8  }
0x317: {  	v11 =	vadd.s32 v9, v11;
	v9 =	vadd.s32 v9, v15;
	v61 =	vadd.s32 v13, v18;
	[tilespmem:s25+$0x20] =	vst v3  }
0x318: {  	v7 =	vld [tilespmem:s7+$0xFFFFFFF0];
	v13 =	vadd.s32 v13, v19;
	v63 =	vadd.s32 v14, v20;
	v14 =	vadd.s32 v14, v21;
	[tilespmem:s25+$0xFFFFFFD0] =	vst v11  }
0x319: {  	v62 =	vld [tilespmem:s30+$0x30];
	s7 =	simm.s32 $0x9040;
	v2 =	vsel vm0, v3, v2;
	v5 =	vmul.u32 $0x17C0000, v5;
	v3 =	vshll.u32 v22, $0x12;
	[tilespmem:s25+$0x0] =	vst v61  }
0x31a: {  	vm0 =	veq.s32 v25, $0x0;
	v10 =	vadd.s32 s14, v10;
	[tilespmem:s7+$0x20] =	vst v2;
	v2 =	vshll.u32 v24, $0x12  }
0x31b: {  	[tilespmem:s25+$0x10] =	vst v63;
	v5 =	vadd.s32 s13, v5;
	v6 =	vadd.s32 v6, v2;
	v2 =	vadd.s32 v4, v3  }
0x31c: {  	v3 =	vadd.s32 v4, v57;
	v5 =	vadd.s32 v0, v5;
	[tilespmem:s25+$0xFFFFFFC0] =	vst v6;
	v4 =	vsel vm0, v6, v8  }
0x31d: {  	v10 =	vadd.s32 v0, v10;
	v7 =	vshll.u32 v7, $0x12;
	v16 =	vadd.s32 v5, v16;
	[tilespmem:s7+$0xFFFFFFC0] =	vst v4  }
0x31e: {  	vm0 =	veq.s32 v62, $0x0;
	v5 =	vadd.s32 v5, v17;
	v60 =	vadd.s32 v10, v7;
	[tilespmem:s25+$0xFFFFFFE0] =	vst v16  }
0x31f: {  	v10 =	vadd.s32 v10, v12;
	v4 =	vsel vm1, v11, v9;
	[tilespmem:s25+$0xFFFFFFF0] =	vst v60;
	v7 =	vsel vm2, v16, v5  }
0x320: {  	s8 =	simm.s32 $0x0;
	s11 =	sadd.s32 $0x80, s6;
	s12 =	simm.s32 $0x10C0;
	[tilespmem:s7+$0xFFFFFFD0] =	vst v4;
	v6 =	vsel vm3, v60, v10;
	v5 =	vsel vm4, v61, v13;
	v4 =	vsel vm5, v63, v14  }
.LBB2_28:
0x321: {  	v8 =	vld [tilespmem:s12+$0x20];
	s14 =	sadd.s32 $0xFFFFFFF0, s11;
	v9 =	vmov s11;
	s8 =	sadd.s32 $0x8, s8;
	[tilespmem:s7+$0xFFFFFFE0] =	vst v7;
	v3 =	vsel vm0, v2, v3;
	s29 =	sadd.s32 $0x80, s29  }
0x322: {  	s13 =	sadd.s32 $0xFFFFFF90, s11;
	s30 =	sadd.s32 $0x80, s30;
	v7 =	vld [tilespmem:s29+$0x20];
	v10 =	vmov s14;
	v9 =	vshrl.u32 v9, $0x12;
	p0 =	slt.u32 s8, $0xF8;
	[tilespmem:s7+$0xFFFFFFF0] =	vst v6  }
0x323: {  	s15 =	sadd.s32 $0xFFFFFFA0, s11;
	s16 =	sadd.s32 $0xFFFFFFB0, s11;
	s18 =	sadd.s32 $0xFFFFFFC0, s11;
	v6 =	vmov s13;
	v11 =	vld [tilespmem:s30+$0x20];
	v10 =	vshrl.u32 v10, $0x12;
	v9 =	vmul.u32 $0x17C0000, v9;
	[tilespmem:s7+$0x0] =	vst v5  }
0x324: {  	s19 =	sadd.s32 $0xFFFFFFD0, s11;
	s20 =	sadd.s32 $0xFFFFFFE0, s11;
	v12 =	vmov s15;
	v13 =	vmov s16;
	v5 =	vld [tilespmem:s29+$0xFFFFFFC0];
	v10 =	vmul.u32 $0x17C0000, v10;
	[tilespmem:s7+$0x10] =	vst v4  }
0x325: {  	v14 =	vmov s18;
	v15 =	vmov s19;
	v16 =	vmov s20;
	v4 =	vld [tilespmem:s12+$0xFFFFFFD0]  }
0x326: {  	v6 =	vshrl.u32 v6, $0x12;
	v12 =	vshrl.u32 v12, $0x12;
	v17 =	vld [tilespmem:s29+$0xFFFFFFD0];
	v10 =	vadd.s32 s14, v10;
	[tilespmem:s25+$0x30] =	vst v2  }
0x327: {  	v8 =	vshll.u32 v8, $0x12;
	v2 =	vld [tilespmem:s12+$0xFFFFFFE0];
	v10 =	vadd.s32 v0, v10;
	v7 =	vshll.u32 v7, $0x12;
	[tilespmem:s7+$0x30] =	vst v3  }
0x328: {  	s25 =	sadd.s32 $0x80, s25;
	v3 =	vld [tilespmem:s29+$0xFFFFFFE0];
	v8 =	vadd.s32 v10, v8;
	v7 =	vadd.s32 v10, v7;
	vm0 =	veq.s32 v11, $0x0  }
0x329: {  	s7 =	sadd.s32 $0x80, s7;
	v10 =	vshrl.u32 v13, $0x12;
	v13 =	vshrl.u32 v14, $0x12;
	v11 =	vld [tilespmem:s12+$0xFFFFFFF0];
	v7 =	vsel vm0, v8, v7;
	[tilespmem:s25+$0x20] =	vst v8  }
0x32a: {  	v6 =	vmul.u32 $0x17C0000, v6;
	v14 =	vshrl.u32 v15, $0x12;
	v15 =	vshrl.u32 v16, $0x12;
	v8 =	vld [tilespmem:s29+$0xFFFFFFF0];
	[tilespmem:s7+$0x20] =	vst v7  }
0x32b: {  	v10 =	vmul.u32 $0x17C0000, v10;
	v7 =	vmul.u32 $0x17C0000, v12;
	v12 =	vmul.u32 $0x17C0000, v13;
	v13 =	vld [tilespmem:s12+$0x0]  }
0x32c: {  	v6 =	vadd.s32 s13, v6;
	v14 =	vmul.u32 $0x17C0000, v14;
	v15 =	vmul.u32 $0x17C0000, v15;
	v16 =	vld [tilespmem:s29+$0x0]  }
0x32d: {  	v10 =	vadd.s32 s16, v10;
	v7 =	vadd.s32 s15, v7;
	v12 =	vadd.s32 s18, v12;
	v18 =	vld [tilespmem:s12+$0x10]  }
0x32e: {  	v9 =	vadd.s32 s11, v9;
	v14 =	vadd.s32 s19, v14;
	v15 =	vadd.s32 s20, v15;
	v19 =	vld [tilespmem:s29+$0x10]  }
0x32f: {  	v6 =	vadd.s32 v0, v6;
	v10 =	vadd.s32 v0, v10;
	v7 =	vadd.s32 v0, v7;
	v20 =	vld [tilespmem:s12+$0x30]  }
0x330: {  	v14 =	vadd.s32 v0, v14;
	v15 =	vadd.s32 v0, v15;
	v12 =	vadd.s32 v0, v12;
	v21 =	vld [tilespmem:s29+$0x30]  }
0x331: {  	v5 =	vshll.u32 v5, $0x12;
	v4 =	vshll.u32 v4, $0x12;
	v17 =	vshll.u32 v17, $0x12;
	v22 =	vld [tilespmem:s12+$0xFFFFFFC0]  }
0x332: {  	v2 =	vshll.u32 v2, $0x12;
	v3 =	vshll.u32 v3, $0x12;
	v11 =	vshll.u32 v11, $0x12;
	v23 =	vld [tilespmem:s30+$0xFFFFFFC0]  }
0x333: {  	v8 =	vshll.u32 v8, $0x12;
	v13 =	vshll.u32 v13, $0x12;
	v16 =	vshll.u32 v16, $0x12;
	v24 =	vld [tilespmem:s30+$0xFFFFFFD0]  }
0x334: {  	v9 =	vadd.s32 v0, v9;
	v18 =	vshll.u32 v18, $0x12;
	v19 =	vshll.u32 v19, $0x12;
	v25 =	vld [tilespmem:s30+$0xFFFFFFE0]  }
0x335: {  	v5 =	vadd.s32 v6, v5;
	v20 =	vshll.u32 v20, $0x12;
	v26 =	vld [tilespmem:s30+$0xFFFFFFF0];
	v21 =	vshll.u32 v21, $0x12  }
0x336: {  	v4 =	vadd.s32 v7, v4;
	v7 =	vadd.s32 v7, v17;
	v22 =	vshll.u32 v22, $0x12;
	v17 =	vld [tilespmem:s30+$0x0]  }
0x337: {  	v6 =	vadd.s32 v6, v22;
	[tilespmem:s25+$0xFFFFFFD0] =	vst v4;
	v22 =	vadd.s32 v10, v2;
	v10 =	vadd.s32 v10, v3;
	v27 =	vld [tilespmem:s30+$0x10]  }
0x338: {  	v11 =	vadd.s32 v12, v11;
	v8 =	vadd.s32 v12, v8;
	v12 =	vadd.s32 v14, v13;
	[tilespmem:s25+$0xFFFFFFC0] =	vst v6;
	v13 =	vld [tilespmem:s30+$0x30]  }
0x339: {  	v14 =	vadd.s32 v14, v16;
	v16 =	vadd.s32 v15, v18;
	v15 =	vadd.s32 v15, v19;
	[tilespmem:s25+$0x0] =	vst v12  }
.Ltmp13:
0x33a: {  	vm0 =	veq.s32 v23, $0x0;
	v2 =	vadd.s32 v9, v20;
	v3 =	vadd.s32 v9, v21;
	[tilespmem:s25+$0xFFFFFFE0] =	vst v22;
	(pc) =	sbr.rel @p0 .LBB2_28-.Ltmp13, $4  }
0x33b: {  	vm1 =	veq.s32 v24, $0x0;
	vm2 =	veq.s32 v25, $0x0;
	vm3 =	veq.s32 v26, $0x0;
	[tilespmem:s25+$0x10] =	vst v16  }
0x33c: {  	v5 =	vsel vm0, v6, v5;
	vm4 =	veq.s32 v17, $0x0;
	[tilespmem:s25+$0xFFFFFFF0] =	vst v11;
	vm5 =	veq.s32 v27, $0x0  }
0x33d: {  	v4 =	vsel vm1, v4, v7;
	v7 =	vsel vm2, v22, v10;
	[tilespmem:s7+$0xFFFFFFC0] =	vst v5;
	vm0 =	veq.s32 v13, $0x0  }
0x33e: {  	s11 =	sadd.s32 $0x80, s11;
	s12 =	sadd.s32 $0x80, s12;
	v6 =	vsel vm3, v11, v8;
	v5 =	vsel vm4, v12, v14;
	[tilespmem:s7+$0xFFFFFFD0] =	vst v4;
	v4 =	vsel vm5, v16, v15  }
0x33f: {  	[tilespmem:s7+$0xFFFFFFE0] =	vst v7  }
0x340: {  	[tilespmem:s7+$0xFFFFFFF0] =	vst v6  }
0x341: {  	[tilespmem:s7+$0x0] =	vst v5  }
0x342: {  	[tilespmem:s7+$0x10] =	vst v4  }
0x343: {  	v3 =	vsel vm0, v2, v3;
	[tilespmem:s25+$0x30] =	vst v2  }
0x344: {  	s25 =	simm.s32 $0x7000;
	s8 =	simm.s32 $0xB000;
	[tilespmem:s7+$0x30] =	vst v3  }
0x345: {  	[tilespmem:s8], [sflag:$0x4] =	stream.indirect.gather [hbm4b:s26+s10], $0x1, s25, s10, $0xb8;
	[tilespmem:$0xE080] =	vst v63  }
0x346: {  	s29 =	simm.s32 $0x9000  }
0x347: {  	[tilespmem:s21], [sflag:$0x4] =	stream.indirect.gather [hbm4b:s26+s10], $0x1, s29, s10, $0xb8;
	[tilespmem:$0xE080] =	vst v63  }
0x348: {  	_ =	swait.ge [sflag:s23], $0x1000  }
0x349: {  	[sflag:s23] =	ssyncset.done $0x0  }
0x34a: {  	[sflag:s23] =	ssyncadd.s32 $0xFFFFF000  }
0x34b: {  	_ =	swait.ge [sflag:s23], $0x1000  }
0x34c: {  	[sflag:s23] =	ssyncset.done $0x0  }
0x34d: {  	s30 =	simm.s32 $0x0;
	[sflag:s23] =	ssyncadd.s32 $0xFFFFF000  }
0x34e: {  	v2 =	vld [tilespmem:s30+$0xA000]  }
0x34f: {  	s7 =	simm.s32 $0x40;
	v3 =	vld [tilespmem:s30+$0xC000]  }
.LBB2_30:
0x350: {  	_ = 	snop  }
0x351: {  	p0 =	sne.s32 s7, $0x3FC0  }
.Ltmp14:
0x352: {  	_ = 	snop;
	(pc) =	sbr.rel @p0 .LBB2_30-.Ltmp14, $4  }
0x353: {  	_ = 	snop  }
0x354: {  	s8 =	sshra.s32 s7, $0x2;
	v4 =	vsub.f32 v2, v3  }
0x355: {  	v2 =	vld [tilespmem:s8+$0xA000]  }
0x356: {  	s7 =	sadd.s32 $0x40, s7;
	v3 =	vld [tilespmem:s8+$0xC000];
	v1 =	vadd.f32 v4, v1  }
0x357: {  	_ =	swait.ge [sflag:s24], $0x1000  }
0x358: {  	[sflag:s24] =	ssyncset.done $0x0  }
0x359: {  	[sflag:s24] =	ssyncadd.s32 $0xFFFFF000  }
0x35a: {  	_ =	swait.ge [sflag:s24], $0x1000  }
0x35b: {  	[sflag:s24] =	ssyncset.done $0x0  }
0x35c: {  	s8 =	simm.s32 $0x0;
	v3 =	vsub.f32 v2, v3;
	[sflag:s24] =	ssyncadd.s32 $0xFFFFF000  }
0x35d: {  	v2 =	vld [tilespmem:s8+$0xB000]  }
0x35e: {  	s7 =	simm.s32 $0x40;
	v1 =	vadd.f32 v3, v1;
	v3 =	vld [tilespmem:s8+$0xD000]  }
.LBB2_32:
0x35f: {  	_ = 	snop  }
0x360: {  	p0 =	sne.s32 s7, $0x3FC0  }
.Ltmp15:
0x361: {  	_ = 	snop;
	(pc) =	sbr.rel @p0 .LBB2_32-.Ltmp15, $4  }
0x362: {  	_ = 	snop  }
0x363: {  	s8 =	sshra.s32 s7, $0x2;
	v4 =	vsub.f32 v2, v3  }
0x364: {  	v2 =	vld [tilespmem:s8+$0xB000]  }
0x365: {  	s7 =	sadd.s32 $0x40, s7;
	v3 =	vld [tilespmem:s8+$0xD000];
	v1 =	vadd.f32 v4, v1  }
0x366: {  	_ =	sdelay $0x3  }
0x367: {  	v2 =	vsub.f32 v2, v3;
	_ =	sdelay $0x1  }
0x368: {  	v1 =	vadd.f32 v2, v1;
	_ =	sdelay $0x1  }
0x369: {  	s7 =	rddreg [dreg:$0x1d];
	s8 =	simm.s32 $0xE000;
	s29 =	simm.s32 $0x5;
	[tilespmem:$0xE000] =	vst v1  }
0x36a: {  	[hbm4b:s7+s1] =	stream.linear.scatter [tilespmem:s8], [sflag:$0x5], $0x80, $0x38;
	[tilespmem:$0xE080] =	vst v63  }
0x36b: {  	_ =	swait.ge [sflag:s29], $0x80  }
0x36c: {  	s28 =	sadd.s32 $0x1, s28;
	s30 =	rddreg [dreg:$0x1e]  }
0x36d: {  	p0 =	sne.s32 s28, s30  }
.Ltmp16:
0x36e: {  	_ = 	snop;
	(pc) =	sbr.rel @p0 .LBB2_1-.Ltmp16, $3  }
0x36f: {  	_ =	sdelay $0x1  }
0x370: {  	[sflag:s29] =	ssyncset.done $0x0  }
0x371: {  	[sflag:s29] =	ssyncadd.s32 $0xFFFFFF80  }
0x372: {  	_ =	sfence.sel $0x180000  }
0x373: {  	[bflag:$0x0] =	sbarrier.arrive $0xFFFF  }
0x374: {  	_ =	strace $0x90000047  }
0x375: {  	s0 =	stileid.u32;
	[bflag:$0x2] =	sbarrier.arrive $0xFFFF  }
0x376: {  	p0 =	sne.s32 s0, $0x0;
	s0 =	rddreg [dreg:$0x4]  }
0x377: {  	s0 =	sadd.s32 @!p0 $0x100000, s0  }
0x378: {  	[sflag:s0] =	ssyncadd.tile.s32 @!p0 $0x1;
	_ =	shalt  }
.Lfunc_end2:
_tile_overlayer_lowered:
.L_overlay_start_2:
0x379: {  	(tag) =	ssettag $0x2  }
0x37a: {  	s0 =	rddreg [dreg:$0x0];
	s2 =	stileid.u32  }
0x37b: {  	s1 =	rddreg [dreg:$0x1];
	p0 =	sne.s32 s2, $0x0  }
0x37c: {  	s3 =	rddreg [dreg:$0x2];
	[bflag:$0x3] =	sbarrier.arrive $0xFFFF;
	s2 =	simm.s32 @!p0 $0x1C05  }
0x37d: {  	[timem:s3], [sflag:s2] =	dma.local @!p0 [hbm:s0], s1  }
0x37e: {  	s0 =	simm.s32 @!p0 $0x5  }
0x37f: {  	_ =	swait.ge @!p0 [sflag:s0], s1  }
0x380: {  	s1 =	ssub.s32 @!p0 $0x0, s1;
	[sflag:s0] =	ssyncset.done @!p0 $0x0  }
0x381: {  	[sflag:s0] =	ssyncadd.s32 @!p0 s1  }
0x382: {  	[bflag:$0x3] =	sbarrier.arrive $0xFFFF  }
0x383: {  	_ =	shalt  }

</sc_bundles>
